<compile_context>
chip_gen: v7x
topology: tpu7x:2x2x1
jax: 0.10.2.dev20260603
libtpu: 0.0.44.dev20260713+nightly
codegen_flags: <defaults>
</compile_context>

<pallas_src>
import functools

import jax
import jax.numpy as jnp
from jax import lax
from jax.experimental import pallas as pl
from jax.experimental.pallas import tpu as pltpu
from jax.experimental.pallas import tpu_sc as plsc

ALPHA = 0.2
NREL = 500
N_NODES = 10000
LANES = 16
NTILES = 16
NCORES = 2
CHUNK = 80

_f32 = jnp.float32
_i32 = jnp.int32


def _mesh():
    return plsc.VectorSubcoreMesh(core_axis_name="c", subcore_axis_name="s")


def _att_body(edges, eA, v, pa, zacc, acc_out,
              acc_sh, sbuf0, sbuf1, nbuf0, nbuf1, eAb0, eAb1, pab0, pab1,
              lsem0, lsem1, gsem0, gsem1,
              *, nchunks):
    cid = lax.axis_index("c")
    sid = lax.axis_index("s")
    rows_per_tile = N_NODES // NTILES
    tsl = pl.ds(sid * rows_per_tile, rows_per_tile)

    pltpu.sync_copy(zacc.at[tsl], acc_sh.at[tsl])
    plsc.subcore_barrier()

    base = sid * (nchunks * CHUNK)
    iota16 = lax.broadcasted_iota(_i32, (LANES,), 0)
    col0 = jnp.zeros((LANES,), _i32)
    col1 = jnp.ones((LANES,), _i32)
    colw0 = col0 + 128
    colw1 = col0 + 129

    sbufs = (sbuf0, sbuf1)
    nbufs = (nbuf0, nbuf1)
    eAbs = (eAb0, eAb1)
    pabs = (pab0, pab1)
    lsems = (lsem0, lsem1)
    gsems = (gsem0, gsem1)
    zsl = pl.ds(0, CHUNK)

    def lin_issue(g, jb):
        esl = pl.ds(base + g * CHUNK, CHUNK)
        pltpu.async_copy(edges.at[cid, 0, esl], sbufs[jb], lsems[jb])
        pltpu.async_copy(edges.at[cid, 1, esl], nbufs[jb], lsems[jb])
        pltpu.async_copy(eA.at[esl], eAbs[jb], lsems[jb])

    def lin_wait(jb):
        pltpu.make_async_copy(edges.at[cid, 0, zsl], sbufs[jb], lsems[jb]).wait()
        pltpu.make_async_copy(edges.at[cid, 1, zsl], nbufs[jb], lsems[jb]).wait()
        pltpu.make_async_copy(eA.at[zsl], eAbs[jb], lsems[jb]).wait()

    def gat_issue(jb):
        pltpu.async_copy(v.at[nbufs[jb]], eAbs[jb], gsems[jb], add=True)
        pltpu.async_copy(pa.at[sbufs[jb]], pabs[jb], gsems[jb])

    def gat_wait(jb):
        pltpu.make_async_copy(v.at[nbufs[jb]], eAbs[jb], gsems[jb]).wait()
        pltpu.make_async_copy(pa.at[sbufs[jb]], pabs[jb], gsems[jb]).wait()

    def compute(jb):
        eAb = eAbs[jb]
        pab = pabs[jb]
        for k in range(CHUNK // LANES):
            rows = iota16 + (k * LANES)
            p0 = (plsc.load_gather(eAb, [rows, colw0])
                  + plsc.load_gather(pab, [rows, col0]))
            p1 = (plsc.load_gather(eAb, [rows, colw1])
                  + plsc.load_gather(pab, [rows, col1]))
            w0 = jnp.exp(-jnp.where(p0 > 0, p0, ALPHA * p0))
            w1 = jnp.exp(-jnp.where(p1 > 0, p1, ALPHA * p1))
            plsc.store_scatter(eAb, [rows, colw0], w0)
            plsc.store_scatter(eAb, [rows, colw1], w1)

        def row_body(r, carry2):
            ridx = jnp.broadcast_to(r, (LANES,)).astype(_i32)
            w0v = plsc.load_gather(eAb, [ridx, colw0])
            w1v = plsc.load_gather(eAb, [ridx, colw1])
            for c in range(8):
                sl = pl.ds(c * LANES, LANES)
                wv = w0v if c < 4 else w1v
                eAb[r, sl] = eAb[r, sl] * wv
            return carry2

        lax.fori_loop(0, CHUNK, row_body, 0)
        pltpu.sync_copy(eAb, acc_sh.at[sbufs[jb]], add=True)

    lin_issue(0, 0)
    lin_issue(1, 1)
    lin_wait(0)
    gat_issue(0)

    def pair_body(p, carry):
        for jb in (0, 1):
            g = p * 2 + jb

            @pl.when(g + 1 < nchunks)
            def _():
                lin_wait(jb ^ 1)
                gat_issue(jb ^ 1)

            gat_wait(jb)
            compute(jb)

            @pl.when(g + 2 < nchunks)
            def _():
                lin_issue(g + 2, jb)

        return carry

    lax.fori_loop(0, nchunks // 2, pair_body, 0)
    plsc.subcore_barrier()
    pltpu.sync_copy(acc_sh.at[tsl], acc_out.at[cid, tsl])


def _att_edge_pass(edges, eA, v, pa, nchunks):
    n = N_NODES
    zacc = jnp.zeros((n, 144), _f32)
    kern = pl.kernel(
        functools.partial(_att_body, nchunks=nchunks),
        out_type=jax.ShapeDtypeStruct((NCORES, n, 144), _f32),
        mesh=_mesh(),
        compiler_params=pltpu.CompilerParams(use_tc_tiling_on_sc=False, needs_layout_passes=False),
        scratch_types=[
            pltpu.VMEM_SHARED((n, 144), _f32),
            pltpu.VMEM((CHUNK,), _i32),
            pltpu.VMEM((CHUNK,), _i32),
            pltpu.VMEM((CHUNK,), _i32),
            pltpu.VMEM((CHUNK,), _i32),
            pltpu.VMEM((CHUNK, 144), _f32),
            pltpu.VMEM((CHUNK, 144), _f32),
            pltpu.VMEM((CHUNK, LANES), _f32),
            pltpu.VMEM((CHUNK, LANES), _f32),
            pltpu.SemaphoreType.DMA,
            pltpu.SemaphoreType.DMA,
            pltpu.SemaphoreType.DMA,
            pltpu.SemaphoreType.DMA,
        ],
    )
    return kern(edges, eA, v, pa, zacc)


def _rel_body(ee, ety, zg, g_out, g_sh, tyb, eeb, *, nchunks):
    cid = lax.axis_index("c")
    sid = lax.axis_index("s")

    @pl.when(sid == 0)
    def _():
        pltpu.sync_copy(zg, g_sh)

    plsc.subcore_barrier()
    base = (cid * NTILES + sid) * (nchunks * CHUNK)

    def chunk_body(g, carry):
        esl = pl.ds(base + g * CHUNK, CHUNK)
        pltpu.sync_copy(ety.at[esl], tyb)
        pltpu.sync_copy(ee.at[esl], eeb)
        pltpu.sync_copy(eeb, g_sh.at[tyb], add=True)
        return carry

    lax.fori_loop(0, nchunks, chunk_body, 0)
    plsc.subcore_barrier()

    @pl.when(sid == 0)
    def _():
        pltpu.sync_copy(g_sh, g_out.at[cid])


def _rel_segment_sum(edge_embed, edge_type):
    e = edge_embed.shape[0]
    per = NCORES * NTILES * CHUNK
    nchunks = -(-e // per)
    epad = nchunks * per
    ee = jnp.pad(edge_embed, ((0, epad - e), (0, 0)))
    ety = jnp.pad(edge_type.astype(_i32), (0, epad - e))
    zg = jnp.zeros((NREL, 128), _f32)
    kern = pl.kernel(
        functools.partial(_rel_body, nchunks=nchunks),
        out_type=jax.ShapeDtypeStruct((NCORES, NREL, 128), _f32),
        mesh=_mesh(),
        compiler_params=pltpu.CompilerParams(use_tc_tiling_on_sc=False, needs_layout_passes=False),
        scratch_types=[
            pltpu.VMEM_SHARED((NREL, 128), _f32),
            pltpu.VMEM((CHUNK,), _i32),
            pltpu.VMEM((CHUNK, 128), _f32),
        ],
    )
    return kern(ee, ety, zg).sum(axis=0)


def _normalize(x, axis):
    nrm = jnp.linalg.norm(x, ord=2, axis=axis, keepdims=True)
    return x / jnp.maximum(nrm, 1e-12)


def _merge(h_in, h_out, Wi, bi, Wo, bo, Wl, bl):
    h_in = h_in @ Wi.T + bi
    h_out = h_out @ Wo.T + bo
    lam = jax.nn.sigmoid(jnp.concatenate([h_in, h_out], axis=1) @ Wl.T + bl)
    h = lam * h_in + (1.0 - lam) * h_out
    h = jax.nn.elu(h)
    return _normalize(h, 1)


def _finish(u, acc, rs):
    rs = rs[:, None]
    return jnp.where(rs == 0.0, 0.0, u + acc / jnp.where(rs == 0.0, 1.0, rs))


def kernel(Corpus_, batch_inputs, entity_embeddings, relation_embed, edge_list, edge_type, edge_embed, edge_list_nhop, edge_type_nhop, a0, a2_0, a1, a2_1, aO, a2_O, mi_Wi, mi_bi, mi_Wo, mi_bo, mi_Wl, mi_bl, mo_Wi, mo_bi, mo_Wo, mo_bo, mo_Wl, mo_bl, rW, rWrel):
    del Corpus_, batch_inputs
    x = entity_embeddings
    n, nfeat = x.shape
    e_main = edge_list.shape[1]
    e_nhop = edge_list_nhop.shape[1]
    et = e_main + e_nhop
    per = NTILES * CHUNK
    nchunks = -(-et // per)
    nchunks += nchunks % 2
    et_pad = nchunks * per
    npad = et_pad - et
    t0, t1 = edge_type_nhop[:, 0], edge_type_nhop[:, 1]

    e0 = jnp.concatenate([edge_list[0], edge_list_nhop[0],
                          jnp.zeros((npad,), edge_list.dtype)]).astype(_i32)
    e1 = jnp.concatenate([edge_list[1], edge_list_nhop[1],
                          jnp.zeros((npad,), edge_list.dtype)]).astype(_i32)
    edges = jnp.stack([jnp.stack([e0, e1]), jnp.stack([e1, e0])])

    pad144 = jnp.zeros((npad, 144), _f32).at[:, 128:130].set(1e30)

    def make_v(v128, pv0, pv1):
        return jnp.concatenate(
            [v128, pv0[:, None], pv1[:, None], jnp.zeros((n, 14), _f32)], axis=1)

    def make_pa(pu0, pu1):
        return jnp.concatenate(
            [pu0[:, None], pu1[:, None], jnp.zeros((n, 14), _f32)], axis=1)

    A0s, A0n, A0e = a0[:, :nfeat], a0[:, nfeat:2 * nfeat], a0[:, 2 * nfeat:]
    A1s, A1n, A1e = a1[:, :nfeat], a1[:, nfeat:2 * nfeat], a1[:, 2 * nfeat:]
    u0, u1 = x @ A0s.T, x @ A1s.T
    v01 = jnp.concatenate([x @ A0n.T, x @ A1n.T], axis=1)
    pu0, pu1 = u0 @ a2_0[0], u1 @ a2_1[0]
    pv0, pv1 = v01[:, :64] @ a2_0[0], v01[:, 64:] @ a2_1[0]

    M1 = jnp.concatenate(
        [A0e.T, A1e.T, (A0e.T @ a2_0[0])[:, None], (A1e.T @ a2_1[0])[:, None],
         jnp.zeros((nfeat, 14), _f32)], axis=1)
    rel144 = relation_embed @ M1
    eA1 = jnp.concatenate([edge_embed @ M1, rel144[t0] + rel144[t1], pad144],
                          axis=0)

    acc1 = _att_edge_pass(edges, eA1, make_v(v01, pv0, pv1),
                          make_pa(pu0, pu1), nchunks)
    x_in = jnp.concatenate([
        jax.nn.elu(_finish(u0, acc1[0, :, :64], acc1[0, :, 128])),
        jax.nn.elu(_finish(u1, acc1[0, :, 64:128], acc1[0, :, 129]))], axis=1)
    x_out = jnp.concatenate([
        jax.nn.elu(_finish(u0, acc1[1, :, :64], acc1[1, :, 128])),
        jax.nn.elu(_finish(u1, acc1[1, :, 64:128], acc1[1, :, 129]))], axis=1)
    x1 = _merge(x_in, x_out, mi_Wi, mi_bi, mi_Wo, mi_bo, mi_Wl, mi_bl)

    g = _rel_segment_sum(edge_embed, edge_type)
    out_rel = relation_embed @ rWrel.T + g @ rW
    out_rel = _normalize(out_rel, -1)

    h = aO.shape[0]
    AOs, AOn, AOe = aO[:, :h], aO[:, h:2 * h], aO[:, 2 * h:]
    u2 = x1 @ AOs.T
    v2 = x1 @ AOn.T
    pu2 = u2 @ a2_O[0]
    pv2 = v2 @ a2_O[0]
    T2 = out_rel @ AOe.T
    S2 = (T2 @ a2_O[0])[:, None]
    T2full = jnp.concatenate([T2, S2, S2, jnp.zeros((NREL, 14), _f32)], axis=1)
    eA2 = jnp.concatenate([T2full[edge_type], T2full[t0] + T2full[t1], pad144],
                          axis=0)

    acc2 = _att_edge_pass(edges, eA2, make_v(v2, pv2, pv2),
                          make_pa(pu2, pu2), nchunks)
    x_in2 = jax.nn.elu(_finish(u2, acc2[0, :, :128], acc2[0, :, 128]))
    x_out2 = jax.nn.elu(_finish(u2, acc2[1, :, :128], acc2[1, :, 128]))
    xf = _merge(x_in2, x_out2, mo_Wi, mo_bi, mo_Wo, mo_bo, mo_Wl, mo_bl)
    return (xf, out_rel)

# --- scband reference (transcript-rebuilt; emitter-appended) ---
"""Pipeline reference for scband-sp-gat-56341380988952 (READ-ONLY COPY).

The authoritative reference and input builder live on the scoring server;
editing this copy changes nothing except your own understanding.
"""

import jax, jax.numpy as jnp
import numpy as np

ALPHA = 0.2
NUM_REL = 500

def _leaky_relu(x, alpha):
    return jnp.where(x > 0, x, alpha * x)

def _normalize(x, axis):
    n = jnp.linalg.norm(x, ord=2, axis=axis, keepdims=True)
    return x / jnp.maximum(n, 1e-12)

def _sp_att_layer(x, edge, edge_embed, edge_nhop, edge_embed_nhop, a, a2, concat):
    N = x.shape[0]
    if edge_nhop is not None:
        edge = jnp.concatenate([edge, edge_nhop], axis=1)
        edge_embed = jnp.concatenate([edge_embed, edge_embed_nhop], axis=0)
    h_src = x[edge[0]]
    h_dst = x[edge[1]]
    edge_h = jnp.concatenate([h_src, h_dst, edge_embed], axis=1).T
    edge_m = a @ edge_h
    powers = -_leaky_relu(jnp.squeeze(a2 @ edge_m), ALPHA)
    edge_e = jnp.exp(powers)
    e_rowsum = jax.ops.segment_sum(edge_e, edge[0], num_segments=N)
    e_rowsum = jnp.where(e_rowsum == 0.0, 1e-12, e_rowsum)
    edge_w = (edge_e[None, :] * edge_m).T
    h_prime = jax.ops.segment_sum(edge_w, edge[0], num_segments=N)
    h_prime = h_prime / e_rowsum[:, None]
    return jax.nn.elu(h_prime) if concat else h_prime

def _merge(h_in, h_out, Wi, bi, Wo, bo, Wl, bl):
    h_in = h_in @ Wi.T + bi
    h_out = h_out @ Wo.T + bo
    lam = jax.nn.sigmoid(jnp.concatenate([h_in, h_out], axis=1) @ Wl.T + bl)
    h = lam * h_in + (1.0 - lam) * h_out
    h = jax.nn.elu(h)
    return _normalize(h, 1)

def _forward(entity_embeddings, relation_embed, edge_embed,
             a0, a2_0, a1, a2_1, aO, a2_O,
             mi_Wi, mi_bi, mi_Wo, mi_bo, mi_Wl, mi_bl,
             mo_Wi, mo_bi, mo_Wo, mo_bo, mo_Wl, mo_bl,
             rW, rWrel,
             edge_list, edge_type, edge_list_nhop, edge_type_nhop):
    edge_list_ob = jnp.stack([edge_list[1, :], edge_list[0, :]])
    edge_nhop_ob = jnp.stack([edge_list_nhop[1, :], edge_list_nhop[0, :]])
    x = entity_embeddings
    ee_nhop = relation_embed[edge_type_nhop[:, 0]] + relation_embed[edge_type_nhop[:, 1]]
    heads = [(a0, a2_0), (a1, a2_1)]
    x_in = jnp.concatenate([_sp_att_layer(x, edge_list, edge_embed, edge_list_nhop, ee_nhop, a, a2, True) for (a, a2) in heads], axis=1)
    # NOTE: original code reuses inbound heads for outbound direction (faithful)
    x_out = jnp.concatenate([_sp_att_layer(x, edge_list_ob, edge_embed, edge_nhop_ob, ee_nhop, a, a2, True) for (a, a2) in heads], axis=1)
    x = _merge(x_in, x_out, mi_Wi, mi_bi, mi_Wo, mi_bo, mi_Wl, mi_bl)
    # dropout: identity (eval / p used only in training)
    g = jax.ops.segment_sum(edge_embed, edge_type, num_segments=NUM_REL)
    out_relation_1 = relation_embed @ rWrel.T + g @ rW
    out_relation_1 = _normalize(out_relation_1, -1)
    edge_embed2 = out_relation_1[edge_type]
    ee_nhop2 = out_relation_1[edge_type_nhop[:, 0]] + out_relation_1[edge_type_nhop[:, 1]]
    x_in2 = jax.nn.elu(_sp_att_layer(x, edge_list, edge_embed2, edge_list_nhop, ee_nhop2, aO, a2_O, False))
    # original reuses out_att_inbound for both directions (faithful)
    x_out2 = jax.nn.elu(_sp_att_layer(x, edge_list_ob, edge_embed2, edge_nhop_ob, ee_nhop2, aO, a2_O, False))
    x = _merge(x_in2, x_out2, mo_Wi, mo_bi, mo_Wo, mo_bo, mo_Wl, mo_bl)
    return (x, out_relation_1)

def setup_inputs(seed: int = 0):
    key = jax.random.key(seed)
    ks = jax.random.split(key, 40)
    N, E, En = 10000, 320000, 40000
    nfeat, nhid, nheads, reldim, NR = 128, 64, 2, 128, NUM_REL
    H = nhid * nheads
    s = 0.05
    inp = {}
    inp['Corpus_'] = jnp.zeros((1,), dtype=jnp.int32)
    inp['batch_inputs'] = jax.random.randint(ks[30], (1024, 3), 0, N)
    inp['entity_embeddings'] = jax.random.normal(ks[0], (N, nfeat), dtype=jnp.float32)
    inp['relation_embed'] = jax.random.normal(ks[1], (NR, reldim), dtype=jnp.float32)
    inp['edge_list'] = jax.random.randint(ks[2], (2, E), 0, N)
    inp['edge_type'] = jax.random.randint(ks[3], (E,), 0, NR)
    inp['edge_embed'] = jax.random.normal(ks[4], (E, reldim), dtype=jnp.float32)
    inp['edge_list_nhop'] = jax.random.randint(ks[5], (2, En), 0, N)
    inp['edge_type_nhop'] = jax.random.randint(ks[6], (En, 2), 0, NR)
    d_in1 = 2 * nfeat + reldim
    d_in2 = 2 * H + H
    inp['a0'] = s * jax.random.normal(ks[7], (nhid, d_in1), dtype=jnp.float32)
    inp['a2_0'] = s * jax.random.normal(ks[8], (1, nhid), dtype=jnp.float32)
    inp['a1'] = s * jax.random.normal(ks[9], (nhid, d_in1), dtype=jnp.float32)
    inp['a2_1'] = s * jax.random.normal(ks[10], (1, nhid), dtype=jnp.float32)
    inp['aO'] = s * jax.random.normal(ks[11], (H, d_in2), dtype=jnp.float32)
    inp['a2_O'] = s * jax.random.normal(ks[12], (1, H), dtype=jnp.float32)
    inp['mi_Wi'] = s * jax.random.normal(ks[13], (H, H), dtype=jnp.float32)
    inp['mi_bi'] = jnp.zeros((H,), dtype=jnp.float32)
    inp['mi_Wo'] = s * jax.random.normal(ks[14], (H, H), dtype=jnp.float32)
    inp['mi_bo'] = jnp.zeros((H,), dtype=jnp.float32)
    inp['mi_Wl'] = s * jax.random.normal(ks[15], (1, 2 * H), dtype=jnp.float32)
    inp['mi_bl'] = jnp.zeros((1,), dtype=jnp.float32)
    inp['mo_Wi'] = s * jax.random.normal(ks[16], (H, H), dtype=jnp.float32)
    inp['mo_bi'] = jnp.zeros((H,), dtype=jnp.float32)
    inp['mo_Wo'] = s * jax.random.normal(ks[17], (H, H), dtype=jnp.float32)
    inp['mo_bo'] = jnp.zeros((H,), dtype=jnp.float32)
    inp['mo_Wl'] = s * jax.random.normal(ks[18], (1, 2 * H), dtype=jnp.float32)
    inp['mo_bl'] = jnp.zeros((1,), dtype=jnp.float32)
    inp['rW'] = s * jax.random.normal(ks[19], (reldim, H), dtype=jnp.float32)
    inp['rWrel'] = s * jax.random.normal(ks[20], (H, reldim), dtype=jnp.float32)
    return inp

def reference(Corpus_, batch_inputs, entity_embeddings, relation_embed, edge_list, edge_type, edge_embed, edge_list_nhop, edge_type_nhop,
              a0, a2_0, a1, a2_1, aO, a2_O,
              mi_Wi, mi_bi, mi_Wo, mi_bo, mi_Wl, mi_bl,
              mo_Wi, mo_bi, mo_Wo, mo_bo, mo_Wl, mo_bl,
              rW, rWrel):
    del Corpus_, batch_inputs
    return _forward(entity_embeddings, relation_embed, edge_embed,
                    a0, a2_0, a1, a2_1, aO, a2_O,
                    mi_Wi, mi_bi, mi_Wo, mi_bo, mi_Wl, mi_bl,
                    mo_Wi, mo_bi, mo_Wo, mo_bo, mo_Wl, mo_bl,
                    rW, rWrel,
                    edge_list, edge_type, edge_list_nhop, edge_type_nhop)

if __name__ == "__main__":
    import jax
    _d = setup_inputs()
    print(jax.jit(kernel)(*tuple(_d.values())))

</pallas_src>

<mosaic_0001>
#map = affine_map<(d0, d1) -> (0, 0)>
#map1 = affine_map<(d0, d1) -> (0)>
#map2 = affine_map<(d0, d1) -> (0, 0, 0)>
module attributes {stable_mosaic.version = 14 : i64} {
  func.func @_rel_body(%arg0: i32, %arg1: i32, %arg2: memref<320000x128xf32, #tpu.memory_space<hbm>>, %arg3: memref<320000xi32, #tpu.memory_space<hbm>>, %arg4: memref<500x128xf32, #tpu.memory_space<hbm>>, %arg5: memref<2x500x128xf32, #tpu.memory_space<hbm>>, %arg6: memref<500x128xf32, #tpu.memory_space<vmem_shared>>, %arg7: memref<80xi32, #tpu.memory_space<vmem>>, %arg8: memref<80x128xf32, #tpu.memory_space<vmem>>) attributes {dimension_semantics = [#tpu.dimension_semantics<core_parallel>, #tpu.dimension_semantics<subcore_parallel>], iteration_bounds = array<i64: 2, 16>, scalar_prefetch = 0 : i64, scratch_operands = 3 : i64, tpu.core_type = #tpu.core_type<sc_vector_subcore>, window_params = [{transform_indices = #map}, {transform_indices = #map1}, {transform_indices = #map}, {transform_indices = #map2}]} {
    %eq3A = arith.constant 0 : i32
    %eq3A_0 = arith.cmpi eq, %arg1, %eq3A : i32
    %convert_element_type3A = arith.extui %eq3A_0 : i1 to i32
    %cond3A = arith.constant 0 : i32
    %cond3A_1 = arith.cmpi ne, %convert_element_type3A, %cond3A : i32
    scf.if %cond3A_1 {
      "tpu.region"() ({
        %run_scoped3A = tpu.sem_alloc : memref<!tpu.dma_semaphore, #tpu.memory_space<semaphore_mem>>
        tpu.enqueue_dma source(%arg4 : memref<500x128xf32, #tpu.memory_space<hbm>>) target(%arg6 : memref<500x128xf32, #tpu.memory_space<vmem_shared>>) target_semaphore(%run_scoped3A : memref<!tpu.dma_semaphore, #tpu.memory_space<semaphore_mem>>)
        tpu.wait_dma2 semaphore(%run_scoped3A : memref<!tpu.dma_semaphore, #tpu.memory_space<semaphore_mem>>) src(%arg4 : memref<500x128xf32, #tpu.memory_space<hbm>>) dst(%arg6 : memref<500x128xf32, #tpu.memory_space<vmem_shared>>)
        tpu.yield
      }) : () -> ()
    } else {
    }
    %barrier3A = arith.constant 0 : index
    tpu.barrier barrier_id(%barrier3A)
    %mul3A = arith.constant 16 : i32
    %mul3A_2 = arith.muli %arg0, %mul3A : i32
    %add3A = arith.addi %mul3A_2, %arg1 : i32
    %mul3A_3 = arith.constant 10000 : i32
    %mul3A_4 = arith.muli %add3A, %mul3A_3 : i32
    %scan3A = arith.constant 0 : i32
    %scan3A_5 = arith.constant 0 : i32
    %scan3A_6 = arith.constant 125 : i32
    %scan3A_7 = arith.addi %scan3A_5, %scan3A_6 : i32
    %scan3A_8 = arith.constant 1 : i32
    scf.for %scan3A_16 = %scan3A_5 to %scan3A_7 step %scan3A_8  : i32 {
      %mul3A_17 = arith.constant 80 : i32
      %mul3A_18 = arith.muli %scan3A_16, %mul3A_17 : i32
      %add3A_19 = arith.addi %mul3A_4, %mul3A_18 : i32
      "tpu.region"() ({
        %run_scoped3A = tpu.sem_alloc : memref<!tpu.dma_semaphore, #tpu.memory_space<semaphore_mem>>
        %dma_start3A = tpu.memref_slice %arg3[%add3A_19] : memref<320000xi32, #tpu.memory_space<hbm>> -> memref<80xi32, #tpu.memory_space<hbm>>
        %dma_start3A_20 = tpu.memref_slice %arg3[%add3A_19] : memref<320000xi32, #tpu.memory_space<hbm>> -> memref<80xi32, #tpu.memory_space<hbm>>
        tpu.enqueue_dma source(%dma_start3A_20 : memref<80xi32, #tpu.memory_space<hbm>>) target(%arg7 : memref<80xi32, #tpu.memory_space<vmem>>) target_semaphore(%run_scoped3A : memref<!tpu.dma_semaphore, #tpu.memory_space<semaphore_mem>>)
        %dma_wait3A = tpu.memref_slice %arg3[%add3A_19] : memref<320000xi32, #tpu.memory_space<hbm>> -> memref<80xi32, #tpu.memory_space<hbm>>
        %dma_wait3A_21 = tpu.memref_slice %arg3[%add3A_19] : memref<320000xi32, #tpu.memory_space<hbm>> -> memref<80xi32, #tpu.memory_space<hbm>>
        tpu.wait_dma2 semaphore(%run_scoped3A : memref<!tpu.dma_semaphore, #tpu.memory_space<semaphore_mem>>) src(%dma_wait3A_21 : memref<80xi32, #tpu.memory_space<hbm>>) dst(%arg7 : memref<80xi32, #tpu.memory_space<vmem>>)
        tpu.yield
      }) : () -> ()
      "tpu.region"() ({
        %run_scoped3A = tpu.sem_alloc : memref<!tpu.dma_semaphore, #tpu.memory_space<semaphore_mem>>
        %dma_start3A = arith.constant 0 : i32
        %dma_start3A_20 = tpu.memref_slice %arg2[%add3A_19, %dma_start3A] : memref<320000x128xf32, #tpu.memory_space<hbm>> -> memref<80x128xf32, #tpu.memory_space<hbm>>
        %dma_start3A_21 = arith.constant 0 : i32
        %dma_start3A_22 = tpu.memref_slice %arg2[%add3A_19, %dma_start3A_21] : memref<320000x128xf32, #tpu.memory_space<hbm>> -> memref<80x128xf32, #tpu.memory_space<hbm>>
        tpu.enqueue_dma source(%dma_start3A_22 : memref<80x128xf32, #tpu.memory_space<hbm>>) target(%arg8 : memref<80x128xf32, #tpu.memory_space<vmem>>) target_semaphore(%run_scoped3A : memref<!tpu.dma_semaphore, #tpu.memory_space<semaphore_mem>>)
        %dma_wait3A = arith.constant 0 : i32
        %dma_wait3A_23 = tpu.memref_slice %arg2[%add3A_19, %dma_wait3A] : memref<320000x128xf32, #tpu.memory_space<hbm>> -> memref<80x128xf32, #tpu.memory_space<hbm>>
        %dma_wait3A_24 = arith.constant 0 : i32
        %dma_wait3A_25 = tpu.memref_slice %arg2[%add3A_19, %dma_wait3A_24] : memref<320000x128xf32, #tpu.memory_space<hbm>> -> memref<80x128xf32, #tpu.memory_space<hbm>>
        tpu.wait_dma2 semaphore(%run_scoped3A : memref<!tpu.dma_semaphore, #tpu.memory_space<semaphore_mem>>) src(%dma_wait3A_25 : memref<80x128xf32, #tpu.memory_space<hbm>>) dst(%arg8 : memref<80x128xf32, #tpu.memory_space<vmem>>)
        tpu.yield
      }) : () -> ()
      "tpu.region"() ({
        %run_scoped3A = tpu.sem_alloc : memref<!tpu.dma_semaphore, #tpu.memory_space<semaphore_mem>>
        %dma_start3A = arith.constant 0 : i32
        %dma_start3A_20 = arith.constant 0 : i32
        %dma_start3A_21 = tpu.memref_slice %arg6[%dma_start3A, %dma_start3A_20] : memref<500x128xf32, #tpu.memory_space<vmem_shared>> -> memref<500x128xf32, #tpu.memory_space<vmem_shared>>
        tpu.enqueue_indirect_dma source(%arg8 : memref<80x128xf32, #tpu.memory_space<vmem>>) target(%dma_start3A_21 : memref<500x128xf32, #tpu.memory_space<vmem_shared>>) offsets(%arg7 : memref<80xi32, #tpu.memory_space<vmem>>) semaphore(%run_scoped3A : memref<!tpu.dma_semaphore, #tpu.memory_space<semaphore_mem>>) {add = true}
        %dma_wait3A = arith.constant 0 : i32
        %dma_wait3A_22 = arith.constant 0 : i32
        %dma_wait3A_23 = tpu.memref_slice %arg6[%dma_wait3A, %dma_wait3A_22] : memref<500x128xf32, #tpu.memory_space<vmem_shared>> -> memref<500x128xf32, #tpu.memory_space<vmem_shared>>
        tpu.wait_indirect_dma semaphore(%run_scoped3A : memref<!tpu.dma_semaphore, #tpu.memory_space<semaphore_mem>>) src(%arg8 : memref<80x128xf32, #tpu.memory_space<vmem>>) dst(%dma_wait3A_23 : memref<500x128xf32, #tpu.memory_space<vmem_shared>>)
        tpu.yield
      }) : () -> ()
    }
    %scan3A_9 = arith.constant 125 : i32
    %barrier3A_10 = arith.constant 0 : index
    tpu.barrier barrier_id(%barrier3A_10)
    %eq3A_11 = arith.constant 0 : i32
    %eq3A_12 = arith.cmpi eq, %arg1, %eq3A_11 : i32
    %convert_element_type3A_13 = arith.extui %eq3A_12 : i1 to i32
    %cond3A_14 = arith.constant 0 : i32
    %cond3A_15 = arith.cmpi ne, %convert_element_type3A_13, %cond3A_14 : i32
    scf.if %cond3A_15 {
      "tpu.region"() ({
        %run_scoped3A = tpu.sem_alloc : memref<!tpu.dma_semaphore, #tpu.memory_space<semaphore_mem>>
        %dma_start3A = arith.constant 0 : i32
        %dma_start3A_16 = arith.constant 0 : i32
        %dma_start3A_17 = tpu.memref_slice %arg5[%arg0, %dma_start3A, %dma_start3A_16] : memref<2x500x128xf32, #tpu.memory_space<hbm>> -> memref<1x500x128xf32, #tpu.memory_space<hbm>>
        %dma_start3A_18 = tpu.memref_squeeze %dma_start3A_17 : memref<1x500x128xf32, #tpu.memory_space<hbm>> -> memref<500x128xf32, #tpu.memory_space<hbm>>
        tpu.enqueue_dma source(%arg6 : memref<500x128xf32, #tpu.memory_space<vmem_shared>>) target(%dma_start3A_18 : memref<500x128xf32, #tpu.memory_space<hbm>>) target_semaphore(%run_scoped3A : memref<!tpu.dma_semaphore, #tpu.memory_space<semaphore_mem>>)
        %dma_wait3A = arith.constant 0 : i32
        %dma_wait3A_19 = arith.constant 0 : i32
        %dma_wait3A_20 = tpu.memref_slice %arg5[%arg0, %dma_wait3A, %dma_wait3A_19] : memref<2x500x128xf32, #tpu.memory_space<hbm>> -> memref<1x500x128xf32, #tpu.memory_space<hbm>>
        %dma_wait3A_21 = tpu.memref_squeeze %dma_wait3A_20 : memref<1x500x128xf32, #tpu.memory_space<hbm>> -> memref<500x128xf32, #tpu.memory_space<hbm>>
        tpu.wait_dma2 semaphore(%run_scoped3A : memref<!tpu.dma_semaphore, #tpu.memory_space<semaphore_mem>>) src(%arg6 : memref<500x128xf32, #tpu.memory_space<vmem_shared>>) dst(%dma_wait3A_21 : memref<500x128xf32, #tpu.memory_space<hbm>>)
        tpu.yield
      }) : () -> ()
    } else {
    }
    return
  }
}

#map = affine_map<(d0, d1) -> (0, 0, 0)>
#map1 = affine_map<(d0, d1) -> (0, 0)>
module attributes {stable_mosaic.version = 14 : i64} {
  func.func @_att_body(%arg0: i32, %arg1: i32, %arg2: memref<2x2x360960xi32, #tpu.memory_space<hbm>>, %arg3: memref<360960x144xf32, #tpu.memory_space<hbm>>, %arg4: memref<10000x144xf32, #tpu.memory_space<hbm>>, %arg5: memref<10000x16xf32, #tpu.memory_space<hbm>>, %arg6: memref<10000x144xf32, #tpu.memory_space<hbm>>, %arg7: memref<2x10000x144xf32, #tpu.memory_space<hbm>>, %arg8: memref<10000x144xf32, #tpu.memory_space<vmem_shared>>, %arg9: memref<80xi32, #tpu.memory_space<vmem>>, %arg10: memref<80xi32, #tpu.memory_space<vmem>>, %arg11: memref<80xi32, #tpu.memory_space<vmem>>, %arg12: memref<80xi32, #tpu.memory_space<vmem>>, %arg13: memref<80x144xf32, #tpu.memory_space<vmem>>, %arg14: memref<80x144xf32, #tpu.memory_space<vmem>>, %arg15: memref<80x16xf32, #tpu.memory_space<vmem>>, %arg16: memref<80x16xf32, #tpu.memory_space<vmem>>, %arg17: memref<!tpu.dma_semaphore, #tpu.memory_space<semaphore_mem>>, %arg18: memref<!tpu.dma_semaphore, #tpu.memory_space<semaphore_mem>>, %arg19: memref<!tpu.dma_semaphore, #tpu.memory_space<semaphore_mem>>, %arg20: memref<!tpu.dma_semaphore, #tpu.memory_space<semaphore_mem>>) attributes {dimension_semantics = [#tpu.dimension_semantics<core_parallel>, #tpu.dimension_semantics<subcore_parallel>], iteration_bounds = array<i64: 2, 16>, scalar_prefetch = 0 : i64, scratch_operands = 13 : i64, tpu.core_type = #tpu.core_type<sc_vector_subcore>, window_params = [{transform_indices = #map}, {transform_indices = #map1}, {transform_indices = #map1}, {transform_indices = #map1}, {transform_indices = #map1}, {transform_indices = #map}]} {
    %mul3A = arith.constant 625 : i32
    %mul3A_0 = arith.muli %arg1, %mul3A : i32
    "tpu.region"() ({
      %run_scoped3A = tpu.sem_alloc : memref<!tpu.dma_semaphore, #tpu.memory_space<semaphore_mem>>
      %dma_start3A_73 = arith.constant 0 : i32
      %dma_start3A_74 = tpu.memref_slice %arg8[%mul3A_0, %dma_start3A_73] : memref<10000x144xf32, #tpu.memory_space<vmem_shared>> -> memref<625x144xf32, #tpu.memory_space<vmem_shared>>
      %dma_start3A_75 = arith.constant 0 : i32
      %dma_start3A_76 = tpu.memref_slice %arg6[%mul3A_0, %dma_start3A_75] : memref<10000x144xf32, #tpu.memory_space<hbm>> -> memref<625x144xf32, #tpu.memory_space<hbm>>
      tpu.enqueue_dma source(%dma_start3A_76 : memref<625x144xf32, #tpu.memory_space<hbm>>) target(%dma_start3A_74 : memref<625x144xf32, #tpu.memory_space<vmem_shared>>) target_semaphore(%run_scoped3A : memref<!tpu.dma_semaphore, #tpu.memory_space<semaphore_mem>>)
      %dma_wait3A_77 = arith.constant 0 : i32
      %dma_wait3A_78 = tpu.memref_slice %arg8[%mul3A_0, %dma_wait3A_77] : memref<10000x144xf32, #tpu.memory_space<vmem_shared>> -> memref<625x144xf32, #tpu.memory_space<vmem_shared>>
      %dma_wait3A_79 = arith.constant 0 : i32
      %dma_wait3A_80 = tpu.memref_slice %arg6[%mul3A_0, %dma_wait3A_79] : memref<10000x144xf32, #tpu.memory_space<hbm>> -> memref<625x144xf32, #tpu.memory_space<hbm>>
      tpu.wait_dma2 semaphore(%run_scoped3A : memref<!tpu.dma_semaphore, #tpu.memory_space<semaphore_mem>>) src(%dma_wait3A_80 : memref<625x144xf32, #tpu.memory_space<hbm>>) dst(%dma_wait3A_78 : memref<625x144xf32, #tpu.memory_space<vmem_shared>>)
      tpu.yield
    }) : () -> ()
    %barrier3A = arith.constant 0 : index
    tpu.barrier barrier_id(%barrier3A)
    %mul3A_1 = arith.constant 22560 : i32
    %mul3A_2 = arith.muli %arg1, %mul3A_1 : i32
    %iota3A = tpu.iota {dimensions = array<i32: 0>} : vector<16xi32>
    %broadcast_in_dim3A = arith.constant 0 : i32
    %broadcast_in_dim3A_3 = vector.broadcast %broadcast_in_dim3A : i32 to vector<16xi32>
    %broadcast_in_dim3A_4 = arith.constant 1 : i32
    %broadcast_in_dim3A_5 = vector.broadcast %broadcast_in_dim3A_4 : i32 to vector<16xi32>
    %add3A = arith.constant 128 : i32
    %add3A_6 = vector.broadcast %add3A : i32 to vector<16xi32>
    %add3A_7 = arith.addi %broadcast_in_dim3A_3, %add3A_6 : vector<16xi32>
    %add3A_8 = arith.constant 129 : i32
    %add3A_9 = vector.broadcast %add3A_8 : i32 to vector<16xi32>
    %add3A_10 = arith.addi %broadcast_in_dim3A_3, %add3A_9 : vector<16xi32>
    %add3A_11 = arith.constant 0 : i32
    %add3A_12 = arith.addi %mul3A_2, %add3A_11 : i32
    %dma_start3A = arith.constant 0 : i32
    %dma_start3A_13 = tpu.memref_slice %arg2[%arg0, %dma_start3A, %add3A_12] : memref<2x2x360960xi32, #tpu.memory_space<hbm>> -> memref<1x1x80xi32, #tpu.memory_space<hbm>>
    %dma_start3A_14 = tpu.memref_squeeze %dma_start3A_13 : memref<1x1x80xi32, #tpu.memory_space<hbm>> -> memref<80xi32, #tpu.memory_space<hbm>>
    %dma_start3A_15 = tpu.memref_slice %arg2[%arg0, %dma_start3A, %add3A_12] : memref<2x2x360960xi32, #tpu.memory_space<hbm>> -> memref<1x1x80xi32, #tpu.memory_space<hbm>>
    %dma_start3A_16 = tpu.memref_squeeze %dma_start3A_15 : memref<1x1x80xi32, #tpu.memory_space<hbm>> -> memref<80xi32, #tpu.memory_space<hbm>>
    tpu.enqueue_dma source(%dma_start3A_16 : memref<80xi32, #tpu.memory_space<hbm>>) target(%arg9 : memref<80xi32, #tpu.memory_space<vmem>>) target_semaphore(%arg17 : memref<!tpu.dma_semaphore, #tpu.memory_space<semaphore_mem>>)
    %dma_start3A_17 = arith.constant 1 : i32
    %dma_start3A_18 = tpu.memref_slice %arg2[%arg0, %dma_start3A_17, %add3A_12] : memref<2x2x360960xi32, #tpu.memory_space<hbm>> -> memref<1x1x80xi32, #tpu.memory_space<hbm>>
    %dma_start3A_19 = tpu.memref_squeeze %dma_start3A_18 : memref<1x1x80xi32, #tpu.memory_space<hbm>> -> memref<80xi32, #tpu.memory_space<hbm>>
    %dma_start3A_20 = tpu.memref_slice %arg2[%arg0, %dma_start3A_17, %add3A_12] : memref<2x2x360960xi32, #tpu.memory_space<hbm>> -> memref<1x1x80xi32, #tpu.memory_space<hbm>>
    %dma_start3A_21 = tpu.memref_squeeze %dma_start3A_20 : memref<1x1x80xi32, #tpu.memory_space<hbm>> -> memref<80xi32, #tpu.memory_space<hbm>>
    tpu.enqueue_dma source(%dma_start3A_21 : memref<80xi32, #tpu.memory_space<hbm>>) target(%arg11 : memref<80xi32, #tpu.memory_space<vmem>>) target_semaphore(%arg17 : memref<!tpu.dma_semaphore, #tpu.memory_space<semaphore_mem>>)
    %dma_start3A_22 = arith.constant 0 : i32
    %dma_start3A_23 = tpu.memref_slice %arg3[%add3A_12, %dma_start3A_22] : memref<360960x144xf32, #tpu.memory_space<hbm>> -> memref<80x144xf32, #tpu.memory_space<hbm>>
    %dma_start3A_24 = arith.constant 0 : i32
    %dma_start3A_25 = tpu.memref_slice %arg3[%add3A_12, %dma_start3A_24] : memref<360960x144xf32, #tpu.memory_space<hbm>> -> memref<80x144xf32, #tpu.memory_space<hbm>>
    tpu.enqueue_dma source(%dma_start3A_25 : memref<80x144xf32, #tpu.memory_space<hbm>>) target(%arg13 : memref<80x144xf32, #tpu.memory_space<vmem>>) target_semaphore(%arg17 : memref<!tpu.dma_semaphore, #tpu.memory_space<semaphore_mem>>)
    %add3A_26 = arith.constant 80 : i32
    %add3A_27 = arith.addi %mul3A_2, %add3A_26 : i32
    %dma_start3A_28 = arith.constant 0 : i32
    %dma_start3A_29 = tpu.memref_slice %arg2[%arg0, %dma_start3A_28, %add3A_27] : memref<2x2x360960xi32, #tpu.memory_space<hbm>> -> memref<1x1x80xi32, #tpu.memory_space<hbm>>
    %dma_start3A_30 = tpu.memref_squeeze %dma_start3A_29 : memref<1x1x80xi32, #tpu.memory_space<hbm>> -> memref<80xi32, #tpu.memory_space<hbm>>
    %dma_start3A_31 = tpu.memref_slice %arg2[%arg0, %dma_start3A_28, %add3A_27] : memref<2x2x360960xi32, #tpu.memory_space<hbm>> -> memref<1x1x80xi32, #tpu.memory_space<hbm>>
    %dma_start3A_32 = tpu.memref_squeeze %dma_start3A_31 : memref<1x1x80xi32, #tpu.memory_space<hbm>> -> memref<80xi32, #tpu.memory_space<hbm>>
    tpu.enqueue_dma source(%dma_start3A_32 : memref<80xi32, #tpu.memory_space<hbm>>) target(%arg10 : memref<80xi32, #tpu.memory_space<vmem>>) target_semaphore(%arg18 : memref<!tpu.dma_semaphore, #tpu.memory_space<semaphore_mem>>)
    %dma_start3A_33 = arith.constant 1 : i32
    %dma_start3A_34 = tpu.memref_slice %arg2[%arg0, %dma_start3A_33, %add3A_27] : memref<2x2x360960xi32, #tpu.memory_space<hbm>> -> memref<1x1x80xi32, #tpu.memory_space<hbm>>
    %dma_start3A_35 = tpu.memref_squeeze %dma_start3A_34 : memref<1x1x80xi32, #tpu.memory_space<hbm>> -> memref<80xi32, #tpu.memory_space<hbm>>
    %dma_start3A_36 = tpu.memref_slice %arg2[%arg0, %dma_start3A_33, %add3A_27] : memref<2x2x360960xi32, #tpu.memory_space<hbm>> -> memref<1x1x80xi32, #tpu.memory_space<hbm>>
    %dma_start3A_37 = tpu.memref_squeeze %dma_start3A_36 : memref<1x1x80xi32, #tpu.memory_space<hbm>> -> memref<80xi32, #tpu.memory_space<hbm>>
    tpu.enqueue_dma source(%dma_start3A_37 : memref<80xi32, #tpu.memory_space<hbm>>) target(%arg12 : memref<80xi32, #tpu.memory_space<vmem>>) target_semaphore(%arg18 : memref<!tpu.dma_semaphore, #tpu.memory_space<semaphore_mem>>)
    %dma_start3A_38 = arith.constant 0 : i32
    %dma_start3A_39 = tpu.memref_slice %arg3[%add3A_27, %dma_start3A_38] : memref<360960x144xf32, #tpu.memory_space<hbm>> -> memref<80x144xf32, #tpu.memory_space<hbm>>
    %dma_start3A_40 = arith.constant 0 : i32
    %dma_start3A_41 = tpu.memref_slice %arg3[%add3A_27, %dma_start3A_40] : memref<360960x144xf32, #tpu.memory_space<hbm>> -> memref<80x144xf32, #tpu.memory_space<hbm>>
    tpu.enqueue_dma source(%dma_start3A_41 : memref<80x144xf32, #tpu.memory_space<hbm>>) target(%arg14 : memref<80x144xf32, #tpu.memory_space<vmem>>) target_semaphore(%arg18 : memref<!tpu.dma_semaphore, #tpu.memory_space<semaphore_mem>>)
    %dma_wait3A = arith.constant 0 : i32
    %dma_wait3A_42 = arith.constant 0 : i32
    %dma_wait3A_43 = tpu.memref_slice %arg2[%arg0, %dma_wait3A, %dma_wait3A_42] : memref<2x2x360960xi32, #tpu.memory_space<hbm>> -> memref<1x1x80xi32, #tpu.memory_space<hbm>>
    %dma_wait3A_44 = tpu.memref_squeeze %dma_wait3A_43 : memref<1x1x80xi32, #tpu.memory_space<hbm>> -> memref<80xi32, #tpu.memory_space<hbm>>
    %dma_wait3A_45 = arith.constant 0 : i32
    %dma_wait3A_46 = tpu.memref_slice %arg2[%arg0, %dma_wait3A, %dma_wait3A_45] : memref<2x2x360960xi32, #tpu.memory_space<hbm>> -> memref<1x1x80xi32, #tpu.memory_space<hbm>>
    %dma_wait3A_47 = tpu.memref_squeeze %dma_wait3A_46 : memref<1x1x80xi32, #tpu.memory_space<hbm>> -> memref<80xi32, #tpu.memory_space<hbm>>
    tpu.wait_dma2 semaphore(%arg17 : memref<!tpu.dma_semaphore, #tpu.memory_space<semaphore_mem>>) src(%dma_wait3A_47 : memref<80xi32, #tpu.memory_space<hbm>>) dst(%arg9 : memref<80xi32, #tpu.memory_space<vmem>>)
    %dma_wait3A_48 = arith.constant 1 : i32
    %dma_wait3A_49 = arith.constant 0 : i32
    %dma_wait3A_50 = tpu.memref_slice %arg2[%arg0, %dma_wait3A_48, %dma_wait3A_49] : memref<2x2x360960xi32, #tpu.memory_space<hbm>> -> memref<1x1x80xi32, #tpu.memory_space<hbm>>
    %dma_wait3A_51 = tpu.memref_squeeze %dma_wait3A_50 : memref<1x1x80xi32, #tpu.memory_space<hbm>> -> memref<80xi32, #tpu.memory_space<hbm>>
    %dma_wait3A_52 = arith.constant 0 : i32
    %dma_wait3A_53 = tpu.memref_slice %arg2[%arg0, %dma_wait3A_48, %dma_wait3A_52] : memref<2x2x360960xi32, #tpu.memory_space<hbm>> -> memref<1x1x80xi32, #tpu.memory_space<hbm>>
    %dma_wait3A_54 = tpu.memref_squeeze %dma_wait3A_53 : memref<1x1x80xi32, #tpu.memory_space<hbm>> -> memref<80xi32, #tpu.memory_space<hbm>>
    tpu.wait_dma2 semaphore(%arg17 : memref<!tpu.dma_semaphore, #tpu.memory_space<semaphore_mem>>) src(%dma_wait3A_54 : memref<80xi32, #tpu.memory_space<hbm>>) dst(%arg11 : memref<80xi32, #tpu.memory_space<vmem>>)
    %dma_wait3A_55 = arith.constant 0 : i32
    %dma_wait3A_56 = arith.constant 0 : i32
    %dma_wait3A_57 = tpu.memref_slice %arg3[%dma_wait3A_55, %dma_wait3A_56] : memref<360960x144xf32, #tpu.memory_space<hbm>> -> memref<80x144xf32, #tpu.memory_space<hbm>>
    %dma_wait3A_58 = arith.constant 0 : i32
    %dma_wait3A_59 = arith.constant 0 : i32
    %dma_wait3A_60 = tpu.memref_slice %arg3[%dma_wait3A_58, %dma_wait3A_59] : memref<360960x144xf32, #tpu.memory_space<hbm>> -> memref<80x144xf32, #tpu.memory_space<hbm>>
    tpu.wait_dma2 semaphore(%arg17 : memref<!tpu.dma_semaphore, #tpu.memory_space<semaphore_mem>>) src(%dma_wait3A_60 : memref<80x144xf32, #tpu.memory_space<hbm>>) dst(%arg13 : memref<80x144xf32, #tpu.memory_space<vmem>>)
    %dma_start3A_61 = arith.constant 0 : i32
    %dma_start3A_62 = arith.constant 0 : i32
    %dma_start3A_63 = tpu.memref_slice %arg4[%dma_start3A_61, %dma_start3A_62] : memref<10000x144xf32, #tpu.memory_space<hbm>> -> memref<10000x144xf32, #tpu.memory_space<hbm>>
    tpu.enqueue_indirect_dma source(%dma_start3A_63 : memref<10000x144xf32, #tpu.memory_space<hbm>>) target(%arg13 : memref<80x144xf32, #tpu.memory_space<vmem>>) offsets(%arg11 : memref<80xi32, #tpu.memory_space<vmem>>) semaphore(%arg19 : memref<!tpu.dma_semaphore, #tpu.memory_space<semaphore_mem>>) {add = true}
    %dma_start3A_64 = arith.constant 0 : i32
    %dma_start3A_65 = arith.constant 0 : i32
    %dma_start3A_66 = tpu.memref_slice %arg5[%dma_start3A_64, %dma_start3A_65] : memref<10000x16xf32, #tpu.memory_space<hbm>> -> memref<10000x16xf32, #tpu.memory_space<hbm>>
    tpu.enqueue_indirect_dma source(%dma_start3A_66 : memref<10000x16xf32, #tpu.memory_space<hbm>>) target(%arg15 : memref<80x16xf32, #tpu.memory_space<vmem>>) offsets(%arg9 : memref<80xi32, #tpu.memory_space<vmem>>) semaphore(%arg19 : memref<!tpu.dma_semaphore, #tpu.memory_space<semaphore_mem>>)
    %scan3A = arith.constant 0 : i32
    %scan3A_67 = arith.constant 0 : i32
    %scan3A_68 = arith.constant 141 : i32
    %scan3A_69 = arith.addi %scan3A_67, %scan3A_68 : i32
    %scan3A_70 = arith.constant 1 : i32
    scf.for %scan3A_73 = %scan3A_67 to %scan3A_69 step %scan3A_70  : i32 {
      %mul3A_74 = arith.constant 2 : i32
      %mul3A_75 = arith.muli %scan3A_73, %mul3A_74 : i32
      %add3A_76 = arith.constant 0 : i32
      %add3A_77 = arith.addi %mul3A_75, %add3A_76 : i32
      %add3A_78 = arith.constant 1 : i32
      %add3A_79 = arith.addi %add3A_77, %add3A_78 : i32
      %lt3A = arith.constant 282 : i32
      %lt3A_80 = arith.cmpi slt, %add3A_79, %lt3A : i32
      %convert_element_type3A = arith.extui %lt3A_80 : i1 to i32
      %cond3A = arith.constant 0 : i32
      %cond3A_81 = arith.cmpi ne, %convert_element_type3A, %cond3A : i32
      scf.if %cond3A_81 {
        %dma_wait3A_436 = arith.constant 0 : i32
        %dma_wait3A_437 = arith.constant 0 : i32
        %dma_wait3A_438 = tpu.memref_slice %arg2[%arg0, %dma_wait3A_436, %dma_wait3A_437] : memref<2x2x360960xi32, #tpu.memory_space<hbm>> -> memref<1x1x80xi32, #tpu.memory_space<hbm>>
        %dma_wait3A_439 = tpu.memref_squeeze %dma_wait3A_438 : memref<1x1x80xi32, #tpu.memory_space<hbm>> -> memref<80xi32, #tpu.memory_space<hbm>>
        %dma_wait3A_440 = arith.constant 0 : i32
        %dma_wait3A_441 = tpu.memref_slice %arg2[%arg0, %dma_wait3A_436, %dma_wait3A_440] : memref<2x2x360960xi32, #tpu.memory_space<hbm>> -> memref<1x1x80xi32, #tpu.memory_space<hbm>>
        %dma_wait3A_442 = tpu.memref_squeeze %dma_wait3A_441 : memref<1x1x80xi32, #tpu.memory_space<hbm>> -> memref<80xi32, #tpu.memory_space<hbm>>
        tpu.wait_dma2 semaphore(%arg18 : memref<!tpu.dma_semaphore, #tpu.memory_space<semaphore_mem>>) src(%dma_wait3A_442 : memref<80xi32, #tpu.memory_space<hbm>>) dst(%arg10 : memref<80xi32, #tpu.memory_space<vmem>>)
        %dma_wait3A_443 = arith.constant 1 : i32
        %dma_wait3A_444 = arith.constant 0 : i32
        %dma_wait3A_445 = tpu.memref_slice %arg2[%arg0, %dma_wait3A_443, %dma_wait3A_444] : memref<2x2x360960xi32, #tpu.memory_space<hbm>> -> memref<1x1x80xi32, #tpu.memory_space<hbm>>
        %dma_wait3A_446 = tpu.memref_squeeze %dma_wait3A_445 : memref<1x1x80xi32, #tpu.memory_space<hbm>> -> memref<80xi32, #tpu.memory_space<hbm>>
        %dma_wait3A_447 = arith.constant 0 : i32
        %dma_wait3A_448 = tpu.memref_slice %arg2[%arg0, %dma_wait3A_443, %dma_wait3A_447] : memref<2x2x360960xi32, #tpu.memory_space<hbm>> -> memref<1x1x80xi32, #tpu.memory_space<hbm>>
        %dma_wait3A_449 = tpu.memref_squeeze %dma_wait3A_448 : memref<1x1x80xi32, #tpu.memory_space<hbm>> -> memref<80xi32, #tpu.memory_space<hbm>>
        tpu.wait_dma2 semaphore(%arg18 : memref<!tpu.dma_semaphore, #tpu.memory_space<semaphore_mem>>) src(%dma_wait3A_449 : memref<80xi32, #tpu.memory_space<hbm>>) dst(%arg12 : memref<80xi32, #tpu.memory_space<vmem>>)
        %dma_wait3A_450 = arith.constant 0 : i32
        %dma_wait3A_451 = arith.constant 0 : i32
        %dma_wait3A_452 = tpu.memref_slice %arg3[%dma_wait3A_450, %dma_wait3A_451] : memref<360960x144xf32, #tpu.memory_space<hbm>> -> memref<80x144xf32, #tpu.memory_space<hbm>>
        %dma_wait3A_453 = arith.constant 0 : i32
        %dma_wait3A_454 = arith.constant 0 : i32
        %dma_wait3A_455 = tpu.memref_slice %arg3[%dma_wait3A_453, %dma_wait3A_454] : memref<360960x144xf32, #tpu.memory_space<hbm>> -> memref<80x144xf32, #tpu.memory_space<hbm>>
        tpu.wait_dma2 semaphore(%arg18 : memref<!tpu.dma_semaphore, #tpu.memory_space<semaphore_mem>>) src(%dma_wait3A_455 : memref<80x144xf32, #tpu.memory_space<hbm>>) dst(%arg14 : memref<80x144xf32, #tpu.memory_space<vmem>>)
        %dma_start3A_456 = arith.constant 0 : i32
        %dma_start3A_457 = arith.constant 0 : i32
        %dma_start3A_458 = tpu.memref_slice %arg4[%dma_start3A_456, %dma_start3A_457] : memref<10000x144xf32, #tpu.memory_space<hbm>> -> memref<10000x144xf32, #tpu.memory_space<hbm>>
        tpu.enqueue_indirect_dma source(%dma_start3A_458 : memref<10000x144xf32, #tpu.memory_space<hbm>>) target(%arg14 : memref<80x144xf32, #tpu.memory_space<vmem>>) offsets(%arg12 : memref<80xi32, #tpu.memory_space<vmem>>) semaphore(%arg20 : memref<!tpu.dma_semaphore, #tpu.memory_space<semaphore_mem>>) {add = true}
        %dma_start3A_459 = arith.constant 0 : i32
        %dma_start3A_460 = arith.constant 0 : i32
        %dma_start3A_461 = tpu.memref_slice %arg5[%dma_start3A_459, %dma_start3A_460] : memref<10000x16xf32, #tpu.memory_space<hbm>> -> memref<10000x16xf32, #tpu.memory_space<hbm>>
        tpu.enqueue_indirect_dma source(%dma_start3A_461 : memref<10000x16xf32, #tpu.memory_space<hbm>>) target(%arg16 : memref<80x16xf32, #tpu.memory_space<vmem>>) offsets(%arg10 : memref<80xi32, #tpu.memory_space<vmem>>) semaphore(%arg20 : memref<!tpu.dma_semaphore, #tpu.memory_space<semaphore_mem>>)
      } else {
      }
      %dma_wait3A_82 = arith.constant 0 : i32
      %dma_wait3A_83 = arith.constant 0 : i32
      %dma_wait3A_84 = tpu.memref_slice %arg4[%dma_wait3A_82, %dma_wait3A_83] : memref<10000x144xf32, #tpu.memory_space<hbm>> -> memref<10000x144xf32, #tpu.memory_space<hbm>>
      tpu.wait_indirect_dma semaphore(%arg19 : memref<!tpu.dma_semaphore, #tpu.memory_space<semaphore_mem>>) src(%dma_wait3A_84 : memref<10000x144xf32, #tpu.memory_space<hbm>>) dst(%arg13 : memref<80x144xf32, #tpu.memory_space<vmem>>)
      %dma_wait3A_85 = arith.constant 0 : i32
      %dma_wait3A_86 = arith.constant 0 : i32
      %dma_wait3A_87 = tpu.memref_slice %arg5[%dma_wait3A_85, %dma_wait3A_86] : memref<10000x16xf32, #tpu.memory_space<hbm>> -> memref<10000x16xf32, #tpu.memory_space<hbm>>
      tpu.wait_indirect_dma semaphore(%arg19 : memref<!tpu.dma_semaphore, #tpu.memory_space<semaphore_mem>>) src(%dma_wait3A_87 : memref<10000x16xf32, #tpu.memory_space<hbm>>) dst(%arg15 : memref<80x16xf32, #tpu.memory_space<vmem>>)
      %add3A_88 = arith.constant 0 : i32
      %add3A_89 = vector.broadcast %add3A_88 : i32 to vector<16xi32>
      %add3A_90 = arith.addi %iota3A, %add3A_89 : vector<16xi32>
      %gather3A = tpu.vector_load_idx %arg13[%add3A_90, %add3A_7] : memref<80x144xf32, #tpu.memory_space<vmem>>[vector<16xi32>, vector<16xi32>], vector<16xf32>,
      %gather3A_91 = tpu.vector_load_idx %arg15[%add3A_90, %broadcast_in_dim3A_3] : memref<80x16xf32, #tpu.memory_space<vmem>>[vector<16xi32>, vector<16xi32>], vector<16xf32>,
      %add3A_92 = arith.addf %gather3A, %gather3A_91 : vector<16xf32>
      %gather3A_93 = tpu.vector_load_idx %arg13[%add3A_90, %add3A_10] : memref<80x144xf32, #tpu.memory_space<vmem>>[vector<16xi32>, vector<16xi32>], vector<16xf32>,
      %gather3A_94 = tpu.vector_load_idx %arg15[%add3A_90, %broadcast_in_dim3A_5] : memref<80x16xf32, #tpu.memory_space<vmem>>[vector<16xi32>, vector<16xi32>], vector<16xf32>,
      %add3A_95 = arith.addf %gather3A_93, %gather3A_94 : vector<16xf32>
      %gt3A = arith.constant 0.000000e+00 : f32
      %gt3A_96 = vector.broadcast %gt3A : f32 to vector<16xf32>
      %gt3A_97 = arith.cmpf ogt, %add3A_92, %gt3A_96 : vector<16xf32>
      %mul3A_98 = arith.constant 2.000000e-01 : f32
      %mul3A_99 = vector.broadcast %mul3A_98 : f32 to vector<16xf32>
      %mul3A_100 = arith.mulf %mul3A_99, %add3A_92 : vector<16xf32>
      %select_n3A = arith.select %gt3A_97, %add3A_92, %mul3A_100 : vector<16xi1>, vector<16xf32>
      %neg3A = arith.constant 0.000000e+00 : f32
      %neg3A_101 = vector.broadcast %neg3A : f32 to vector<16xf32>
      %neg3A_102 = arith.subf %neg3A_101, %select_n3A : vector<16xf32>
      %exp3A = math.exp %neg3A_102 : vector<16xf32>
      %gt3A_103 = arith.constant 0.000000e+00 : f32
      %gt3A_104 = vector.broadcast %gt3A_103 : f32 to vector<16xf32>
      %gt3A_105 = arith.cmpf ogt, %add3A_95, %gt3A_104 : vector<16xf32>
      %mul3A_106 = arith.constant 2.000000e-01 : f32
      %mul3A_107 = vector.broadcast %mul3A_106 : f32 to vector<16xf32>
      %mul3A_108 = arith.mulf %mul3A_107, %add3A_95 : vector<16xf32>
      %select_n3A_109 = arith.select %gt3A_105, %add3A_95, %mul3A_108 : vector<16xi1>, vector<16xf32>
      %neg3A_110 = arith.constant 0.000000e+00 : f32
      %neg3A_111 = vector.broadcast %neg3A_110 : f32 to vector<16xf32>
      %neg3A_112 = arith.subf %neg3A_111, %select_n3A_109 : vector<16xf32>
      %exp3A_113 = math.exp %neg3A_112 : vector<16xf32>
      tpu.vector_store_idx %arg13[%add3A_90, %add3A_7], %exp3A : memref<80x144xf32, #tpu.memory_space<vmem>>[vector<16xi32>, vector<16xi32>], vector<16xf32>,
      tpu.vector_store_idx %arg13[%add3A_90, %add3A_10], %exp3A_113 : memref<80x144xf32, #tpu.memory_space<vmem>>[vector<16xi32>, vector<16xi32>], vector<16xf32>,
      %add3A_114 = arith.constant 16 : i32
      %add3A_115 = vector.broadcast %add3A_114 : i32 to vector<16xi32>
      %add3A_116 = arith.addi %iota3A, %add3A_115 : vector<16xi32>
      %gather3A_117 = tpu.vector_load_idx %arg13[%add3A_116, %add3A_7] : memref<80x144xf32, #tpu.memory_space<vmem>>[vector<16xi32>, vector<16xi32>], vector<16xf32>,
      %gather3A_118 = tpu.vector_load_idx %arg15[%add3A_116, %broadcast_in_dim3A_3] : memref<80x16xf32, #tpu.memory_space<vmem>>[vector<16xi32>, vector<16xi32>], vector<16xf32>,
      %add3A_119 = arith.addf %gather3A_117, %gather3A_118 : vector<16xf32>
      %gather3A_120 = tpu.vector_load_idx %arg13[%add3A_116, %add3A_10] : memref<80x144xf32, #tpu.memory_space<vmem>>[vector<16xi32>, vector<16xi32>], vector<16xf32>,
      %gather3A_121 = tpu.vector_load_idx %arg15[%add3A_116, %broadcast_in_dim3A_5] : memref<80x16xf32, #tpu.memory_space<vmem>>[vector<16xi32>, vector<16xi32>], vector<16xf32>,
      %add3A_122 = arith.addf %gather3A_120, %gather3A_121 : vector<16xf32>
      %gt3A_123 = arith.constant 0.000000e+00 : f32
      %gt3A_124 = vector.broadcast %gt3A_123 : f32 to vector<16xf32>
      %gt3A_125 = arith.cmpf ogt, %add3A_119, %gt3A_124 : vector<16xf32>
      %mul3A_126 = arith.constant 2.000000e-01 : f32
      %mul3A_127 = vector.broadcast %mul3A_126 : f32 to vector<16xf32>
      %mul3A_128 = arith.mulf %mul3A_127, %add3A_119 : vector<16xf32>
      %select_n3A_129 = arith.select %gt3A_125, %add3A_119, %mul3A_128 : vector<16xi1>, vector<16xf32>
      %neg3A_130 = arith.constant 0.000000e+00 : f32
      %neg3A_131 = vector.broadcast %neg3A_130 : f32 to vector<16xf32>
      %neg3A_132 = arith.subf %neg3A_131, %select_n3A_129 : vector<16xf32>
      %exp3A_133 = math.exp %neg3A_132 : vector<16xf32>
      %gt3A_134 = arith.constant 0.000000e+00 : f32
      %gt3A_135 = vector.broadcast %gt3A_134 : f32 to vector<16xf32>
      %gt3A_136 = arith.cmpf ogt, %add3A_122, %gt3A_135 : vector<16xf32>
      %mul3A_137 = arith.constant 2.000000e-01 : f32
      %mul3A_138 = vector.broadcast %mul3A_137 : f32 to vector<16xf32>
      %mul3A_139 = arith.mulf %mul3A_138, %add3A_122 : vector<16xf32>
      %select_n3A_140 = arith.select %gt3A_136, %add3A_122, %mul3A_139 : vector<16xi1>, vector<16xf32>
      %neg3A_141 = arith.constant 0.000000e+00 : f32
      %neg3A_142 = vector.broadcast %neg3A_141 : f32 to vector<16xf32>
      %neg3A_143 = arith.subf %neg3A_142, %select_n3A_140 : vector<16xf32>
      %exp3A_144 = math.exp %neg3A_143 : vector<16xf32>
      tpu.vector_store_idx %arg13[%add3A_116, %add3A_7], %exp3A_133 : memref<80x144xf32, #tpu.memory_space<vmem>>[vector<16xi32>, vector<16xi32>], vector<16xf32>,
      tpu.vector_store_idx %arg13[%add3A_116, %add3A_10], %exp3A_144 : memref<80x144xf32, #tpu.memory_space<vmem>>[vector<16xi32>, vector<16xi32>], vector<16xf32>,
      %add3A_145 = arith.constant 32 : i32
      %add3A_146 = vector.broadcast %add3A_145 : i32 to vector<16xi32>
      %add3A_147 = arith.addi %iota3A, %add3A_146 : vector<16xi32>
      %gather3A_148 = tpu.vector_load_idx %arg13[%add3A_147, %add3A_7] : memref<80x144xf32, #tpu.memory_space<vmem>>[vector<16xi32>, vector<16xi32>], vector<16xf32>,
      %gather3A_149 = tpu.vector_load_idx %arg15[%add3A_147, %broadcast_in_dim3A_3] : memref<80x16xf32, #tpu.memory_space<vmem>>[vector<16xi32>, vector<16xi32>], vector<16xf32>,
      %add3A_150 = arith.addf %gather3A_148, %gather3A_149 : vector<16xf32>
      %gather3A_151 = tpu.vector_load_idx %arg13[%add3A_147, %add3A_10] : memref<80x144xf32, #tpu.memory_space<vmem>>[vector<16xi32>, vector<16xi32>], vector<16xf32>,
      %gather3A_152 = tpu.vector_load_idx %arg15[%add3A_147, %broadcast_in_dim3A_5] : memref<80x16xf32, #tpu.memory_space<vmem>>[vector<16xi32>, vector<16xi32>], vector<16xf32>,
      %add3A_153 = arith.addf %gather3A_151, %gather3A_152 : vector<16xf32>
      %gt3A_154 = arith.constant 0.000000e+00 : f32
      %gt3A_155 = vector.broadcast %gt3A_154 : f32 to vector<16xf32>
      %gt3A_156 = arith.cmpf ogt, %add3A_150, %gt3A_155 : vector<16xf32>
      %mul3A_157 = arith.constant 2.000000e-01 : f32
      %mul3A_158 = vector.broadcast %mul3A_157 : f32 to vector<16xf32>
      %mul3A_159 = arith.mulf %mul3A_158, %add3A_150 : vector<16xf32>
      %select_n3A_160 = arith.select %gt3A_156, %add3A_150, %mul3A_159 : vector<16xi1>, vector<16xf32>
      %neg3A_161 = arith.constant 0.000000e+00 : f32
      %neg3A_162 = vector.broadcast %neg3A_161 : f32 to vector<16xf32>
      %neg3A_163 = arith.subf %neg3A_162, %select_n3A_160 : vector<16xf32>
      %exp3A_164 = math.exp %neg3A_163 : vector<16xf32>
      %gt3A_165 = arith.constant 0.000000e+00 : f32
      %gt3A_166 = vector.broadcast %gt3A_165 : f32 to vector<16xf32>
      %gt3A_167 = arith.cmpf ogt, %add3A_153, %gt3A_166 : vector<16xf32>
      %mul3A_168 = arith.constant 2.000000e-01 : f32
      %mul3A_169 = vector.broadcast %mul3A_168 : f32 to vector<16xf32>
      %mul3A_170 = arith.mulf %mul3A_169, %add3A_153 : vector<16xf32>
      %select_n3A_171 = arith.select %gt3A_167, %add3A_153, %mul3A_170 : vector<16xi1>, vector<16xf32>
      %neg3A_172 = arith.constant 0.000000e+00 : f32
      %neg3A_173 = vector.broadcast %neg3A_172 : f32 to vector<16xf32>
      %neg3A_174 = arith.subf %neg3A_173, %select_n3A_171 : vector<16xf32>
      %exp3A_175 = math.exp %neg3A_174 : vector<16xf32>
      tpu.vector_store_idx %arg13[%add3A_147, %add3A_7], %exp3A_164 : memref<80x144xf32, #tpu.memory_space<vmem>>[vector<16xi32>, vector<16xi32>], vector<16xf32>,
      tpu.vector_store_idx %arg13[%add3A_147, %add3A_10], %exp3A_175 : memref<80x144xf32, #tpu.memory_space<vmem>>[vector<16xi32>, vector<16xi32>], vector<16xf32>,
      %add3A_176 = arith.constant 48 : i32
      %add3A_177 = vector.broadcast %add3A_176 : i32 to vector<16xi32>
      %add3A_178 = arith.addi %iota3A, %add3A_177 : vector<16xi32>
      %gather3A_179 = tpu.vector_load_idx %arg13[%add3A_178, %add3A_7] : memref<80x144xf32, #tpu.memory_space<vmem>>[vector<16xi32>, vector<16xi32>], vector<16xf32>,
      %gather3A_180 = tpu.vector_load_idx %arg15[%add3A_178, %broadcast_in_dim3A_3] : memref<80x16xf32, #tpu.memory_space<vmem>>[vector<16xi32>, vector<16xi32>], vector<16xf32>,
      %add3A_181 = arith.addf %gather3A_179, %gather3A_180 : vector<16xf32>
      %gather3A_182 = tpu.vector_load_idx %arg13[%add3A_178, %add3A_10] : memref<80x144xf32, #tpu.memory_space<vmem>>[vector<16xi32>, vector<16xi32>], vector<16xf32>,
      %gather3A_183 = tpu.vector_load_idx %arg15[%add3A_178, %broadcast_in_dim3A_5] : memref<80x16xf32, #tpu.memory_space<vmem>>[vector<16xi32>, vector<16xi32>], vector<16xf32>,
      %add3A_184 = arith.addf %gather3A_182, %gather3A_183 : vector<16xf32>
      %gt3A_185 = arith.constant 0.000000e+00 : f32
      %gt3A_186 = vector.broadcast %gt3A_185 : f32 to vector<16xf32>
      %gt3A_187 = arith.cmpf ogt, %add3A_181, %gt3A_186 : vector<16xf32>
      %mul3A_188 = arith.constant 2.000000e-01 : f32
      %mul3A_189 = vector.broadcast %mul3A_188 : f32 to vector<16xf32>
      %mul3A_190 = arith.mulf %mul3A_189, %add3A_181 : vector<16xf32>
      %select_n3A_191 = arith.select %gt3A_187, %add3A_181, %mul3A_190 : vector<16xi1>, vector<16xf32>
      %neg3A_192 = arith.constant 0.000000e+00 : f32
      %neg3A_193 = vector.broadcast %neg3A_192 : f32 to vector<16xf32>
      %neg3A_194 = arith.subf %neg3A_193, %select_n3A_191 : vector<16xf32>
      %exp3A_195 = math.exp %neg3A_194 : vector<16xf32>
      %gt3A_196 = arith.constant 0.000000e+00 : f32
      %gt3A_197 = vector.broadcast %gt3A_196 : f32 to vector<16xf32>
      %gt3A_198 = arith.cmpf ogt, %add3A_184, %gt3A_197 : vector<16xf32>
      %mul3A_199 = arith.constant 2.000000e-01 : f32
      %mul3A_200 = vector.broadcast %mul3A_199 : f32 to vector<16xf32>
      %mul3A_201 = arith.mulf %mul3A_200, %add3A_184 : vector<16xf32>
      %select_n3A_202 = arith.select %gt3A_198, %add3A_184, %mul3A_201 : vector<16xi1>, vector<16xf32>
      %neg3A_203 = arith.constant 0.000000e+00 : f32
      %neg3A_204 = vector.broadcast %neg3A_203 : f32 to vector<16xf32>
      %neg3A_205 = arith.subf %neg3A_204, %select_n3A_202 : vector<16xf32>
      %exp3A_206 = math.exp %neg3A_205 : vector<16xf32>
      tpu.vector_store_idx %arg13[%add3A_178, %add3A_7], %exp3A_195 : memref<80x144xf32, #tpu.memory_space<vmem>>[vector<16xi32>, vector<16xi32>], vector<16xf32>,
      tpu.vector_store_idx %arg13[%add3A_178, %add3A_10], %exp3A_206 : memref<80x144xf32, #tpu.memory_space<vmem>>[vector<16xi32>, vector<16xi32>], vector<16xf32>,
      %add3A_207 = arith.constant 64 : i32
      %add3A_208 = vector.broadcast %add3A_207 : i32 to vector<16xi32>
      %add3A_209 = arith.addi %iota3A, %add3A_208 : vector<16xi32>
      %gather3A_210 = tpu.vector_load_idx %arg13[%add3A_209, %add3A_7] : memref<80x144xf32, #tpu.memory_space<vmem>>[vector<16xi32>, vector<16xi32>], vector<16xf32>,
      %gather3A_211 = tpu.vector_load_idx %arg15[%add3A_209, %broadcast_in_dim3A_3] : memref<80x16xf32, #tpu.memory_space<vmem>>[vector<16xi32>, vector<16xi32>], vector<16xf32>,
      %add3A_212 = arith.addf %gather3A_210, %gather3A_211 : vector<16xf32>
      %gather3A_213 = tpu.vector_load_idx %arg13[%add3A_209, %add3A_10] : memref<80x144xf32, #tpu.memory_space<vmem>>[vector<16xi32>, vector<16xi32>], vector<16xf32>,
      %gather3A_214 = tpu.vector_load_idx %arg15[%add3A_209, %broadcast_in_dim3A_5] : memref<80x16xf32, #tpu.memory_space<vmem>>[vector<16xi32>, vector<16xi32>], vector<16xf32>,
      %add3A_215 = arith.addf %gather3A_213, %gather3A_214 : vector<16xf32>
      %gt3A_216 = arith.constant 0.000000e+00 : f32
      %gt3A_217 = vector.broadcast %gt3A_216 : f32 to vector<16xf32>
      %gt3A_218 = arith.cmpf ogt, %add3A_212, %gt3A_217 : vector<16xf32>
      %mul3A_219 = arith.constant 2.000000e-01 : f32
      %mul3A_220 = vector.broadcast %mul3A_219 : f32 to vector<16xf32>
      %mul3A_221 = arith.mulf %mul3A_220, %add3A_212 : vector<16xf32>
      %select_n3A_222 = arith.select %gt3A_218, %add3A_212, %mul3A_221 : vector<16xi1>, vector<16xf32>
      %neg3A_223 = arith.constant 0.000000e+00 : f32
      %neg3A_224 = vector.broadcast %neg3A_223 : f32 to vector<16xf32>
      %neg3A_225 = arith.subf %neg3A_224, %select_n3A_222 : vector<16xf32>
      %exp3A_226 = math.exp %neg3A_225 : vector<16xf32>
      %gt3A_227 = arith.constant 0.000000e+00 : f32
      %gt3A_228 = vector.broadcast %gt3A_227 : f32 to vector<16xf32>
      %gt3A_229 = arith.cmpf ogt, %add3A_215, %gt3A_228 : vector<16xf32>
      %mul3A_230 = arith.constant 2.000000e-01 : f32
      %mul3A_231 = vector.broadcast %mul3A_230 : f32 to vector<16xf32>
      %mul3A_232 = arith.mulf %mul3A_231, %add3A_215 : vector<16xf32>
      %select_n3A_233 = arith.select %gt3A_229, %add3A_215, %mul3A_232 : vector<16xi1>, vector<16xf32>
      %neg3A_234 = arith.constant 0.000000e+00 : f32
      %neg3A_235 = vector.broadcast %neg3A_234 : f32 to vector<16xf32>
      %neg3A_236 = arith.subf %neg3A_235, %select_n3A_233 : vector<16xf32>
      %exp3A_237 = math.exp %neg3A_236 : vector<16xf32>
      tpu.vector_store_idx %arg13[%add3A_209, %add3A_7], %exp3A_226 : memref<80x144xf32, #tpu.memory_space<vmem>>[vector<16xi32>, vector<16xi32>], vector<16xf32>,
      tpu.vector_store_idx %arg13[%add3A_209, %add3A_10], %exp3A_237 : memref<80x144xf32, #tpu.memory_space<vmem>>[vector<16xi32>, vector<16xi32>], vector<16xf32>,
      %scan3A_238 = arith.constant 0 : i32
      %scan3A_239 = arith.constant 0 : i32
      %scan3A_240 = arith.constant 80 : i32
      %scan3A_241 = arith.addi %scan3A_239, %scan3A_240 : i32
      %scan3A_242 = arith.constant 1 : i32
      scf.for %scan3A_436 = %scan3A_239 to %scan3A_241 step %scan3A_242  : i32 {
        %broadcast_in_dim3A_437 = vector.broadcast %scan3A_436 : i32 to vector<16xi32>
        %gather3A_438 = tpu.vector_load_idx %arg13[%broadcast_in_dim3A_437, %add3A_7] : memref<80x144xf32, #tpu.memory_space<vmem>>[vector<16xi32>, vector<16xi32>], vector<16xf32>,
        %gather3A_439 = tpu.vector_load_idx %arg13[%broadcast_in_dim3A_437, %add3A_10] : memref<80x144xf32, #tpu.memory_space<vmem>>[vector<16xi32>, vector<16xi32>], vector<16xf32>,
        %get3A = arith.index_cast %scan3A_436 : i32 to index
        %get3A_440 = arith.constant 0 : index
        %get3A_441 = tpu.vector_load %arg13[%get3A, %get3A_440] {strides = array<i32>} : memref<80x144xf32, #tpu.memory_space<vmem>>, vector<16xf32>,
        %mul3A_442 = arith.mulf %get3A_441, %gather3A_438 : vector<16xf32>
        %swap3A = arith.index_cast %scan3A_436 : i32 to index
        %swap3A_443 = arith.constant 0 : index
        %swap3A_444 = tpu.vector_load %arg13[%swap3A, %swap3A_443] {strides = array<i32>} : memref<80x144xf32, #tpu.memory_space<vmem>>, vector<16xf32>,
        tpu.vector_store %arg13[%swap3A, %swap3A_443], %mul3A_442 {strides = array<i32>} : memref<80x144xf32, #tpu.memory_space<vmem>>, vector<16xf32>,
        %get3A_445 = arith.index_cast %scan3A_436 : i32 to index
        %get3A_446 = arith.constant 16 : index
        %get3A_447 = tpu.vector_load %arg13[%get3A_445, %get3A_446] {strides = array<i32>} : memref<80x144xf32, #tpu.memory_space<vmem>>, vector<16xf32>,
        %mul3A_448 = arith.mulf %get3A_447, %gather3A_438 : vector<16xf32>
        %swap3A_449 = arith.index_cast %scan3A_436 : i32 to index
        %swap3A_450 = arith.constant 16 : index
        %swap3A_451 = tpu.vector_load %arg13[%swap3A_449, %swap3A_450] {strides = array<i32>} : memref<80x144xf32, #tpu.memory_space<vmem>>, vector<16xf32>,
        tpu.vector_store %arg13[%swap3A_449, %swap3A_450], %mul3A_448 {strides = array<i32>} : memref<80x144xf32, #tpu.memory_space<vmem>>, vector<16xf32>,
        %get3A_452 = arith.index_cast %scan3A_436 : i32 to index
        %get3A_453 = arith.constant 32 : index
        %get3A_454 = tpu.vector_load %arg13[%get3A_452, %get3A_453] {strides = array<i32>} : memref<80x144xf32, #tpu.memory_space<vmem>>, vector<16xf32>,
        %mul3A_455 = arith.mulf %get3A_454, %gather3A_438 : vector<16xf32>
        %swap3A_456 = arith.index_cast %scan3A_436 : i32 to index
        %swap3A_457 = arith.constant 32 : index
        %swap3A_458 = tpu.vector_load %arg13[%swap3A_456, %swap3A_457] {strides = array<i32>} : memref<80x144xf32, #tpu.memory_space<vmem>>, vector<16xf32>,
        tpu.vector_store %arg13[%swap3A_456, %swap3A_457], %mul3A_455 {strides = array<i32>} : memref<80x144xf32, #tpu.memory_space<vmem>>, vector<16xf32>,
        %get3A_459 = arith.index_cast %scan3A_436 : i32 to index
        %get3A_460 = arith.constant 48 : index
        %get3A_461 = tpu.vector_load %arg13[%get3A_459, %get3A_460] {strides = array<i32>} : memref<80x144xf32, #tpu.memory_space<vmem>>, vector<16xf32>,
        %mul3A_462 = arith.mulf %get3A_461, %gather3A_438 : vector<16xf32>
        %swap3A_463 = arith.index_cast %scan3A_436 : i32 to index
        %swap3A_464 = arith.constant 48 : index
        %swap3A_465 = tpu.vector_load %arg13[%swap3A_463, %swap3A_464] {strides = array<i32>} : memref<80x144xf32, #tpu.memory_space<vmem>>, vector<16xf32>,
        tpu.vector_store %arg13[%swap3A_463, %swap3A_464], %mul3A_462 {strides = array<i32>} : memref<80x144xf32, #tpu.memory_space<vmem>>, vector<16xf32>,
        %get3A_466 = arith.index_cast %scan3A_436 : i32 to index
        %get3A_467 = arith.constant 64 : index
        %get3A_468 = tpu.vector_load %arg13[%get3A_466, %get3A_467] {strides = array<i32>} : memref<80x144xf32, #tpu.memory_space<vmem>>, vector<16xf32>,
        %mul3A_469 = arith.mulf %get3A_468, %gather3A_439 : vector<16xf32>
        %swap3A_470 = arith.index_cast %scan3A_436 : i32 to index
        %swap3A_471 = arith.constant 64 : index
        %swap3A_472 = tpu.vector_load %arg13[%swap3A_470, %swap3A_471] {strides = array<i32>} : memref<80x144xf32, #tpu.memory_space<vmem>>, vector<16xf32>,
        tpu.vector_store %arg13[%swap3A_470, %swap3A_471], %mul3A_469 {strides = array<i32>} : memref<80x144xf32, #tpu.memory_space<vmem>>, vector<16xf32>,
        %get3A_473 = arith.index_cast %scan3A_436 : i32 to index
        %get3A_474 = arith.constant 80 : index
        %get3A_475 = tpu.vector_load %arg13[%get3A_473, %get3A_474] {strides = array<i32>} : memref<80x144xf32, #tpu.memory_space<vmem>>, vector<16xf32>,
        %mul3A_476 = arith.mulf %get3A_475, %gather3A_439 : vector<16xf32>
        %swap3A_477 = arith.index_cast %scan3A_436 : i32 to index
        %swap3A_478 = arith.constant 80 : index
        %swap3A_479 = tpu.vector_load %arg13[%swap3A_477, %swap3A_478] {strides = array<i32>} : memref<80x144xf32, #tpu.memory_space<vmem>>, vector<16xf32>,
        tpu.vector_store %arg13[%swap3A_477, %swap3A_478], %mul3A_476 {strides = array<i32>} : memref<80x144xf32, #tpu.memory_space<vmem>>, vector<16xf32>,
        %get3A_480 = arith.index_cast %scan3A_436 : i32 to index
        %get3A_481 = arith.constant 96 : index
        %get3A_482 = tpu.vector_load %arg13[%get3A_480, %get3A_481] {strides = array<i32>} : memref<80x144xf32, #tpu.memory_space<vmem>>, vector<16xf32>,
        %mul3A_483 = arith.mulf %get3A_482, %gather3A_439 : vector<16xf32>
        %swap3A_484 = arith.index_cast %scan3A_436 : i32 to index
        %swap3A_485 = arith.constant 96 : index
        %swap3A_486 = tpu.vector_load %arg13[%swap3A_484, %swap3A_485] {strides = array<i32>} : memref<80x144xf32, #tpu.memory_space<vmem>>, vector<16xf32>,
        tpu.vector_store %arg13[%swap3A_484, %swap3A_485], %mul3A_483 {strides = array<i32>} : memref<80x144xf32, #tpu.memory_space<vmem>>, vector<16xf32>,
        %get3A_487 = arith.index_cast %scan3A_436 : i32 to index
        %get3A_488 = arith.constant 112 : index
        %get3A_489 = tpu.vector_load %arg13[%get3A_487, %get3A_488] {strides = array<i32>} : memref<80x144xf32, #tpu.memory_space<vmem>>, vector<16xf32>,
        %mul3A_490 = arith.mulf %get3A_489, %gather3A_439 : vector<16xf32>
        %swap3A_491 = arith.index_cast %scan3A_436 : i32 to index
        %swap3A_492 = arith.constant 112 : index
        %swap3A_493 = tpu.vector_load %arg13[%swap3A_491, %swap3A_492] {strides = array<i32>} : memref<80x144xf32, #tpu.memory_space<vmem>>, vector<16xf32>,
        tpu.vector_store %arg13[%swap3A_491, %swap3A_492], %mul3A_490 {strides = array<i32>} : memref<80x144xf32, #tpu.memory_space<vmem>>, vector<16xf32>,
      }
      %scan3A_243 = arith.constant 80 : i32
      "tpu.region"() ({
        %run_scoped3A = tpu.sem_alloc : memref<!tpu.dma_semaphore, #tpu.memory_space<semaphore_mem>>
        %dma_start3A_436 = arith.constant 0 : i32
        %dma_start3A_437 = arith.constant 0 : i32
        %dma_start3A_438 = tpu.memref_slice %arg8[%dma_start3A_436, %dma_start3A_437] : memref<10000x144xf32, #tpu.memory_space<vmem_shared>> -> memref<10000x144xf32, #tpu.memory_space<vmem_shared>>
        tpu.enqueue_indirect_dma source(%arg13 : memref<80x144xf32, #tpu.memory_space<vmem>>) target(%dma_start3A_438 : memref<10000x144xf32, #tpu.memory_space<vmem_shared>>) offsets(%arg9 : memref<80xi32, #tpu.memory_space<vmem>>) semaphore(%run_scoped3A : memref<!tpu.dma_semaphore, #tpu.memory_space<semaphore_mem>>) {add = true}
        %dma_wait3A_439 = arith.constant 0 : i32
        %dma_wait3A_440 = arith.constant 0 : i32
        %dma_wait3A_441 = tpu.memref_slice %arg8[%dma_wait3A_439, %dma_wait3A_440] : memref<10000x144xf32, #tpu.memory_space<vmem_shared>> -> memref<10000x144xf32, #tpu.memory_space<vmem_shared>>
        tpu.wait_indirect_dma semaphore(%run_scoped3A : memref<!tpu.dma_semaphore, #tpu.memory_space<semaphore_mem>>) src(%arg13 : memref<80x144xf32, #tpu.memory_space<vmem>>) dst(%dma_wait3A_441 : memref<10000x144xf32, #tpu.memory_space<vmem_shared>>)
        tpu.yield
      }) : () -> ()
      %add3A_244 = arith.constant 2 : i32
      %add3A_245 = arith.addi %add3A_77, %add3A_244 : i32
      %lt3A_246 = arith.constant 282 : i32
      %lt3A_247 = arith.cmpi slt, %add3A_245, %lt3A_246 : i32
      %convert_element_type3A_248 = arith.extui %lt3A_247 : i1 to i32
      %cond3A_249 = arith.constant 0 : i32
      %cond3A_250 = arith.cmpi ne, %convert_element_type3A_248, %cond3A_249 : i32
      scf.if %cond3A_250 {
        %add3A_436 = arith.constant 2 : i32
        %add3A_437 = arith.addi %add3A_77, %add3A_436 : i32
        %mul3A_438 = arith.constant 80 : i32
        %mul3A_439 = arith.muli %add3A_437, %mul3A_438 : i32
        %add3A_440 = arith.addi %mul3A_2, %mul3A_439 : i32
        %dma_start3A_441 = arith.constant 0 : i32
        %dma_start3A_442 = tpu.memref_slice %arg2[%arg0, %dma_start3A_441, %add3A_440] : memref<2x2x360960xi32, #tpu.memory_space<hbm>> -> memref<1x1x80xi32, #tpu.memory_space<hbm>>
        %dma_start3A_443 = tpu.memref_squeeze %dma_start3A_442 : memref<1x1x80xi32, #tpu.memory_space<hbm>> -> memref<80xi32, #tpu.memory_space<hbm>>
        %dma_start3A_444 = tpu.memref_slice %arg2[%arg0, %dma_start3A_441, %add3A_440] : memref<2x2x360960xi32, #tpu.memory_space<hbm>> -> memref<1x1x80xi32, #tpu.memory_space<hbm>>
        %dma_start3A_445 = tpu.memref_squeeze %dma_start3A_444 : memref<1x1x80xi32, #tpu.memory_space<hbm>> -> memref<80xi32, #tpu.memory_space<hbm>>
        tpu.enqueue_dma source(%dma_start3A_445 : memref<80xi32, #tpu.memory_space<hbm>>) target(%arg9 : memref<80xi32, #tpu.memory_space<vmem>>) target_semaphore(%arg17 : memref<!tpu.dma_semaphore, #tpu.memory_space<semaphore_mem>>)
        %dma_start3A_446 = arith.constant 1 : i32
        %dma_start3A_447 = tpu.memref_slice %arg2[%arg0, %dma_start3A_446, %add3A_440] : memref<2x2x360960xi32, #tpu.memory_space<hbm>> -> memref<1x1x80xi32, #tpu.memory_space<hbm>>
        %dma_start3A_448 = tpu.memref_squeeze %dma_start3A_447 : memref<1x1x80xi32, #tpu.memory_space<hbm>> -> memref<80xi32, #tpu.memory_space<hbm>>
        %dma_start3A_449 = tpu.memref_slice %arg2[%arg0, %dma_start3A_446, %add3A_440] : memref<2x2x360960xi32, #tpu.memory_space<hbm>> -> memref<1x1x80xi32, #tpu.memory_space<hbm>>
        %dma_start3A_450 = tpu.memref_squeeze %dma_start3A_449 : memref<1x1x80xi32, #tpu.memory_space<hbm>> -> memref<80xi32, #tpu.memory_space<hbm>>
        tpu.enqueue_dma source(%dma_start3A_450 : memref<80xi32, #tpu.memory_space<hbm>>) target(%arg11 : memref<80xi32, #tpu.memory_space<vmem>>) target_semaphore(%arg17 : memref<!tpu.dma_semaphore, #tpu.memory_space<semaphore_mem>>)
        %dma_start3A_451 = arith.constant 0 : i32
        %dma_start3A_452 = tpu.memref_slice %arg3[%add3A_440, %dma_start3A_451] : memref<360960x144xf32, #tpu.memory_space<hbm>> -> memref<80x144xf32, #tpu.memory_space<hbm>>
        %dma_start3A_453 = arith.constant 0 : i32
        %dma_start3A_454 = tpu.memref_slice %arg3[%add3A_440, %dma_start3A_453] : memref<360960x144xf32, #tpu.memory_space<hbm>> -> memref<80x144xf32, #tpu.memory_space<hbm>>
        tpu.enqueue_dma source(%dma_start3A_454 : memref<80x144xf32, #tpu.memory_space<hbm>>) target(%arg13 : memref<80x144xf32, #tpu.memory_space<vmem>>) target_semaphore(%arg17 : memref<!tpu.dma_semaphore, #tpu.memory_space<semaphore_mem>>)
      } else {
      }
      %mul3A_251 = arith.constant 2 : i32
      %mul3A_252 = arith.muli %scan3A_73, %mul3A_251 : i32
      %add3A_253 = arith.constant 1 : i32
      %add3A_254 = arith.addi %mul3A_252, %add3A_253 : i32
      %add3A_255 = arith.constant 1 : i32
      %add3A_256 = arith.addi %add3A_254, %add3A_255 : i32
      %lt3A_257 = arith.constant 282 : i32
      %lt3A_258 = arith.cmpi slt, %add3A_256, %lt3A_257 : i32
      %convert_element_type3A_259 = arith.extui %lt3A_258 : i1 to i32
      %cond3A_260 = arith.constant 0 : i32
      %cond3A_261 = arith.cmpi ne, %convert_element_type3A_259, %cond3A_260 : i32
      scf.if %cond3A_261 {
        %dma_wait3A_436 = arith.constant 0 : i32
        %dma_wait3A_437 = arith.constant 0 : i32
        %dma_wait3A_438 = tpu.memref_slice %arg2[%arg0, %dma_wait3A_436, %dma_wait3A_437] : memref<2x2x360960xi32, #tpu.memory_space<hbm>> -> memref<1x1x80xi32, #tpu.memory_space<hbm>>
        %dma_wait3A_439 = tpu.memref_squeeze %dma_wait3A_438 : memref<1x1x80xi32, #tpu.memory_space<hbm>> -> memref<80xi32, #tpu.memory_space<hbm>>
        %dma_wait3A_440 = arith.constant 0 : i32
        %dma_wait3A_441 = tpu.memref_slice %arg2[%arg0, %dma_wait3A_436, %dma_wait3A_440] : memref<2x2x360960xi32, #tpu.memory_space<hbm>> -> memref<1x1x80xi32, #tpu.memory_space<hbm>>
        %dma_wait3A_442 = tpu.memref_squeeze %dma_wait3A_441 : memref<1x1x80xi32, #tpu.memory_space<hbm>> -> memref<80xi32, #tpu.memory_space<hbm>>
        tpu.wait_dma2 semaphore(%arg17 : memref<!tpu.dma_semaphore, #tpu.memory_space<semaphore_mem>>) src(%dma_wait3A_442 : memref<80xi32, #tpu.memory_space<hbm>>) dst(%arg9 : memref<80xi32, #tpu.memory_space<vmem>>)
        %dma_wait3A_443 = arith.constant 1 : i32
        %dma_wait3A_444 = arith.constant 0 : i32
        %dma_wait3A_445 = tpu.memref_slice %arg2[%arg0, %dma_wait3A_443, %dma_wait3A_444] : memref<2x2x360960xi32, #tpu.memory_space<hbm>> -> memref<1x1x80xi32, #tpu.memory_space<hbm>>
        %dma_wait3A_446 = tpu.memref_squeeze %dma_wait3A_445 : memref<1x1x80xi32, #tpu.memory_space<hbm>> -> memref<80xi32, #tpu.memory_space<hbm>>
        %dma_wait3A_447 = arith.constant 0 : i32
        %dma_wait3A_448 = tpu.memref_slice %arg2[%arg0, %dma_wait3A_443, %dma_wait3A_447] : memref<2x2x360960xi32, #tpu.memory_space<hbm>> -> memref<1x1x80xi32, #tpu.memory_space<hbm>>
        %dma_wait3A_449 = tpu.memref_squeeze %dma_wait3A_448 : memref<1x1x80xi32, #tpu.memory_space<hbm>> -> memref<80xi32, #tpu.memory_space<hbm>>
        tpu.wait_dma2 semaphore(%arg17 : memref<!tpu.dma_semaphore, #tpu.memory_space<semaphore_mem>>) src(%dma_wait3A_449 : memref<80xi32, #tpu.memory_space<hbm>>) dst(%arg11 : memref<80xi32, #tpu.memory_space<vmem>>)
        %dma_wait3A_450 = arith.constant 0 : i32
        %dma_wait3A_451 = arith.constant 0 : i32
        %dma_wait3A_452 = tpu.memref_slice %arg3[%dma_wait3A_450, %dma_wait3A_451] : memref<360960x144xf32, #tpu.memory_space<hbm>> -> memref<80x144xf32, #tpu.memory_space<hbm>>
        %dma_wait3A_453 = arith.constant 0 : i32
        %dma_wait3A_454 = arith.constant 0 : i32
        %dma_wait3A_455 = tpu.memref_slice %arg3[%dma_wait3A_453, %dma_wait3A_454] : memref<360960x144xf32, #tpu.memory_space<hbm>> -> memref<80x144xf32, #tpu.memory_space<hbm>>
        tpu.wait_dma2 semaphore(%arg17 : memref<!tpu.dma_semaphore, #tpu.memory_space<semaphore_mem>>) src(%dma_wait3A_455 : memref<80x144xf32, #tpu.memory_space<hbm>>) dst(%arg13 : memref<80x144xf32, #tpu.memory_space<vmem>>)
        %dma_start3A_456 = arith.constant 0 : i32
        %dma_start3A_457 = arith.constant 0 : i32
        %dma_start3A_458 = tpu.memref_slice %arg4[%dma_start3A_456, %dma_start3A_457] : memref<10000x144xf32, #tpu.memory_space<hbm>> -> memref<10000x144xf32, #tpu.memory_space<hbm>>
        tpu.enqueue_indirect_dma source(%dma_start3A_458 : memref<10000x144xf32, #tpu.memory_space<hbm>>) target(%arg13 : memref<80x144xf32, #tpu.memory_space<vmem>>) offsets(%arg11 : memref<80xi32, #tpu.memory_space<vmem>>) semaphore(%arg19 : memref<!tpu.dma_semaphore, #tpu.memory_space<semaphore_mem>>) {add = true}
        %dma_start3A_459 = arith.constant 0 : i32
        %dma_start3A_460 = arith.constant 0 : i32
        %dma_start3A_461 = tpu.memref_slice %arg5[%dma_start3A_459, %dma_start3A_460] : memref<10000x16xf32, #tpu.memory_space<hbm>> -> memref<10000x16xf32, #tpu.memory_space<hbm>>
        tpu.enqueue_indirect_dma source(%dma_start3A_461 : memref<10000x16xf32, #tpu.memory_space<hbm>>) target(%arg15 : memref<80x16xf32, #tpu.memory_space<vmem>>) offsets(%arg9 : memref<80xi32, #tpu.memory_space<vmem>>) semaphore(%arg19 : memref<!tpu.dma_semaphore, #tpu.memory_space<semaphore_mem>>)
      } else {
      }
      %dma_wait3A_262 = arith.constant 0 : i32
      %dma_wait3A_263 = arith.constant 0 : i32
      %dma_wait3A_264 = tpu.memref_slice %arg4[%dma_wait3A_262, %dma_wait3A_263] : memref<10000x144xf32, #tpu.memory_space<hbm>> -> memref<10000x144xf32, #tpu.memory_space<hbm>>
      tpu.wait_indirect_dma semaphore(%arg20 : memref<!tpu.dma_semaphore, #tpu.memory_space<semaphore_mem>>) src(%dma_wait3A_264 : memref<10000x144xf32, #tpu.memory_space<hbm>>) dst(%arg14 : memref<80x144xf32, #tpu.memory_space<vmem>>)
      %dma_wait3A_265 = arith.constant 0 : i32
      %dma_wait3A_266 = arith.constant 0 : i32
      %dma_wait3A_267 = tpu.memref_slice %arg5[%dma_wait3A_265, %dma_wait3A_266] : memref<10000x16xf32, #tpu.memory_space<hbm>> -> memref<10000x16xf32, #tpu.memory_space<hbm>>
      tpu.wait_indirect_dma semaphore(%arg20 : memref<!tpu.dma_semaphore, #tpu.memory_space<semaphore_mem>>) src(%dma_wait3A_267 : memref<10000x16xf32, #tpu.memory_space<hbm>>) dst(%arg16 : memref<80x16xf32, #tpu.memory_space<vmem>>)
      %add3A_268 = arith.constant 0 : i32
      %add3A_269 = vector.broadcast %add3A_268 : i32 to vector<16xi32>
      %add3A_270 = arith.addi %iota3A, %add3A_269 : vector<16xi32>
      %gather3A_271 = tpu.vector_load_idx %arg14[%add3A_270, %add3A_7] : memref<80x144xf32, #tpu.memory_space<vmem>>[vector<16xi32>, vector<16xi32>], vector<16xf32>,
      %gather3A_272 = tpu.vector_load_idx %arg16[%add3A_270, %broadcast_in_dim3A_3] : memref<80x16xf32, #tpu.memory_space<vmem>>[vector<16xi32>, vector<16xi32>], vector<16xf32>,
      %add3A_273 = arith.addf %gather3A_271, %gather3A_272 : vector<16xf32>
      %gather3A_274 = tpu.vector_load_idx %arg14[%add3A_270, %add3A_10] : memref<80x144xf32, #tpu.memory_space<vmem>>[vector<16xi32>, vector<16xi32>], vector<16xf32>,
      %gather3A_275 = tpu.vector_load_idx %arg16[%add3A_270, %broadcast_in_dim3A_5] : memref<80x16xf32, #tpu.memory_space<vmem>>[vector<16xi32>, vector<16xi32>], vector<16xf32>,
      %add3A_276 = arith.addf %gather3A_274, %gather3A_275 : vector<16xf32>
      %gt3A_277 = arith.constant 0.000000e+00 : f32
      %gt3A_278 = vector.broadcast %gt3A_277 : f32 to vector<16xf32>
      %gt3A_279 = arith.cmpf ogt, %add3A_273, %gt3A_278 : vector<16xf32>
      %mul3A_280 = arith.constant 2.000000e-01 : f32
      %mul3A_281 = vector.broadcast %mul3A_280 : f32 to vector<16xf32>
      %mul3A_282 = arith.mulf %mul3A_281, %add3A_273 : vector<16xf32>
      %select_n3A_283 = arith.select %gt3A_279, %add3A_273, %mul3A_282 : vector<16xi1>, vector<16xf32>
      %neg3A_284 = arith.constant 0.000000e+00 : f32
      %neg3A_285 = vector.broadcast %neg3A_284 : f32 to vector<16xf32>
      %neg3A_286 = arith.subf %neg3A_285, %select_n3A_283 : vector<16xf32>
      %exp3A_287 = math.exp %neg3A_286 : vector<16xf32>
      %gt3A_288 = arith.constant 0.000000e+00 : f32
      %gt3A_289 = vector.broadcast %gt3A_288 : f32 to vector<16xf32>
      %gt3A_290 = arith.cmpf ogt, %add3A_276, %gt3A_289 : vector<16xf32>
      %mul3A_291 = arith.constant 2.000000e-01 : f32
      %mul3A_292 = vector.broadcast %mul3A_291 : f32 to vector<16xf32>
      %mul3A_293 = arith.mulf %mul3A_292, %add3A_276 : vector<16xf32>
      %select_n3A_294 = arith.select %gt3A_290, %add3A_276, %mul3A_293 : vector<16xi1>, vector<16xf32>
      %neg3A_295 = arith.constant 0.000000e+00 : f32
      %neg3A_296 = vector.broadcast %neg3A_295 : f32 to vector<16xf32>
      %neg3A_297 = arith.subf %neg3A_296, %select_n3A_294 : vector<16xf32>
      %exp3A_298 = math.exp %neg3A_297 : vector<16xf32>
      tpu.vector_store_idx %arg14[%add3A_270, %add3A_7], %exp3A_287 : memref<80x144xf32, #tpu.memory_space<vmem>>[vector<16xi32>, vector<16xi32>], vector<16xf32>,
      tpu.vector_store_idx %arg14[%add3A_270, %add3A_10], %exp3A_298 : memref<80x144xf32, #tpu.memory_space<vmem>>[vector<16xi32>, vector<16xi32>], vector<16xf32>,
      %add3A_299 = arith.constant 16 : i32
      %add3A_300 = vector.broadcast %add3A_299 : i32 to vector<16xi32>
      %add3A_301 = arith.addi %iota3A, %add3A_300 : vector<16xi32>
      %gather3A_302 = tpu.vector_load_idx %arg14[%add3A_301, %add3A_7] : memref<80x144xf32, #tpu.memory_space<vmem>>[vector<16xi32>, vector<16xi32>], vector<16xf32>,
      %gather3A_303 = tpu.vector_load_idx %arg16[%add3A_301, %broadcast_in_dim3A_3] : memref<80x16xf32, #tpu.memory_space<vmem>>[vector<16xi32>, vector<16xi32>], vector<16xf32>,
      %add3A_304 = arith.addf %gather3A_302, %gather3A_303 : vector<16xf32>
      %gather3A_305 = tpu.vector_load_idx %arg14[%add3A_301, %add3A_10] : memref<80x144xf32, #tpu.memory_space<vmem>>[vector<16xi32>, vector<16xi32>], vector<16xf32>,
      %gather3A_306 = tpu.vector_load_idx %arg16[%add3A_301, %broadcast_in_dim3A_5] : memref<80x16xf32, #tpu.memory_space<vmem>>[vector<16xi32>, vector<16xi32>], vector<16xf32>,
      %add3A_307 = arith.addf %gather3A_305, %gather3A_306 : vector<16xf32>
      %gt3A_308 = arith.constant 0.000000e+00 : f32
      %gt3A_309 = vector.broadcast %gt3A_308 : f32 to vector<16xf32>
      %gt3A_310 = arith.cmpf ogt, %add3A_304, %gt3A_309 : vector<16xf32>
      %mul3A_311 = arith.constant 2.000000e-01 : f32
      %mul3A_312 = vector.broadcast %mul3A_311 : f32 to vector<16xf32>
      %mul3A_313 = arith.mulf %mul3A_312, %add3A_304 : vector<16xf32>
      %select_n3A_314 = arith.select %gt3A_310, %add3A_304, %mul3A_313 : vector<16xi1>, vector<16xf32>
      %neg3A_315 = arith.constant 0.000000e+00 : f32
      %neg3A_316 = vector.broadcast %neg3A_315 : f32 to vector<16xf32>
      %neg3A_317 = arith.subf %neg3A_316, %select_n3A_314 : vector<16xf32>
      %exp3A_318 = math.exp %neg3A_317 : vector<16xf32>
      %gt3A_319 = arith.constant 0.000000e+00 : f32
      %gt3A_320 = vector.broadcast %gt3A_319 : f32 to vector<16xf32>
      %gt3A_321 = arith.cmpf ogt, %add3A_307, %gt3A_320 : vector<16xf32>
      %mul3A_322 = arith.constant 2.000000e-01 : f32
      %mul3A_323 = vector.broadcast %mul3A_322 : f32 to vector<16xf32>
      %mul3A_324 = arith.mulf %mul3A_323, %add3A_307 : vector<16xf32>
      %select_n3A_325 = arith.select %gt3A_321, %add3A_307, %mul3A_324 : vector<16xi1>, vector<16xf32>
      %neg3A_326 = arith.constant 0.000000e+00 : f32
      %neg3A_327 = vector.broadcast %neg3A_326 : f32 to vector<16xf32>
      %neg3A_328 = arith.subf %neg3A_327, %select_n3A_325 : vector<16xf32>
      %exp3A_329 = math.exp %neg3A_328 : vector<16xf32>
      tpu.vector_store_idx %arg14[%add3A_301, %add3A_7], %exp3A_318 : memref<80x144xf32, #tpu.memory_space<vmem>>[vector<16xi32>, vector<16xi32>], vector<16xf32>,
      tpu.vector_store_idx %arg14[%add3A_301, %add3A_10], %exp3A_329 : memref<80x144xf32, #tpu.memory_space<vmem>>[vector<16xi32>, vector<16xi32>], vector<16xf32>,
      %add3A_330 = arith.constant 32 : i32
      %add3A_331 = vector.broadcast %add3A_330 : i32 to vector<16xi32>
      %add3A_332 = arith.addi %iota3A, %add3A_331 : vector<16xi32>
      %gather3A_333 = tpu.vector_load_idx %arg14[%add3A_332, %add3A_7] : memref<80x144xf32, #tpu.memory_space<vmem>>[vector<16xi32>, vector<16xi32>], vector<16xf32>,
      %gather3A_334 = tpu.vector_load_idx %arg16[%add3A_332, %broadcast_in_dim3A_3] : memref<80x16xf32, #tpu.memory_space<vmem>>[vector<16xi32>, vector<16xi32>], vector<16xf32>,
      %add3A_335 = arith.addf %gather3A_333, %gather3A_334 : vector<16xf32>
      %gather3A_336 = tpu.vector_load_idx %arg14[%add3A_332, %add3A_10] : memref<80x144xf32, #tpu.memory_space<vmem>>[vector<16xi32>, vector<16xi32>], vector<16xf32>,
      %gather3A_337 = tpu.vector_load_idx %arg16[%add3A_332, %broadcast_in_dim3A_5] : memref<80x16xf32, #tpu.memory_space<vmem>>[vector<16xi32>, vector<16xi32>], vector<16xf32>,
      %add3A_338 = arith.addf %gather3A_336, %gather3A_337 : vector<16xf32>
      %gt3A_339 = arith.constant 0.000000e+00 : f32
      %gt3A_340 = vector.broadcast %gt3A_339 : f32 to vector<16xf32>
      %gt3A_341 = arith.cmpf ogt, %add3A_335, %gt3A_340 : vector<16xf32>
      %mul3A_342 = arith.constant 2.000000e-01 : f32
      %mul3A_343 = vector.broadcast %mul3A_342 : f32 to vector<16xf32>
      %mul3A_344 = arith.mulf %mul3A_343, %add3A_335 : vector<16xf32>
      %select_n3A_345 = arith.select %gt3A_341, %add3A_335, %mul3A_344 : vector<16xi1>, vector<16xf32>
      %neg3A_346 = arith.constant 0.000000e+00 : f32
      %neg3A_347 = vector.broadcast %neg3A_346 : f32 to vector<16xf32>
      %neg3A_348 = arith.subf %neg3A_347, %select_n3A_345 : vector<16xf32>
      %exp3A_349 = math.exp %neg3A_348 : vector<16xf32>
      %gt3A_350 = arith.constant 0.000000e+00 : f32
      %gt3A_351 = vector.broadcast %gt3A_350 : f32 to vector<16xf32>
      %gt3A_352 = arith.cmpf ogt, %add3A_338, %gt3A_351 : vector<16xf32>
      %mul3A_353 = arith.constant 2.000000e-01 : f32
      %mul3A_354 = vector.broadcast %mul3A_353 : f32 to vector<16xf32>
      %mul3A_355 = arith.mulf %mul3A_354, %add3A_338 : vector<16xf32>
      %select_n3A_356 = arith.select %gt3A_352, %add3A_338, %mul3A_355 : vector<16xi1>, vector<16xf32>
      %neg3A_357 = arith.constant 0.000000e+00 : f32
      %neg3A_358 = vector.broadcast %neg3A_357 : f32 to vector<16xf32>
      %neg3A_359 = arith.subf %neg3A_358, %select_n3A_356 : vector<16xf32>
      %exp3A_360 = math.exp %neg3A_359 : vector<16xf32>
      tpu.vector_store_idx %arg14[%add3A_332, %add3A_7], %exp3A_349 : memref<80x144xf32, #tpu.memory_space<vmem>>[vector<16xi32>, vector<16xi32>], vector<16xf32>,
      tpu.vector_store_idx %arg14[%add3A_332, %add3A_10], %exp3A_360 : memref<80x144xf32, #tpu.memory_space<vmem>>[vector<16xi32>, vector<16xi32>], vector<16xf32>,
      %add3A_361 = arith.constant 48 : i32
      %add3A_362 = vector.broadcast %add3A_361 : i32 to vector<16xi32>
      %add3A_363 = arith.addi %iota3A, %add3A_362 : vector<16xi32>
      %gather3A_364 = tpu.vector_load_idx %arg14[%add3A_363, %add3A_7] : memref<80x144xf32, #tpu.memory_space<vmem>>[vector<16xi32>, vector<16xi32>], vector<16xf32>,
      %gather3A_365 = tpu.vector_load_idx %arg16[%add3A_363, %broadcast_in_dim3A_3] : memref<80x16xf32, #tpu.memory_space<vmem>>[vector<16xi32>, vector<16xi32>], vector<16xf32>,
      %add3A_366 = arith.addf %gather3A_364, %gather3A_365 : vector<16xf32>
      %gather3A_367 = tpu.vector_load_idx %arg14[%add3A_363, %add3A_10] : memref<80x144xf32, #tpu.memory_space<vmem>>[vector<16xi32>, vector<16xi32>], vector<16xf32>,
      %gather3A_368 = tpu.vector_load_idx %arg16[%add3A_363, %broadcast_in_dim3A_5] : memref<80x16xf32, #tpu.memory_space<vmem>>[vector<16xi32>, vector<16xi32>], vector<16xf32>,
      %add3A_369 = arith.addf %gather3A_367, %gather3A_368 : vector<16xf32>
      %gt3A_370 = arith.constant 0.000000e+00 : f32
      %gt3A_371 = vector.broadcast %gt3A_370 : f32 to vector<16xf32>
      %gt3A_372 = arith.cmpf ogt, %add3A_366, %gt3A_371 : vector<16xf32>
      %mul3A_373 = arith.constant 2.000000e-01 : f32
      %mul3A_374 = vector.broadcast %mul3A_373 : f32 to vector<16xf32>
      %mul3A_375 = arith.mulf %mul3A_374, %add3A_366 : vector<16xf32>
      %select_n3A_376 = arith.select %gt3A_372, %add3A_366, %mul3A_375 : vector<16xi1>, vector<16xf32>
      %neg3A_377 = arith.constant 0.000000e+00 : f32
      %neg3A_378 = vector.broadcast %neg3A_377 : f32 to vector<16xf32>
      %neg3A_379 = arith.subf %neg3A_378, %select_n3A_376 : vector<16xf32>
      %exp3A_380 = math.exp %neg3A_379 : vector<16xf32>
      %gt3A_381 = arith.constant 0.000000e+00 : f32
      %gt3A_382 = vector.broadcast %gt3A_381 : f32 to vector<16xf32>
      %gt3A_383 = arith.cmpf ogt, %add3A_369, %gt3A_382 : vector<16xf32>
      %mul3A_384 = arith.constant 2.000000e-01 : f32
      %mul3A_385 = vector.broadcast %mul3A_384 : f32 to vector<16xf32>
      %mul3A_386 = arith.mulf %mul3A_385, %add3A_369 : vector<16xf32>
      %select_n3A_387 = arith.select %gt3A_383, %add3A_369, %mul3A_386 : vector<16xi1>, vector<16xf32>
      %neg3A_388 = arith.constant 0.000000e+00 : f32
      %neg3A_389 = vector.broadcast %neg3A_388 : f32 to vector<16xf32>
      %neg3A_390 = arith.subf %neg3A_389, %select_n3A_387 : vector<16xf32>
      %exp3A_391 = math.exp %neg3A_390 : vector<16xf32>
      tpu.vector_store_idx %arg14[%add3A_363, %add3A_7], %exp3A_380 : memref<80x144xf32, #tpu.memory_space<vmem>>[vector<16xi32>, vector<16xi32>], vector<16xf32>,
      tpu.vector_store_idx %arg14[%add3A_363, %add3A_10], %exp3A_391 : memref<80x144xf32, #tpu.memory_space<vmem>>[vector<16xi32>, vector<16xi32>], vector<16xf32>,
      %add3A_392 = arith.constant 64 : i32
      %add3A_393 = vector.broadcast %add3A_392 : i32 to vector<16xi32>
      %add3A_394 = arith.addi %iota3A, %add3A_393 : vector<16xi32>
      %gather3A_395 = tpu.vector_load_idx %arg14[%add3A_394, %add3A_7] : memref<80x144xf32, #tpu.memory_space<vmem>>[vector<16xi32>, vector<16xi32>], vector<16xf32>,
      %gather3A_396 = tpu.vector_load_idx %arg16[%add3A_394, %broadcast_in_dim3A_3] : memref<80x16xf32, #tpu.memory_space<vmem>>[vector<16xi32>, vector<16xi32>], vector<16xf32>,
      %add3A_397 = arith.addf %gather3A_395, %gather3A_396 : vector<16xf32>
      %gather3A_398 = tpu.vector_load_idx %arg14[%add3A_394, %add3A_10] : memref<80x144xf32, #tpu.memory_space<vmem>>[vector<16xi32>, vector<16xi32>], vector<16xf32>,
      %gather3A_399 = tpu.vector_load_idx %arg16[%add3A_394, %broadcast_in_dim3A_5] : memref<80x16xf32, #tpu.memory_space<vmem>>[vector<16xi32>, vector<16xi32>], vector<16xf32>,
      %add3A_400 = arith.addf %gather3A_398, %gather3A_399 : vector<16xf32>
      %gt3A_401 = arith.constant 0.000000e+00 : f32
      %gt3A_402 = vector.broadcast %gt3A_401 : f32 to vector<16xf32>
      %gt3A_403 = arith.cmpf ogt, %add3A_397, %gt3A_402 : vector<16xf32>
      %mul3A_404 = arith.constant 2.000000e-01 : f32
      %mul3A_405 = vector.broadcast %mul3A_404 : f32 to vector<16xf32>
      %mul3A_406 = arith.mulf %mul3A_405, %add3A_397 : vector<16xf32>
      %select_n3A_407 = arith.select %gt3A_403, %add3A_397, %mul3A_406 : vector<16xi1>, vector<16xf32>
      %neg3A_408 = arith.constant 0.000000e+00 : f32
      %neg3A_409 = vector.broadcast %neg3A_408 : f32 to vector<16xf32>
      %neg3A_410 = arith.subf %neg3A_409, %select_n3A_407 : vector<16xf32>
      %exp3A_411 = math.exp %neg3A_410 : vector<16xf32>
      %gt3A_412 = arith.constant 0.000000e+00 : f32
      %gt3A_413 = vector.broadcast %gt3A_412 : f32 to vector<16xf32>
      %gt3A_414 = arith.cmpf ogt, %add3A_400, %gt3A_413 : vector<16xf32>
      %mul3A_415 = arith.constant 2.000000e-01 : f32
      %mul3A_416 = vector.broadcast %mul3A_415 : f32 to vector<16xf32>
      %mul3A_417 = arith.mulf %mul3A_416, %add3A_400 : vector<16xf32>
      %select_n3A_418 = arith.select %gt3A_414, %add3A_400, %mul3A_417 : vector<16xi1>, vector<16xf32>
      %neg3A_419 = arith.constant 0.000000e+00 : f32
      %neg3A_420 = vector.broadcast %neg3A_419 : f32 to vector<16xf32>
      %neg3A_421 = arith.subf %neg3A_420, %select_n3A_418 : vector<16xf32>
      %exp3A_422 = math.exp %neg3A_421 : vector<16xf32>
      tpu.vector_store_idx %arg14[%add3A_394, %add3A_7], %exp3A_411 : memref<80x144xf32, #tpu.memory_space<vmem>>[vector<16xi32>, vector<16xi32>], vector<16xf32>,
      tpu.vector_store_idx %arg14[%add3A_394, %add3A_10], %exp3A_422 : memref<80x144xf32, #tpu.memory_space<vmem>>[vector<16xi32>, vector<16xi32>], vector<16xf32>,
      %scan3A_423 = arith.constant 0 : i32
      %scan3A_424 = arith.constant 0 : i32
      %scan3A_425 = arith.constant 80 : i32
      %scan3A_426 = arith.addi %scan3A_424, %scan3A_425 : i32
      %scan3A_427 = arith.constant 1 : i32
      scf.for %scan3A_436 = %scan3A_424 to %scan3A_426 step %scan3A_427  : i32 {
        %broadcast_in_dim3A_437 = vector.broadcast %scan3A_436 : i32 to vector<16xi32>
        %gather3A_438 = tpu.vector_load_idx %arg14[%broadcast_in_dim3A_437, %add3A_7] : memref<80x144xf32, #tpu.memory_space<vmem>>[vector<16xi32>, vector<16xi32>], vector<16xf32>,
        %gather3A_439 = tpu.vector_load_idx %arg14[%broadcast_in_dim3A_437, %add3A_10] : memref<80x144xf32, #tpu.memory_space<vmem>>[vector<16xi32>, vector<16xi32>], vector<16xf32>,
        %get3A = arith.index_cast %scan3A_436 : i32 to index
        %get3A_440 = arith.constant 0 : index
        %get3A_441 = tpu.vector_load %arg14[%get3A, %get3A_440] {strides = array<i32>} : memref<80x144xf32, #tpu.memory_space<vmem>>, vector<16xf32>,
        %mul3A_442 = arith.mulf %get3A_441, %gather3A_438 : vector<16xf32>
        %swap3A = arith.index_cast %scan3A_436 : i32 to index
        %swap3A_443 = arith.constant 0 : index
        %swap3A_444 = tpu.vector_load %arg14[%swap3A, %swap3A_443] {strides = array<i32>} : memref<80x144xf32, #tpu.memory_space<vmem>>, vector<16xf32>,
        tpu.vector_store %arg14[%swap3A, %swap3A_443], %mul3A_442 {strides = array<i32>} : memref<80x144xf32, #tpu.memory_space<vmem>>, vector<16xf32>,
        %get3A_445 = arith.index_cast %scan3A_436 : i32 to index
        %get3A_446 = arith.constant 16 : index
        %get3A_447 = tpu.vector_load %arg14[%get3A_445, %get3A_446] {strides = array<i32>} : memref<80x144xf32, #tpu.memory_space<vmem>>, vector<16xf32>,
        %mul3A_448 = arith.mulf %get3A_447, %gather3A_438 : vector<16xf32>
        %swap3A_449 = arith.index_cast %scan3A_436 : i32 to index
        %swap3A_450 = arith.constant 16 : index
        %swap3A_451 = tpu.vector_load %arg14[%swap3A_449, %swap3A_450] {strides = array<i32>} : memref<80x144xf32, #tpu.memory_space<vmem>>, vector<16xf32>,
        tpu.vector_store %arg14[%swap3A_449, %swap3A_450], %mul3A_448 {strides = array<i32>} : memref<80x144xf32, #tpu.memory_space<vmem>>, vector<16xf32>,
        %get3A_452 = arith.index_cast %scan3A_436 : i32 to index
        %get3A_453 = arith.constant 32 : index
        %get3A_454 = tpu.vector_load %arg14[%get3A_452, %get3A_453] {strides = array<i32>} : memref<80x144xf32, #tpu.memory_space<vmem>>, vector<16xf32>,
        %mul3A_455 = arith.mulf %get3A_454, %gather3A_438 : vector<16xf32>
        %swap3A_456 = arith.index_cast %scan3A_436 : i32 to index
        %swap3A_457 = arith.constant 32 : index
        %swap3A_458 = tpu.vector_load %arg14[%swap3A_456, %swap3A_457] {strides = array<i32>} : memref<80x144xf32, #tpu.memory_space<vmem>>, vector<16xf32>,
        tpu.vector_store %arg14[%swap3A_456, %swap3A_457], %mul3A_455 {strides = array<i32>} : memref<80x144xf32, #tpu.memory_space<vmem>>, vector<16xf32>,
        %get3A_459 = arith.index_cast %scan3A_436 : i32 to index
        %get3A_460 = arith.constant 48 : index
        %get3A_461 = tpu.vector_load %arg14[%get3A_459, %get3A_460] {strides = array<i32>} : memref<80x144xf32, #tpu.memory_space<vmem>>, vector<16xf32>,
        %mul3A_462 = arith.mulf %get3A_461, %gather3A_438 : vector<16xf32>
        %swap3A_463 = arith.index_cast %scan3A_436 : i32 to index
        %swap3A_464 = arith.constant 48 : index
        %swap3A_465 = tpu.vector_load %arg14[%swap3A_463, %swap3A_464] {strides = array<i32>} : memref<80x144xf32, #tpu.memory_space<vmem>>, vector<16xf32>,
        tpu.vector_store %arg14[%swap3A_463, %swap3A_464], %mul3A_462 {strides = array<i32>} : memref<80x144xf32, #tpu.memory_space<vmem>>, vector<16xf32>,
        %get3A_466 = arith.index_cast %scan3A_436 : i32 to index
        %get3A_467 = arith.constant 64 : index
        %get3A_468 = tpu.vector_load %arg14[%get3A_466, %get3A_467] {strides = array<i32>} : memref<80x144xf32, #tpu.memory_space<vmem>>, vector<16xf32>,
        %mul3A_469 = arith.mulf %get3A_468, %gather3A_439 : vector<16xf32>
        %swap3A_470 = arith.index_cast %scan3A_436 : i32 to index
        %swap3A_471 = arith.constant 64 : index
        %swap3A_472 = tpu.vector_load %arg14[%swap3A_470, %swap3A_471] {strides = array<i32>} : memref<80x144xf32, #tpu.memory_space<vmem>>, vector<16xf32>,
        tpu.vector_store %arg14[%swap3A_470, %swap3A_471], %mul3A_469 {strides = array<i32>} : memref<80x144xf32, #tpu.memory_space<vmem>>, vector<16xf32>,
        %get3A_473 = arith.index_cast %scan3A_436 : i32 to index
        %get3A_474 = arith.constant 80 : index
        %get3A_475 = tpu.vector_load %arg14[%get3A_473, %get3A_474] {strides = array<i32>} : memref<80x144xf32, #tpu.memory_space<vmem>>, vector<16xf32>,
        %mul3A_476 = arith.mulf %get3A_475, %gather3A_439 : vector<16xf32>
        %swap3A_477 = arith.index_cast %scan3A_436 : i32 to index
        %swap3A_478 = arith.constant 80 : index
        %swap3A_479 = tpu.vector_load %arg14[%swap3A_477, %swap3A_478] {strides = array<i32>} : memref<80x144xf32, #tpu.memory_space<vmem>>, vector<16xf32>,
        tpu.vector_store %arg14[%swap3A_477, %swap3A_478], %mul3A_476 {strides = array<i32>} : memref<80x144xf32, #tpu.memory_space<vmem>>, vector<16xf32>,
        %get3A_480 = arith.index_cast %scan3A_436 : i32 to index
        %get3A_481 = arith.constant 96 : index
        %get3A_482 = tpu.vector_load %arg14[%get3A_480, %get3A_481] {strides = array<i32>} : memref<80x144xf32, #tpu.memory_space<vmem>>, vector<16xf32>,
        %mul3A_483 = arith.mulf %get3A_482, %gather3A_439 : vector<16xf32>
        %swap3A_484 = arith.index_cast %scan3A_436 : i32 to index
        %swap3A_485 = arith.constant 96 : index
        %swap3A_486 = tpu.vector_load %arg14[%swap3A_484, %swap3A_485] {strides = array<i32>} : memref<80x144xf32, #tpu.memory_space<vmem>>, vector<16xf32>,
        tpu.vector_store %arg14[%swap3A_484, %swap3A_485], %mul3A_483 {strides = array<i32>} : memref<80x144xf32, #tpu.memory_space<vmem>>, vector<16xf32>,
        %get3A_487 = arith.index_cast %scan3A_436 : i32 to index
        %get3A_488 = arith.constant 112 : index
        %get3A_489 = tpu.vector_load %arg14[%get3A_487, %get3A_488] {strides = array<i32>} : memref<80x144xf32, #tpu.memory_space<vmem>>, vector<16xf32>,
        %mul3A_490 = arith.mulf %get3A_489, %gather3A_439 : vector<16xf32>
        %swap3A_491 = arith.index_cast %scan3A_436 : i32 to index
        %swap3A_492 = arith.constant 112 : index
        %swap3A_493 = tpu.vector_load %arg14[%swap3A_491, %swap3A_492] {strides = array<i32>} : memref<80x144xf32, #tpu.memory_space<vmem>>, vector<16xf32>,
        tpu.vector_store %arg14[%swap3A_491, %swap3A_492], %mul3A_490 {strides = array<i32>} : memref<80x144xf32, #tpu.memory_space<vmem>>, vector<16xf32>,
      }
      %scan3A_428 = arith.constant 80 : i32
      "tpu.region"() ({
        %run_scoped3A = tpu.sem_alloc : memref<!tpu.dma_semaphore, #tpu.memory_space<semaphore_mem>>
        %dma_start3A_436 = arith.constant 0 : i32
        %dma_start3A_437 = arith.constant 0 : i32
        %dma_start3A_438 = tpu.memref_slice %arg8[%dma_start3A_436, %dma_start3A_437] : memref<10000x144xf32, #tpu.memory_space<vmem_shared>> -> memref<10000x144xf32, #tpu.memory_space<vmem_shared>>
        tpu.enqueue_indirect_dma source(%arg14 : memref<80x144xf32, #tpu.memory_space<vmem>>) target(%dma_start3A_438 : memref<10000x144xf32, #tpu.memory_space<vmem_shared>>) offsets(%arg10 : memref<80xi32, #tpu.memory_space<vmem>>) semaphore(%run_scoped3A : memref<!tpu.dma_semaphore, #tpu.memory_space<semaphore_mem>>) {add = true}
        %dma_wait3A_439 = arith.constant 0 : i32
        %dma_wait3A_440 = arith.constant 0 : i32
        %dma_wait3A_441 = tpu.memref_slice %arg8[%dma_wait3A_439, %dma_wait3A_440] : memref<10000x144xf32, #tpu.memory_space<vmem_shared>> -> memref<10000x144xf32, #tpu.memory_space<vmem_shared>>
        tpu.wait_indirect_dma semaphore(%run_scoped3A : memref<!tpu.dma_semaphore, #tpu.memory_space<semaphore_mem>>) src(%arg14 : memref<80x144xf32, #tpu.memory_space<vmem>>) dst(%dma_wait3A_441 : memref<10000x144xf32, #tpu.memory_space<vmem_shared>>)
        tpu.yield
      }) : () -> ()
      %add3A_429 = arith.constant 2 : i32
      %add3A_430 = arith.addi %add3A_254, %add3A_429 : i32
      %lt3A_431 = arith.constant 282 : i32
      %lt3A_432 = arith.cmpi slt, %add3A_430, %lt3A_431 : i32
      %convert_element_type3A_433 = arith.extui %lt3A_432 : i1 to i32
      %cond3A_434 = arith.constant 0 : i32
      %cond3A_435 = arith.cmpi ne, %convert_element_type3A_433, %cond3A_434 : i32
      scf.if %cond3A_435 {
        %add3A_436 = arith.constant 2 : i32
        %add3A_437 = arith.addi %add3A_254, %add3A_436 : i32
        %mul3A_438 = arith.constant 80 : i32
        %mul3A_439 = arith.muli %add3A_437, %mul3A_438 : i32
        %add3A_440 = arith.addi %mul3A_2, %mul3A_439 : i32
        %dma_start3A_441 = arith.constant 0 : i32
        %dma_start3A_442 = tpu.memref_slice %arg2[%arg0, %dma_start3A_441, %add3A_440] : memref<2x2x360960xi32, #tpu.memory_space<hbm>> -> memref<1x1x80xi32, #tpu.memory_space<hbm>>
        %dma_start3A_443 = tpu.memref_squeeze %dma_start3A_442 : memref<1x1x80xi32, #tpu.memory_space<hbm>> -> memref<80xi32, #tpu.memory_space<hbm>>
        %dma_start3A_444 = tpu.memref_slice %arg2[%arg0, %dma_start3A_441, %add3A_440] : memref<2x2x360960xi32, #tpu.memory_space<hbm>> -> memref<1x1x80xi32, #tpu.memory_space<hbm>>
        %dma_start3A_445 = tpu.memref_squeeze %dma_start3A_444 : memref<1x1x80xi32, #tpu.memory_space<hbm>> -> memref<80xi32, #tpu.memory_space<hbm>>
        tpu.enqueue_dma source(%dma_start3A_445 : memref<80xi32, #tpu.memory_space<hbm>>) target(%arg10 : memref<80xi32, #tpu.memory_space<vmem>>) target_semaphore(%arg18 : memref<!tpu.dma_semaphore, #tpu.memory_space<semaphore_mem>>)
        %dma_start3A_446 = arith.constant 1 : i32
        %dma_start3A_447 = tpu.memref_slice %arg2[%arg0, %dma_start3A_446, %add3A_440] : memref<2x2x360960xi32, #tpu.memory_space<hbm>> -> memref<1x1x80xi32, #tpu.memory_space<hbm>>
        %dma_start3A_448 = tpu.memref_squeeze %dma_start3A_447 : memref<1x1x80xi32, #tpu.memory_space<hbm>> -> memref<80xi32, #tpu.memory_space<hbm>>
        %dma_start3A_449 = tpu.memref_slice %arg2[%arg0, %dma_start3A_446, %add3A_440] : memref<2x2x360960xi32, #tpu.memory_space<hbm>> -> memref<1x1x80xi32, #tpu.memory_space<hbm>>
        %dma_start3A_450 = tpu.memref_squeeze %dma_start3A_449 : memref<1x1x80xi32, #tpu.memory_space<hbm>> -> memref<80xi32, #tpu.memory_space<hbm>>
        tpu.enqueue_dma source(%dma_start3A_450 : memref<80xi32, #tpu.memory_space<hbm>>) target(%arg12 : memref<80xi32, #tpu.memory_space<vmem>>) target_semaphore(%arg18 : memref<!tpu.dma_semaphore, #tpu.memory_space<semaphore_mem>>)
        %dma_start3A_451 = arith.constant 0 : i32
        %dma_start3A_452 = tpu.memref_slice %arg3[%add3A_440, %dma_start3A_451] : memref<360960x144xf32, #tpu.memory_space<hbm>> -> memref<80x144xf32, #tpu.memory_space<hbm>>
        %dma_start3A_453 = arith.constant 0 : i32
        %dma_start3A_454 = tpu.memref_slice %arg3[%add3A_440, %dma_start3A_453] : memref<360960x144xf32, #tpu.memory_space<hbm>> -> memref<80x144xf32, #tpu.memory_space<hbm>>
        tpu.enqueue_dma source(%dma_start3A_454 : memref<80x144xf32, #tpu.memory_space<hbm>>) target(%arg14 : memref<80x144xf32, #tpu.memory_space<vmem>>) target_semaphore(%arg18 : memref<!tpu.dma_semaphore, #tpu.memory_space<semaphore_mem>>)
      } else {
      }
    }
    %scan3A_71 = arith.constant 141 : i32
    %barrier3A_72 = arith.constant 0 : index
    tpu.barrier barrier_id(%barrier3A_72)
    "tpu.region"() ({
      %run_scoped3A = tpu.sem_alloc : memref<!tpu.dma_semaphore, #tpu.memory_space<semaphore_mem>>
      %dma_start3A_73 = arith.constant 0 : i32
      %dma_start3A_74 = tpu.memref_slice %arg7[%arg0, %mul3A_0, %dma_start3A_73] : memref<2x10000x144xf32, #tpu.memory_space<hbm>> -> memref<1x625x144xf32, #tpu.memory_space<hbm>>
      %dma_start3A_75 = tpu.memref_squeeze %dma_start3A_74 : memref<1x625x144xf32, #tpu.memory_space<hbm>> -> memref<625x144xf32, #tpu.memory_space<hbm>>
      %dma_start3A_76 = arith.constant 0 : i32
      %dma_start3A_77 = tpu.memref_slice %arg8[%mul3A_0, %dma_start3A_76] : memref<10000x144xf32, #tpu.memory_space<vmem_shared>> -> memref<625x144xf32, #tpu.memory_space<vmem_shared>>
      tpu.enqueue_dma source(%dma_start3A_77 : memref<625x144xf32, #tpu.memory_space<vmem_shared>>) target(%dma_start3A_75 : memref<625x144xf32, #tpu.memory_space<hbm>>) target_semaphore(%run_scoped3A : memref<!tpu.dma_semaphore, #tpu.memory_space<semaphore_mem>>)
      %dma_wait3A_78 = arith.constant 0 : i32
      %dma_wait3A_79 = tpu.memref_slice %arg7[%arg0, %mul3A_0, %dma_wait3A_78] : memref<2x10000x144xf32, #tpu.memory_space<hbm>> -> memref<1x625x144xf32, #tpu.memory_space<hbm>>
      %dma_wait3A_80 = tpu.memref_squeeze %dma_wait3A_79 : memref<1x625x144xf32, #tpu.memory_space<hbm>> -> memref<625x144xf32, #tpu.memory_space<hbm>>
      %dma_wait3A_81 = arith.constant 0 : i32
      %dma_wait3A_82 = tpu.memref_slice %arg8[%mul3A_0, %dma_wait3A_81] : memref<10000x144xf32, #tpu.memory_space<vmem_shared>> -> memref<625x144xf32, #tpu.memory_space<vmem_shared>>
      tpu.wait_dma2 semaphore(%run_scoped3A : memref<!tpu.dma_semaphore, #tpu.memory_space<semaphore_mem>>) src(%dma_wait3A_82 : memref<625x144xf32, #tpu.memory_space<vmem_shared>>) dst(%dma_wait3A_80 : memref<625x144xf32, #tpu.memory_space<hbm>>)
      tpu.yield
    }) : () -> ()
    return
  }
}

#map = affine_map<(d0, d1) -> (0, 0, 0)>
#map1 = affine_map<(d0, d1) -> (0, 0)>
module attributes {stable_mosaic.version = 14 : i64} {
  func.func @_att_body(%arg0: i32, %arg1: i32, %arg2: memref<2x2x360960xi32, #tpu.memory_space<hbm>>, %arg3: memref<360960x144xf32, #tpu.memory_space<hbm>>, %arg4: memref<10000x144xf32, #tpu.memory_space<hbm>>, %arg5: memref<10000x16xf32, #tpu.memory_space<hbm>>, %arg6: memref<10000x144xf32, #tpu.memory_space<hbm>>, %arg7: memref<2x10000x144xf32, #tpu.memory_space<hbm>>, %arg8: memref<10000x144xf32, #tpu.memory_space<vmem_shared>>, %arg9: memref<80xi32, #tpu.memory_space<vmem>>, %arg10: memref<80xi32, #tpu.memory_space<vmem>>, %arg11: memref<80xi32, #tpu.memory_space<vmem>>, %arg12: memref<80xi32, #tpu.memory_space<vmem>>, %arg13: memref<80x144xf32, #tpu.memory_space<vmem>>, %arg14: memref<80x144xf32, #tpu.memory_space<vmem>>, %arg15: memref<80x16xf32, #tpu.memory_space<vmem>>, %arg16: memref<80x16xf32, #tpu.memory_space<vmem>>, %arg17: memref<!tpu.dma_semaphore, #tpu.memory_space<semaphore_mem>>, %arg18: memref<!tpu.dma_semaphore, #tpu.memory_space<semaphore_mem>>, %arg19: memref<!tpu.dma_semaphore, #tpu.memory_space<semaphore_mem>>, %arg20: memref<!tpu.dma_semaphore, #tpu.memory_space<semaphore_mem>>) attributes {dimension_semantics = [#tpu.dimension_semantics<core_parallel>, #tpu.dimension_semantics<subcore_parallel>], iteration_bounds = array<i64: 2, 16>, scalar_prefetch = 0 : i64, scratch_operands = 13 : i64, tpu.core_type = #tpu.core_type<sc_vector_subcore>, window_params = [{transform_indices = #map}, {transform_indices = #map1}, {transform_indices = #map1}, {transform_indices = #map1}, {transform_indices = #map1}, {transform_indices = #map}]} {
    %mul3A = arith.constant 625 : i32
    %mul3A_0 = arith.muli %arg1, %mul3A : i32
    "tpu.region"() ({
      %run_scoped3A = tpu.sem_alloc : memref<!tpu.dma_semaphore, #tpu.memory_space<semaphore_mem>>
      %dma_start3A_73 = arith.constant 0 : i32
      %dma_start3A_74 = tpu.memref_slice %arg8[%mul3A_0, %dma_start3A_73] : memref<10000x144xf32, #tpu.memory_space<vmem_shared>> -> memref<625x144xf32, #tpu.memory_space<vmem_shared>>
      %dma_start3A_75 = arith.constant 0 : i32
      %dma_start3A_76 = tpu.memref_slice %arg6[%mul3A_0, %dma_start3A_75] : memref<10000x144xf32, #tpu.memory_space<hbm>> -> memref<625x144xf32, #tpu.memory_space<hbm>>
      tpu.enqueue_dma source(%dma_start3A_76 : memref<625x144xf32, #tpu.memory_space<hbm>>) target(%dma_start3A_74 : memref<625x144xf32, #tpu.memory_space<vmem_shared>>) target_semaphore(%run_scoped3A : memref<!tpu.dma_semaphore, #tpu.memory_space<semaphore_mem>>)
      %dma_wait3A_77 = arith.constant 0 : i32
      %dma_wait3A_78 = tpu.memref_slice %arg8[%mul3A_0, %dma_wait3A_77] : memref<10000x144xf32, #tpu.memory_space<vmem_shared>> -> memref<625x144xf32, #tpu.memory_space<vmem_shared>>
      %dma_wait3A_79 = arith.constant 0 : i32
      %dma_wait3A_80 = tpu.memref_slice %arg6[%mul3A_0, %dma_wait3A_79] : memref<10000x144xf32, #tpu.memory_space<hbm>> -> memref<625x144xf32, #tpu.memory_space<hbm>>
      tpu.wait_dma2 semaphore(%run_scoped3A : memref<!tpu.dma_semaphore, #tpu.memory_space<semaphore_mem>>) src(%dma_wait3A_80 : memref<625x144xf32, #tpu.memory_space<hbm>>) dst(%dma_wait3A_78 : memref<625x144xf32, #tpu.memory_space<vmem_shared>>)
      tpu.yield
    }) : () -> ()
    %barrier3A = arith.constant 0 : index
    tpu.barrier barrier_id(%barrier3A)
    %mul3A_1 = arith.constant 22560 : i32
    %mul3A_2 = arith.muli %arg1, %mul3A_1 : i32
    %iota3A = tpu.iota {dimensions = array<i32: 0>} : vector<16xi32>
    %broadcast_in_dim3A = arith.constant 0 : i32
    %broadcast_in_dim3A_3 = vector.broadcast %broadcast_in_dim3A : i32 to vector<16xi32>
    %broadcast_in_dim3A_4 = arith.constant 1 : i32
    %broadcast_in_dim3A_5 = vector.broadcast %broadcast_in_dim3A_4 : i32 to vector<16xi32>
    %add3A = arith.constant 128 : i32
    %add3A_6 = vector.broadcast %add3A : i32 to vector<16xi32>
    %add3A_7 = arith.addi %broadcast_in_dim3A_3, %add3A_6 : vector<16xi32>
    %add3A_8 = arith.constant 129 : i32
    %add3A_9 = vector.broadcast %add3A_8 : i32 to vector<16xi32>
    %add3A_10 = arith.addi %broadcast_in_dim3A_3, %add3A_9 : vector<16xi32>
    %add3A_11 = arith.constant 0 : i32
    %add3A_12 = arith.addi %mul3A_2, %add3A_11 : i32
    %dma_start3A = arith.constant 0 : i32
    %dma_start3A_13 = tpu.memref_slice %arg2[%arg0, %dma_start3A, %add3A_12] : memref<2x2x360960xi32, #tpu.memory_space<hbm>> -> memref<1x1x80xi32, #tpu.memory_space<hbm>>
    %dma_start3A_14 = tpu.memref_squeeze %dma_start3A_13 : memref<1x1x80xi32, #tpu.memory_space<hbm>> -> memref<80xi32, #tpu.memory_space<hbm>>
    %dma_start3A_15 = tpu.memref_slice %arg2[%arg0, %dma_start3A, %add3A_12] : memref<2x2x360960xi32, #tpu.memory_space<hbm>> -> memref<1x1x80xi32, #tpu.memory_space<hbm>>
    %dma_start3A_16 = tpu.memref_squeeze %dma_start3A_15 : memref<1x1x80xi32, #tpu.memory_space<hbm>> -> memref<80xi32, #tpu.memory_space<hbm>>
    tpu.enqueue_dma source(%dma_start3A_16 : memref<80xi32, #tpu.memory_space<hbm>>) target(%arg9 : memref<80xi32, #tpu.memory_space<vmem>>) target_semaphore(%arg17 : memref<!tpu.dma_semaphore, #tpu.memory_space<semaphore_mem>>)
    %dma_start3A_17 = arith.constant 1 : i32
    %dma_start3A_18 = tpu.memref_slice %arg2[%arg0, %dma_start3A_17, %add3A_12] : memref<2x2x360960xi32, #tpu.memory_space<hbm>> -> memref<1x1x80xi32, #tpu.memory_space<hbm>>
    %dma_start3A_19 = tpu.memref_squeeze %dma_start3A_18 : memref<1x1x80xi32, #tpu.memory_space<hbm>> -> memref<80xi32, #tpu.memory_space<hbm>>
    %dma_start3A_20 = tpu.memref_slice %arg2[%arg0, %dma_start3A_17, %add3A_12] : memref<2x2x360960xi32, #tpu.memory_space<hbm>> -> memref<1x1x80xi32, #tpu.memory_space<hbm>>
    %dma_start3A_21 = tpu.memref_squeeze %dma_start3A_20 : memref<1x1x80xi32, #tpu.memory_space<hbm>> -> memref<80xi32, #tpu.memory_space<hbm>>
    tpu.enqueue_dma source(%dma_start3A_21 : memref<80xi32, #tpu.memory_space<hbm>>) target(%arg11 : memref<80xi32, #tpu.memory_space<vmem>>) target_semaphore(%arg17 : memref<!tpu.dma_semaphore, #tpu.memory_space<semaphore_mem>>)
    %dma_start3A_22 = arith.constant 0 : i32
    %dma_start3A_23 = tpu.memref_slice %arg3[%add3A_12, %dma_start3A_22] : memref<360960x144xf32, #tpu.memory_space<hbm>> -> memref<80x144xf32, #tpu.memory_space<hbm>>
    %dma_start3A_24 = arith.constant 0 : i32
    %dma_start3A_25 = tpu.memref_slice %arg3[%add3A_12, %dma_start3A_24] : memref<360960x144xf32, #tpu.memory_space<hbm>> -> memref<80x144xf32, #tpu.memory_space<hbm>>
    tpu.enqueue_dma source(%dma_start3A_25 : memref<80x144xf32, #tpu.memory_space<hbm>>) target(%arg13 : memref<80x144xf32, #tpu.memory_space<vmem>>) target_semaphore(%arg17 : memref<!tpu.dma_semaphore, #tpu.memory_space<semaphore_mem>>)
    %add3A_26 = arith.constant 80 : i32
    %add3A_27 = arith.addi %mul3A_2, %add3A_26 : i32
    %dma_start3A_28 = arith.constant 0 : i32
    %dma_start3A_29 = tpu.memref_slice %arg2[%arg0, %dma_start3A_28, %add3A_27] : memref<2x2x360960xi32, #tpu.memory_space<hbm>> -> memref<1x1x80xi32, #tpu.memory_space<hbm>>
    %dma_start3A_30 = tpu.memref_squeeze %dma_start3A_29 : memref<1x1x80xi32, #tpu.memory_space<hbm>> -> memref<80xi32, #tpu.memory_space<hbm>>
    %dma_start3A_31 = tpu.memref_slice %arg2[%arg0, %dma_start3A_28, %add3A_27] : memref<2x2x360960xi32, #tpu.memory_space<hbm>> -> memref<1x1x80xi32, #tpu.memory_space<hbm>>
    %dma_start3A_32 = tpu.memref_squeeze %dma_start3A_31 : memref<1x1x80xi32, #tpu.memory_space<hbm>> -> memref<80xi32, #tpu.memory_space<hbm>>
    tpu.enqueue_dma source(%dma_start3A_32 : memref<80xi32, #tpu.memory_space<hbm>>) target(%arg10 : memref<80xi32, #tpu.memory_space<vmem>>) target_semaphore(%arg18 : memref<!tpu.dma_semaphore, #tpu.memory_space<semaphore_mem>>)
    %dma_start3A_33 = arith.constant 1 : i32
    %dma_start3A_34 = tpu.memref_slice %arg2[%arg0, %dma_start3A_33, %add3A_27] : memref<2x2x360960xi32, #tpu.memory_space<hbm>> -> memref<1x1x80xi32, #tpu.memory_space<hbm>>
    %dma_start3A_35 = tpu.memref_squeeze %dma_start3A_34 : memref<1x1x80xi32, #tpu.memory_space<hbm>> -> memref<80xi32, #tpu.memory_space<hbm>>
    %dma_start3A_36 = tpu.memref_slice %arg2[%arg0, %dma_start3A_33, %add3A_27] : memref<2x2x360960xi32, #tpu.memory_space<hbm>> -> memref<1x1x80xi32, #tpu.memory_space<hbm>>
    %dma_start3A_37 = tpu.memref_squeeze %dma_start3A_36 : memref<1x1x80xi32, #tpu.memory_space<hbm>> -> memref<80xi32, #tpu.memory_space<hbm>>
    tpu.enqueue_dma source(%dma_start3A_37 : memref<80xi32, #tpu.memory_space<hbm>>) target(%arg12 : memref<80xi32, #tpu.memory_space<vmem>>) target_semaphore(%arg18 : memref<!tpu.dma_semaphore, #tpu.memory_space<semaphore_mem>>)
    %dma_start3A_38 = arith.constant 0 : i32
    %dma_start3A_39 = tpu.memref_slice %arg3[%add3A_27, %dma_start3A_38] : memref<360960x144xf32, #tpu.memory_space<hbm>> -> memref<80x144xf32, #tpu.memory_space<hbm>>
    %dma_start3A_40 = arith.constant 0 : i32
    %dma_start3A_41 = tpu.memref_slice %arg3[%add3A_27, %dma_start3A_40] : memref<360960x144xf32, #tpu.memory_space<hbm>> -> memref<80x144xf32, #tpu.memory_space<hbm>>
    tpu.enqueue_dma source(%dma_start3A_41 : memref<80x144xf32, #tpu.memory_space<hbm>>) target(%arg14 : memref<80x144xf32, #tpu.memory_space<vmem>>) target_semaphore(%arg18 : memref<!tpu.dma_semaphore, #tpu.memory_space<semaphore_mem>>)
    %dma_wait3A = arith.constant 0 : i32
    %dma_wait3A_42 = arith.constant 0 : i32
    %dma_wait3A_43 = tpu.memref_slice %arg2[%arg0, %dma_wait3A, %dma_wait3A_42] : memref<2x2x360960xi32, #tpu.memory_space<hbm>> -> memref<1x1x80xi32, #tpu.memory_space<hbm>>
    %dma_wait3A_44 = tpu.memref_squeeze %dma_wait3A_43 : memref<1x1x80xi32, #tpu.memory_space<hbm>> -> memref<80xi32, #tpu.memory_space<hbm>>
    %dma_wait3A_45 = arith.constant 0 : i32
    %dma_wait3A_46 = tpu.memref_slice %arg2[%arg0, %dma_wait3A, %dma_wait3A_45] : memref<2x2x360960xi32, #tpu.memory_space<hbm>> -> memref<1x1x80xi32, #tpu.memory_space<hbm>>
    %dma_wait3A_47 = tpu.memref_squeeze %dma_wait3A_46 : memref<1x1x80xi32, #tpu.memory_space<hbm>> -> memref<80xi32, #tpu.memory_space<hbm>>
    tpu.wait_dma2 semaphore(%arg17 : memref<!tpu.dma_semaphore, #tpu.memory_space<semaphore_mem>>) src(%dma_wait3A_47 : memref<80xi32, #tpu.memory_space<hbm>>) dst(%arg9 : memref<80xi32, #tpu.memory_space<vmem>>)
    %dma_wait3A_48 = arith.constant 1 : i32
    %dma_wait3A_49 = arith.constant 0 : i32
    %dma_wait3A_50 = tpu.memref_slice %arg2[%arg0, %dma_wait3A_48, %dma_wait3A_49] : memref<2x2x360960xi32, #tpu.memory_space<hbm>> -> memref<1x1x80xi32, #tpu.memory_space<hbm>>
    %dma_wait3A_51 = tpu.memref_squeeze %dma_wait3A_50 : memref<1x1x80xi32, #tpu.memory_space<hbm>> -> memref<80xi32, #tpu.memory_space<hbm>>
    %dma_wait3A_52 = arith.constant 0 : i32
    %dma_wait3A_53 = tpu.memref_slice %arg2[%arg0, %dma_wait3A_48, %dma_wait3A_52] : memref<2x2x360960xi32, #tpu.memory_space<hbm>> -> memref<1x1x80xi32, #tpu.memory_space<hbm>>
    %dma_wait3A_54 = tpu.memref_squeeze %dma_wait3A_53 : memref<1x1x80xi32, #tpu.memory_space<hbm>> -> memref<80xi32, #tpu.memory_space<hbm>>
    tpu.wait_dma2 semaphore(%arg17 : memref<!tpu.dma_semaphore, #tpu.memory_space<semaphore_mem>>) src(%dma_wait3A_54 : memref<80xi32, #tpu.memory_space<hbm>>) dst(%arg11 : memref<80xi32, #tpu.memory_space<vmem>>)
    %dma_wait3A_55 = arith.constant 0 : i32
    %dma_wait3A_56 = arith.constant 0 : i32
    %dma_wait3A_57 = tpu.memref_slice %arg3[%dma_wait3A_55, %dma_wait3A_56] : memref<360960x144xf32, #tpu.memory_space<hbm>> -> memref<80x144xf32, #tpu.memory_space<hbm>>
    %dma_wait3A_58 = arith.constant 0 : i32
    %dma_wait3A_59 = arith.constant 0 : i32
    %dma_wait3A_60 = tpu.memref_slice %arg3[%dma_wait3A_58, %dma_wait3A_59] : memref<360960x144xf32, #tpu.memory_space<hbm>> -> memref<80x144xf32, #tpu.memory_space<hbm>>
    tpu.wait_dma2 semaphore(%arg17 : memref<!tpu.dma_semaphore, #tpu.memory_space<semaphore_mem>>) src(%dma_wait3A_60 : memref<80x144xf32, #tpu.memory_space<hbm>>) dst(%arg13 : memref<80x144xf32, #tpu.memory_space<vmem>>)
    %dma_start3A_61 = arith.constant 0 : i32
    %dma_start3A_62 = arith.constant 0 : i32
    %dma_start3A_63 = tpu.memref_slice %arg4[%dma_start3A_61, %dma_start3A_62] : memref<10000x144xf32, #tpu.memory_space<hbm>> -> memref<10000x144xf32, #tpu.memory_space<hbm>>
    tpu.enqueue_indirect_dma source(%dma_start3A_63 : memref<10000x144xf32, #tpu.memory_space<hbm>>) target(%arg13 : memref<80x144xf32, #tpu.memory_space<vmem>>) offsets(%arg11 : memref<80xi32, #tpu.memory_space<vmem>>) semaphore(%arg19 : memref<!tpu.dma_semaphore, #tpu.memory_space<semaphore_mem>>) {add = true}
    %dma_start3A_64 = arith.constant 0 : i32
    %dma_start3A_65 = arith.constant 0 : i32
    %dma_start3A_66 = tpu.memref_slice %arg5[%dma_start3A_64, %dma_start3A_65] : memref<10000x16xf32, #tpu.memory_space<hbm>> -> memref<10000x16xf32, #tpu.memory_space<hbm>>
    tpu.enqueue_indirect_dma source(%dma_start3A_66 : memref<10000x16xf32, #tpu.memory_space<hbm>>) target(%arg15 : memref<80x16xf32, #tpu.memory_space<vmem>>) offsets(%arg9 : memref<80xi32, #tpu.memory_space<vmem>>) semaphore(%arg19 : memref<!tpu.dma_semaphore, #tpu.memory_space<semaphore_mem>>)
    %scan3A = arith.constant 0 : i32
    %scan3A_67 = arith.constant 0 : i32
    %scan3A_68 = arith.constant 141 : i32
    %scan3A_69 = arith.addi %scan3A_67, %scan3A_68 : i32
    %scan3A_70 = arith.constant 1 : i32
    scf.for %scan3A_73 = %scan3A_67 to %scan3A_69 step %scan3A_70  : i32 {
      %mul3A_74 = arith.constant 2 : i32
      %mul3A_75 = arith.muli %scan3A_73, %mul3A_74 : i32
      %add3A_76 = arith.constant 0 : i32
      %add3A_77 = arith.addi %mul3A_75, %add3A_76 : i32
      %add3A_78 = arith.constant 1 : i32
      %add3A_79 = arith.addi %add3A_77, %add3A_78 : i32
      %lt3A = arith.constant 282 : i32
      %lt3A_80 = arith.cmpi slt, %add3A_79, %lt3A : i32
      %convert_element_type3A = arith.extui %lt3A_80 : i1 to i32
      %cond3A = arith.constant 0 : i32
      %cond3A_81 = arith.cmpi ne, %convert_element_type3A, %cond3A : i32
      scf.if %cond3A_81 {
        %dma_wait3A_436 = arith.constant 0 : i32
        %dma_wait3A_437 = arith.constant 0 : i32
        %dma_wait3A_438 = tpu.memref_slice %arg2[%arg0, %dma_wait3A_436, %dma_wait3A_437] : memref<2x2x360960xi32, #tpu.memory_space<hbm>> -> memref<1x1x80xi32, #tpu.memory_space<hbm>>
        %dma_wait3A_439 = tpu.memref_squeeze %dma_wait3A_438 : memref<1x1x80xi32, #tpu.memory_space<hbm>> -> memref<80xi32, #tpu.memory_space<hbm>>
        %dma_wait3A_440 = arith.constant 0 : i32
        %dma_wait3A_441 = tpu.memref_slice %arg2[%arg0, %dma_wait3A_436, %dma_wait3A_440] : memref<2x2x360960xi32, #tpu.memory_space<hbm>> -> memref<1x1x80xi32, #tpu.memory_space<hbm>>
        %dma_wait3A_442 = tpu.memref_squeeze %dma_wait3A_441 : memref<1x1x80xi32, #tpu.memory_space<hbm>> -> memref<80xi32, #tpu.memory_space<hbm>>
        tpu.wait_dma2 semaphore(%arg18 : memref<!tpu.dma_semaphore, #tpu.memory_space<semaphore_mem>>) src(%dma_wait3A_442 : memref<80xi32, #tpu.memory_space<hbm>>) dst(%arg10 : memref<80xi32, #tpu.memory_space<vmem>>)
        %dma_wait3A_443 = arith.constant 1 : i32
        %dma_wait3A_444 = arith.constant 0 : i32
        %dma_wait3A_445 = tpu.memref_slice %arg2[%arg0, %dma_wait3A_443, %dma_wait3A_444] : memref<2x2x360960xi32, #tpu.memory_space<hbm>> -> memref<1x1x80xi32, #tpu.memory_space<hbm>>
        %dma_wait3A_446 = tpu.memref_squeeze %dma_wait3A_445 : memref<1x1x80xi32, #tpu.memory_space<hbm>> -> memref<80xi32, #tpu.memory_space<hbm>>
        %dma_wait3A_447 = arith.constant 0 : i32
        %dma_wait3A_448 = tpu.memref_slice %arg2[%arg0, %dma_wait3A_443, %dma_wait3A_447] : memref<2x2x360960xi32, #tpu.memory_space<hbm>> -> memref<1x1x80xi32, #tpu.memory_space<hbm>>
        %dma_wait3A_449 = tpu.memref_squeeze %dma_wait3A_448 : memref<1x1x80xi32, #tpu.memory_space<hbm>> -> memref<80xi32, #tpu.memory_space<hbm>>
        tpu.wait_dma2 semaphore(%arg18 : memref<!tpu.dma_semaphore, #tpu.memory_space<semaphore_mem>>) src(%dma_wait3A_449 : memref<80xi32, #tpu.memory_space<hbm>>) dst(%arg12 : memref<80xi32, #tpu.memory_space<vmem>>)
        %dma_wait3A_450 = arith.constant 0 : i32
        %dma_wait3A_451 = arith.constant 0 : i32
        %dma_wait3A_452 = tpu.memref_slice %arg3[%dma_wait3A_450, %dma_wait3A_451] : memref<360960x144xf32, #tpu.memory_space<hbm>> -> memref<80x144xf32, #tpu.memory_space<hbm>>
        %dma_wait3A_453 = arith.constant 0 : i32
        %dma_wait3A_454 = arith.constant 0 : i32
        %dma_wait3A_455 = tpu.memref_slice %arg3[%dma_wait3A_453, %dma_wait3A_454] : memref<360960x144xf32, #tpu.memory_space<hbm>> -> memref<80x144xf32, #tpu.memory_space<hbm>>
        tpu.wait_dma2 semaphore(%arg18 : memref<!tpu.dma_semaphore, #tpu.memory_space<semaphore_mem>>) src(%dma_wait3A_455 : memref<80x144xf32, #tpu.memory_space<hbm>>) dst(%arg14 : memref<80x144xf32, #tpu.memory_space<vmem>>)
        %dma_start3A_456 = arith.constant 0 : i32
        %dma_start3A_457 = arith.constant 0 : i32
        %dma_start3A_458 = tpu.memref_slice %arg4[%dma_start3A_456, %dma_start3A_457] : memref<10000x144xf32, #tpu.memory_space<hbm>> -> memref<10000x144xf32, #tpu.memory_space<hbm>>
        tpu.enqueue_indirect_dma source(%dma_start3A_458 : memref<10000x144xf32, #tpu.memory_space<hbm>>) target(%arg14 : memref<80x144xf32, #tpu.memory_space<vmem>>) offsets(%arg12 : memref<80xi32, #tpu.memory_space<vmem>>) semaphore(%arg20 : memref<!tpu.dma_semaphore, #tpu.memory_space<semaphore_mem>>) {add = true}
        %dma_start3A_459 = arith.constant 0 : i32
        %dma_start3A_460 = arith.constant 0 : i32
        %dma_start3A_461 = tpu.memref_slice %arg5[%dma_start3A_459, %dma_start3A_460] : memref<10000x16xf32, #tpu.memory_space<hbm>> -> memref<10000x16xf32, #tpu.memory_space<hbm>>
        tpu.enqueue_indirect_dma source(%dma_start3A_461 : memref<10000x16xf32, #tpu.memory_space<hbm>>) target(%arg16 : memref<80x16xf32, #tpu.memory_space<vmem>>) offsets(%arg10 : memref<80xi32, #tpu.memory_space<vmem>>) semaphore(%arg20 : memref<!tpu.dma_semaphore, #tpu.memory_space<semaphore_mem>>)
      } else {
      }
      %dma_wait3A_82 = arith.constant 0 : i32
      %dma_wait3A_83 = arith.constant 0 : i32
      %dma_wait3A_84 = tpu.memref_slice %arg4[%dma_wait3A_82, %dma_wait3A_83] : memref<10000x144xf32, #tpu.memory_space<hbm>> -> memref<10000x144xf32, #tpu.memory_space<hbm>>
      tpu.wait_indirect_dma semaphore(%arg19 : memref<!tpu.dma_semaphore, #tpu.memory_space<semaphore_mem>>) src(%dma_wait3A_84 : memref<10000x144xf32, #tpu.memory_space<hbm>>) dst(%arg13 : memref<80x144xf32, #tpu.memory_space<vmem>>)
      %dma_wait3A_85 = arith.constant 0 : i32
      %dma_wait3A_86 = arith.constant 0 : i32
      %dma_wait3A_87 = tpu.memref_slice %arg5[%dma_wait3A_85, %dma_wait3A_86] : memref<10000x16xf32, #tpu.memory_space<hbm>> -> memref<10000x16xf32, #tpu.memory_space<hbm>>
      tpu.wait_indirect_dma semaphore(%arg19 : memref<!tpu.dma_semaphore, #tpu.memory_space<semaphore_mem>>) src(%dma_wait3A_87 : memref<10000x16xf32, #tpu.memory_space<hbm>>) dst(%arg15 : memref<80x16xf32, #tpu.memory_space<vmem>>)
      %add3A_88 = arith.constant 0 : i32
      %add3A_89 = vector.broadcast %add3A_88 : i32 to vector<16xi32>
      %add3A_90 = arith.addi %iota3A, %add3A_89 : vector<16xi32>
      %gather3A = tpu.vector_load_idx %arg13[%add3A_90, %add3A_7] : memref<80x144xf32, #tpu.memory_space<vmem>>[vector<16xi32>, vector<16xi32>], vector<16xf32>,
      %gather3A_91 = tpu.vector_load_idx %arg15[%add3A_90, %broadcast_in_dim3A_3] : memref<80x16xf32, #tpu.memory_space<vmem>>[vector<16xi32>, vector<16xi32>], vector<16xf32>,
      %add3A_92 = arith.addf %gather3A, %gather3A_91 : vector<16xf32>
      %gather3A_93 = tpu.vector_load_idx %arg13[%add3A_90, %add3A_10] : memref<80x144xf32, #tpu.memory_space<vmem>>[vector<16xi32>, vector<16xi32>], vector<16xf32>,
      %gather3A_94 = tpu.vector_load_idx %arg15[%add3A_90, %broadcast_in_dim3A_5] : memref<80x16xf32, #tpu.memory_space<vmem>>[vector<16xi32>, vector<16xi32>], vector<16xf32>,
      %add3A_95 = arith.addf %gather3A_93, %gather3A_94 : vector<16xf32>
      %gt3A = arith.constant 0.000000e+00 : f32
      %gt3A_96 = vector.broadcast %gt3A : f32 to vector<16xf32>
      %gt3A_97 = arith.cmpf ogt, %add3A_92, %gt3A_96 : vector<16xf32>
      %mul3A_98 = arith.constant 2.000000e-01 : f32
      %mul3A_99 = vector.broadcast %mul3A_98 : f32 to vector<16xf32>
      %mul3A_100 = arith.mulf %mul3A_99, %add3A_92 : vector<16xf32>
      %select_n3A = arith.select %gt3A_97, %add3A_92, %mul3A_100 : vector<16xi1>, vector<16xf32>
      %neg3A = arith.constant 0.000000e+00 : f32
      %neg3A_101 = vector.broadcast %neg3A : f32 to vector<16xf32>
      %neg3A_102 = arith.subf %neg3A_101, %select_n3A : vector<16xf32>
      %exp3A = math.exp %neg3A_102 : vector<16xf32>
      %gt3A_103 = arith.constant 0.000000e+00 : f32
      %gt3A_104 = vector.broadcast %gt3A_103 : f32 to vector<16xf32>
      %gt3A_105 = arith.cmpf ogt, %add3A_95, %gt3A_104 : vector<16xf32>
      %mul3A_106 = arith.constant 2.000000e-01 : f32
      %mul3A_107 = vector.broadcast %mul3A_106 : f32 to vector<16xf32>
      %mul3A_108 = arith.mulf %mul3A_107, %add3A_95 : vector<16xf32>
      %select_n3A_109 = arith.select %gt3A_105, %add3A_95, %mul3A_108 : vector<16xi1>, vector<16xf32>
      %neg3A_110 = arith.constant 0.000000e+00 : f32
      %neg3A_111 = vector.broadcast %neg3A_110 : f32 to vector<16xf32>
      %neg3A_112 = arith.subf %neg3A_111, %select_n3A_109 : vector<16xf32>
      %exp3A_113 = math.exp %neg3A_112 : vector<16xf32>
      tpu.vector_store_idx %arg13[%add3A_90, %add3A_7], %exp3A : memref<80x144xf32, #tpu.memory_space<vmem>>[vector<16xi32>, vector<16xi32>], vector<16xf32>,
      tpu.vector_store_idx %arg13[%add3A_90, %add3A_10], %exp3A_113 : memref<80x144xf32, #tpu.memory_space<vmem>>[vector<16xi32>, vector<16xi32>], vector<16xf32>,
      %add3A_114 = arith.constant 16 : i32
      %add3A_115 = vector.broadcast %add3A_114 : i32 to vector<16xi32>
      %add3A_116 = arith.addi %iota3A, %add3A_115 : vector<16xi32>
      %gather3A_117 = tpu.vector_load_idx %arg13[%add3A_116, %add3A_7] : memref<80x144xf32, #tpu.memory_space<vmem>>[vector<16xi32>, vector<16xi32>], vector<16xf32>,
      %gather3A_118 = tpu.vector_load_idx %arg15[%add3A_116, %broadcast_in_dim3A_3] : memref<80x16xf32, #tpu.memory_space<vmem>>[vector<16xi32>, vector<16xi32>], vector<16xf32>,
      %add3A_119 = arith.addf %gather3A_117, %gather3A_118 : vector<16xf32>
      %gather3A_120 = tpu.vector_load_idx %arg13[%add3A_116, %add3A_10] : memref<80x144xf32, #tpu.memory_space<vmem>>[vector<16xi32>, vector<16xi32>], vector<16xf32>,
      %gather3A_121 = tpu.vector_load_idx %arg15[%add3A_116, %broadcast_in_dim3A_5] : memref<80x16xf32, #tpu.memory_space<vmem>>[vector<16xi32>, vector<16xi32>], vector<16xf32>,
      %add3A_122 = arith.addf %gather3A_120, %gather3A_121 : vector<16xf32>
      %gt3A_123 = arith.constant 0.000000e+00 : f32
      %gt3A_124 = vector.broadcast %gt3A_123 : f32 to vector<16xf32>
      %gt3A_125 = arith.cmpf ogt, %add3A_119, %gt3A_124 : vector<16xf32>
      %mul3A_126 = arith.constant 2.000000e-01 : f32
      %mul3A_127 = vector.broadcast %mul3A_126 : f32 to vector<16xf32>
      %mul3A_128 = arith.mulf %mul3A_127, %add3A_119 : vector<16xf32>
      %select_n3A_129 = arith.select %gt3A_125, %add3A_119, %mul3A_128 : vector<16xi1>, vector<16xf32>
      %neg3A_130 = arith.constant 0.000000e+00 : f32
      %neg3A_131 = vector.broadcast %neg3A_130 : f32 to vector<16xf32>
      %neg3A_132 = arith.subf %neg3A_131, %select_n3A_129 : vector<16xf32>
      %exp3A_133 = math.exp %neg3A_132 : vector<16xf32>
      %gt3A_134 = arith.constant 0.000000e+00 : f32
      %gt3A_135 = vector.broadcast %gt3A_134 : f32 to vector<16xf32>
      %gt3A_136 = arith.cmpf ogt, %add3A_122, %gt3A_135 : vector<16xf32>
      %mul3A_137 = arith.constant 2.000000e-01 : f32
      %mul3A_138 = vector.broadcast %mul3A_137 : f32 to vector<16xf32>
      %mul3A_139 = arith.mulf %mul3A_138, %add3A_122 : vector<16xf32>
      %select_n3A_140 = arith.select %gt3A_136, %add3A_122, %mul3A_139 : vector<16xi1>, vector<16xf32>
      %neg3A_141 = arith.constant 0.000000e+00 : f32
      %neg3A_142 = vector.broadcast %neg3A_141 : f32 to vector<16xf32>
      %neg3A_143 = arith.subf %neg3A_142, %select_n3A_140 : vector<16xf32>
      %exp3A_144 = math.exp %neg3A_143 : vector<16xf32>
      tpu.vector_store_idx %arg13[%add3A_116, %add3A_7], %exp3A_133 : memref<80x144xf32, #tpu.memory_space<vmem>>[vector<16xi32>, vector<16xi32>], vector<16xf32>,
      tpu.vector_store_idx %arg13[%add3A_116, %add3A_10], %exp3A_144 : memref<80x144xf32, #tpu.memory_space<vmem>>[vector<16xi32>, vector<16xi32>], vector<16xf32>,
      %add3A_145 = arith.constant 32 : i32
      %add3A_146 = vector.broadcast %add3A_145 : i32 to vector<16xi32>
      %add3A_147 = arith.addi %iota3A, %add3A_146 : vector<16xi32>
      %gather3A_148 = tpu.vector_load_idx %arg13[%add3A_147, %add3A_7] : memref<80x144xf32, #tpu.memory_space<vmem>>[vector<16xi32>, vector<16xi32>], vector<16xf32>,
      %gather3A_149 = tpu.vector_load_idx %arg15[%add3A_147, %broadcast_in_dim3A_3] : memref<80x16xf32, #tpu.memory_space<vmem>>[vector<16xi32>, vector<16xi32>], vector<16xf32>,
      %add3A_150 = arith.addf %gather3A_148, %gather3A_149 : vector<16xf32>
      %gather3A_151 = tpu.vector_load_idx %arg13[%add3A_147, %add3A_10] : memref<80x144xf32, #tpu.memory_space<vmem>>[vector<16xi32>, vector<16xi32>], vector<16xf32>,
      %gather3A_152 = tpu.vector_load_idx %arg15[%add3A_147, %broadcast_in_dim3A_5] : memref<80x16xf32, #tpu.memory_space<vmem>>[vector<16xi32>, vector<16xi32>], vector<16xf32>,
      %add3A_153 = arith.addf %gather3A_151, %gather3A_152 : vector<16xf32>
      %gt3A_154 = arith.constant 0.000000e+00 : f32
      %gt3A_155 = vector.broadcast %gt3A_154 : f32 to vector<16xf32>
      %gt3A_156 = arith.cmpf ogt, %add3A_150, %gt3A_155 : vector<16xf32>
      %mul3A_157 = arith.constant 2.000000e-01 : f32
      %mul3A_158 = vector.broadcast %mul3A_157 : f32 to vector<16xf32>
      %mul3A_159 = arith.mulf %mul3A_158, %add3A_150 : vector<16xf32>
      %select_n3A_160 = arith.select %gt3A_156, %add3A_150, %mul3A_159 : vector<16xi1>, vector<16xf32>
      %neg3A_161 = arith.constant 0.000000e+00 : f32
      %neg3A_162 = vector.broadcast %neg3A_161 : f32 to vector<16xf32>
      %neg3A_163 = arith.subf %neg3A_162, %select_n3A_160 : vector<16xf32>
      %exp3A_164 = math.exp %neg3A_163 : vector<16xf32>
      %gt3A_165 = arith.constant 0.000000e+00 : f32
      %gt3A_166 = vector.broadcast %gt3A_165 : f32 to vector<16xf32>
      %gt3A_167 = arith.cmpf ogt, %add3A_153, %gt3A_166 : vector<16xf32>
      %mul3A_168 = arith.constant 2.000000e-01 : f32
      %mul3A_169 = vector.broadcast %mul3A_168 : f32 to vector<16xf32>
      %mul3A_170 = arith.mulf %mul3A_169, %add3A_153 : vector<16xf32>
      %select_n3A_171 = arith.select %gt3A_167, %add3A_153, %mul3A_170 : vector<16xi1>, vector<16xf32>
      %neg3A_172 = arith.constant 0.000000e+00 : f32
      %neg3A_173 = vector.broadcast %neg3A_172 : f32 to vector<16xf32>
      %neg3A_174 = arith.subf %neg3A_173, %select_n3A_171 : vector<16xf32>
      %exp3A_175 = math.exp %neg3A_174 : vector<16xf32>
      tpu.vector_store_idx %arg13[%add3A_147, %add3A_7], %exp3A_164 : memref<80x144xf32, #tpu.memory_space<vmem>>[vector<16xi32>, vector<16xi32>], vector<16xf32>,
      tpu.vector_store_idx %arg13[%add3A_147, %add3A_10], %exp3A_175 : memref<80x144xf32, #tpu.memory_space<vmem>>[vector<16xi32>, vector<16xi32>], vector<16xf32>,
      %add3A_176 = arith.constant 48 : i32
      %add3A_177 = vector.broadcast %add3A_176 : i32 to vector<16xi32>
      %add3A_178 = arith.addi %iota3A, %add3A_177 : vector<16xi32>
      %gather3A_179 = tpu.vector_load_idx %arg13[%add3A_178, %add3A_7] : memref<80x144xf32, #tpu.memory_space<vmem>>[vector<16xi32>, vector<16xi32>], vector<16xf32>,
      %gather3A_180 = tpu.vector_load_idx %arg15[%add3A_178, %broadcast_in_dim3A_3] : memref<80x16xf32, #tpu.memory_space<vmem>>[vector<16xi32>, vector<16xi32>], vector<16xf32>,
      %add3A_181 = arith.addf %gather3A_179, %gather3A_180 : vector<16xf32>
      %gather3A_182 = tpu.vector_load_idx %arg13[%add3A_178, %add3A_10] : memref<80x144xf32, #tpu.memory_space<vmem>>[vector<16xi32>, vector<16xi32>], vector<16xf32>,
      %gather3A_183 = tpu.vector_load_idx %arg15[%add3A_178, %broadcast_in_dim3A_5] : memref<80x16xf32, #tpu.memory_space<vmem>>[vector<16xi32>, vector<16xi32>], vector<16xf32>,
      %add3A_184 = arith.addf %gather3A_182, %gather3A_183 : vector<16xf32>
      %gt3A_185 = arith.constant 0.000000e+00 : f32
      %gt3A_186 = vector.broadcast %gt3A_185 : f32 to vector<16xf32>
      %gt3A_187 = arith.cmpf ogt, %add3A_181, %gt3A_186 : vector<16xf32>
      %mul3A_188 = arith.constant 2.000000e-01 : f32
      %mul3A_189 = vector.broadcast %mul3A_188 : f32 to vector<16xf32>
      %mul3A_190 = arith.mulf %mul3A_189, %add3A_181 : vector<16xf32>
      %select_n3A_191 = arith.select %gt3A_187, %add3A_181, %mul3A_190 : vector<16xi1>, vector<16xf32>
      %neg3A_192 = arith.constant 0.000000e+00 : f32
      %neg3A_193 = vector.broadcast %neg3A_192 : f32 to vector<16xf32>
      %neg3A_194 = arith.subf %neg3A_193, %select_n3A_191 : vector<16xf32>
      %exp3A_195 = math.exp %neg3A_194 : vector<16xf32>
      %gt3A_196 = arith.constant 0.000000e+00 : f32
      %gt3A_197 = vector.broadcast %gt3A_196 : f32 to vector<16xf32>
      %gt3A_198 = arith.cmpf ogt, %add3A_184, %gt3A_197 : vector<16xf32>
      %mul3A_199 = arith.constant 2.000000e-01 : f32
      %mul3A_200 = vector.broadcast %mul3A_199 : f32 to vector<16xf32>
      %mul3A_201 = arith.mulf %mul3A_200, %add3A_184 : vector<16xf32>
      %select_n3A_202 = arith.select %gt3A_198, %add3A_184, %mul3A_201 : vector<16xi1>, vector<16xf32>
      %neg3A_203 = arith.constant 0.000000e+00 : f32
      %neg3A_204 = vector.broadcast %neg3A_203 : f32 to vector<16xf32>
      %neg3A_205 = arith.subf %neg3A_204, %select_n3A_202 : vector<16xf32>
      %exp3A_206 = math.exp %neg3A_205 : vector<16xf32>
      tpu.vector_store_idx %arg13[%add3A_178, %add3A_7], %exp3A_195 : memref<80x144xf32, #tpu.memory_space<vmem>>[vector<16xi32>, vector<16xi32>], vector<16xf32>,
      tpu.vector_store_idx %arg13[%add3A_178, %add3A_10], %exp3A_206 : memref<80x144xf32, #tpu.memory_space<vmem>>[vector<16xi32>, vector<16xi32>], vector<16xf32>,
      %add3A_207 = arith.constant 64 : i32
      %add3A_208 = vector.broadcast %add3A_207 : i32 to vector<16xi32>
      %add3A_209 = arith.addi %iota3A, %add3A_208 : vector<16xi32>
      %gather3A_210 = tpu.vector_load_idx %arg13[%add3A_209, %add3A_7] : memref<80x144xf32, #tpu.memory_space<vmem>>[vector<16xi32>, vector<16xi32>], vector<16xf32>,
      %gather3A_211 = tpu.vector_load_idx %arg15[%add3A_209, %broadcast_in_dim3A_3] : memref<80x16xf32, #tpu.memory_space<vmem>>[vector<16xi32>, vector<16xi32>], vector<16xf32>,
      %add3A_212 = arith.addf %gather3A_210, %gather3A_211 : vector<16xf32>
      %gather3A_213 = tpu.vector_load_idx %arg13[%add3A_209, %add3A_10] : memref<80x144xf32, #tpu.memory_space<vmem>>[vector<16xi32>, vector<16xi32>], vector<16xf32>,
      %gather3A_214 = tpu.vector_load_idx %arg15[%add3A_209, %broadcast_in_dim3A_5] : memref<80x16xf32, #tpu.memory_space<vmem>>[vector<16xi32>, vector<16xi32>], vector<16xf32>,
      %add3A_215 = arith.addf %gather3A_213, %gather3A_214 : vector<16xf32>
      %gt3A_216 = arith.constant 0.000000e+00 : f32
      %gt3A_217 = vector.broadcast %gt3A_216 : f32 to vector<16xf32>
      %gt3A_218 = arith.cmpf ogt, %add3A_212, %gt3A_217 : vector<16xf32>
      %mul3A_219 = arith.constant 2.000000e-01 : f32
      %mul3A_220 = vector.broadcast %mul3A_219 : f32 to vector<16xf32>
      %mul3A_221 = arith.mulf %mul3A_220, %add3A_212 : vector<16xf32>
      %select_n3A_222 = arith.select %gt3A_218, %add3A_212, %mul3A_221 : vector<16xi1>, vector<16xf32>
      %neg3A_223 = arith.constant 0.000000e+00 : f32
      %neg3A_224 = vector.broadcast %neg3A_223 : f32 to vector<16xf32>
      %neg3A_225 = arith.subf %neg3A_224, %select_n3A_222 : vector<16xf32>
      %exp3A_226 = math.exp %neg3A_225 : vector<16xf32>
      %gt3A_227 = arith.constant 0.000000e+00 : f32
      %gt3A_228 = vector.broadcast %gt3A_227 : f32 to vector<16xf32>
      %gt3A_229 = arith.cmpf ogt, %add3A_215, %gt3A_228 : vector<16xf32>
      %mul3A_230 = arith.constant 2.000000e-01 : f32
      %mul3A_231 = vector.broadcast %mul3A_230 : f32 to vector<16xf32>
      %mul3A_232 = arith.mulf %mul3A_231, %add3A_215 : vector<16xf32>
      %select_n3A_233 = arith.select %gt3A_229, %add3A_215, %mul3A_232 : vector<16xi1>, vector<16xf32>
      %neg3A_234 = arith.constant 0.000000e+00 : f32
      %neg3A_235 = vector.broadcast %neg3A_234 : f32 to vector<16xf32>
      %neg3A_236 = arith.subf %neg3A_235, %select_n3A_233 : vector<16xf32>
      %exp3A_237 = math.exp %neg3A_236 : vector<16xf32>
      tpu.vector_store_idx %arg13[%add3A_209, %add3A_7], %exp3A_226 : memref<80x144xf32, #tpu.memory_space<vmem>>[vector<16xi32>, vector<16xi32>], vector<16xf32>,
      tpu.vector_store_idx %arg13[%add3A_209, %add3A_10], %exp3A_237 : memref<80x144xf32, #tpu.memory_space<vmem>>[vector<16xi32>, vector<16xi32>], vector<16xf32>,
      %scan3A_238 = arith.constant 0 : i32
      %scan3A_239 = arith.constant 0 : i32
      %scan3A_240 = arith.constant 80 : i32
      %scan3A_241 = arith.addi %scan3A_239, %scan3A_240 : i32
      %scan3A_242 = arith.constant 1 : i32
      scf.for %scan3A_436 = %scan3A_239 to %scan3A_241 step %scan3A_242  : i32 {
        %broadcast_in_dim3A_437 = vector.broadcast %scan3A_436 : i32 to vector<16xi32>
        %gather3A_438 = tpu.vector_load_idx %arg13[%broadcast_in_dim3A_437, %add3A_7] : memref<80x144xf32, #tpu.memory_space<vmem>>[vector<16xi32>, vector<16xi32>], vector<16xf32>,
        %gather3A_439 = tpu.vector_load_idx %arg13[%broadcast_in_dim3A_437, %add3A_10] : memref<80x144xf32, #tpu.memory_space<vmem>>[vector<16xi32>, vector<16xi32>], vector<16xf32>,
        %get3A = arith.index_cast %scan3A_436 : i32 to index
        %get3A_440 = arith.constant 0 : index
        %get3A_441 = tpu.vector_load %arg13[%get3A, %get3A_440] {strides = array<i32>} : memref<80x144xf32, #tpu.memory_space<vmem>>, vector<16xf32>,
        %mul3A_442 = arith.mulf %get3A_441, %gather3A_438 : vector<16xf32>
        %swap3A = arith.index_cast %scan3A_436 : i32 to index
        %swap3A_443 = arith.constant 0 : index
        %swap3A_444 = tpu.vector_load %arg13[%swap3A, %swap3A_443] {strides = array<i32>} : memref<80x144xf32, #tpu.memory_space<vmem>>, vector<16xf32>,
        tpu.vector_store %arg13[%swap3A, %swap3A_443], %mul3A_442 {strides = array<i32>} : memref<80x144xf32, #tpu.memory_space<vmem>>, vector<16xf32>,
        %get3A_445 = arith.index_cast %scan3A_436 : i32 to index
        %get3A_446 = arith.constant 16 : index
        %get3A_447 = tpu.vector_load %arg13[%get3A_445, %get3A_446] {strides = array<i32>} : memref<80x144xf32, #tpu.memory_space<vmem>>, vector<16xf32>,
        %mul3A_448 = arith.mulf %get3A_447, %gather3A_438 : vector<16xf32>
        %swap3A_449 = arith.index_cast %scan3A_436 : i32 to index
        %swap3A_450 = arith.constant 16 : index
        %swap3A_451 = tpu.vector_load %arg13[%swap3A_449, %swap3A_450] {strides = array<i32>} : memref<80x144xf32, #tpu.memory_space<vmem>>, vector<16xf32>,
        tpu.vector_store %arg13[%swap3A_449, %swap3A_450], %mul3A_448 {strides = array<i32>} : memref<80x144xf32, #tpu.memory_space<vmem>>, vector<16xf32>,
        %get3A_452 = arith.index_cast %scan3A_436 : i32 to index
        %get3A_453 = arith.constant 32 : index
        %get3A_454 = tpu.vector_load %arg13[%get3A_452, %get3A_453] {strides = array<i32>} : memref<80x144xf32, #tpu.memory_space<vmem>>, vector<16xf32>,
        %mul3A_455 = arith.mulf %get3A_454, %gather3A_438 : vector<16xf32>
        %swap3A_456 = arith.index_cast %scan3A_436 : i32 to index
        %swap3A_457 = arith.constant 32 : index
        %swap3A_458 = tpu.vector_load %arg13[%swap3A_456, %swap3A_457] {strides = array<i32>} : memref<80x144xf32, #tpu.memory_space<vmem>>, vector<16xf32>,
        tpu.vector_store %arg13[%swap3A_456, %swap3A_457], %mul3A_455 {strides = array<i32>} : memref<80x144xf32, #tpu.memory_space<vmem>>, vector<16xf32>,
        %get3A_459 = arith.index_cast %scan3A_436 : i32 to index
        %get3A_460 = arith.constant 48 : index
        %get3A_461 = tpu.vector_load %arg13[%get3A_459, %get3A_460] {strides = array<i32>} : memref<80x144xf32, #tpu.memory_space<vmem>>, vector<16xf32>,
        %mul3A_462 = arith.mulf %get3A_461, %gather3A_438 : vector<16xf32>
        %swap3A_463 = arith.index_cast %scan3A_436 : i32 to index
        %swap3A_464 = arith.constant 48 : index
        %swap3A_465 = tpu.vector_load %arg13[%swap3A_463, %swap3A_464] {strides = array<i32>} : memref<80x144xf32, #tpu.memory_space<vmem>>, vector<16xf32>,
        tpu.vector_store %arg13[%swap3A_463, %swap3A_464], %mul3A_462 {strides = array<i32>} : memref<80x144xf32, #tpu.memory_space<vmem>>, vector<16xf32>,
        %get3A_466 = arith.index_cast %scan3A_436 : i32 to index
        %get3A_467 = arith.constant 64 : index
        %get3A_468 = tpu.vector_load %arg13[%get3A_466, %get3A_467] {strides = array<i32>} : memref<80x144xf32, #tpu.memory_space<vmem>>, vector<16xf32>,
        %mul3A_469 = arith.mulf %get3A_468, %gather3A_439 : vector<16xf32>
        %swap3A_470 = arith.index_cast %scan3A_436 : i32 to index
        %swap3A_471 = arith.constant 64 : index
        %swap3A_472 = tpu.vector_load %arg13[%swap3A_470, %swap3A_471] {strides = array<i32>} : memref<80x144xf32, #tpu.memory_space<vmem>>, vector<16xf32>,
        tpu.vector_store %arg13[%swap3A_470, %swap3A_471], %mul3A_469 {strides = array<i32>} : memref<80x144xf32, #tpu.memory_space<vmem>>, vector<16xf32>,
        %get3A_473 = arith.index_cast %scan3A_436 : i32 to index
        %get3A_474 = arith.constant 80 : index
        %get3A_475 = tpu.vector_load %arg13[%get3A_473, %get3A_474] {strides = array<i32>} : memref<80x144xf32, #tpu.memory_space<vmem>>, vector<16xf32>,
        %mul3A_476 = arith.mulf %get3A_475, %gather3A_439 : vector<16xf32>
        %swap3A_477 = arith.index_cast %scan3A_436 : i32 to index
        %swap3A_478 = arith.constant 80 : index
        %swap3A_479 = tpu.vector_load %arg13[%swap3A_477, %swap3A_478] {strides = array<i32>} : memref<80x144xf32, #tpu.memory_space<vmem>>, vector<16xf32>,
        tpu.vector_store %arg13[%swap3A_477, %swap3A_478], %mul3A_476 {strides = array<i32>} : memref<80x144xf32, #tpu.memory_space<vmem>>, vector<16xf32>,
        %get3A_480 = arith.index_cast %scan3A_436 : i32 to index
        %get3A_481 = arith.constant 96 : index
        %get3A_482 = tpu.vector_load %arg13[%get3A_480, %get3A_481] {strides = array<i32>} : memref<80x144xf32, #tpu.memory_space<vmem>>, vector<16xf32>,
        %mul3A_483 = arith.mulf %get3A_482, %gather3A_439 : vector<16xf32>
        %swap3A_484 = arith.index_cast %scan3A_436 : i32 to index
        %swap3A_485 = arith.constant 96 : index
        %swap3A_486 = tpu.vector_load %arg13[%swap3A_484, %swap3A_485] {strides = array<i32>} : memref<80x144xf32, #tpu.memory_space<vmem>>, vector<16xf32>,
        tpu.vector_store %arg13[%swap3A_484, %swap3A_485], %mul3A_483 {strides = array<i32>} : memref<80x144xf32, #tpu.memory_space<vmem>>, vector<16xf32>,
        %get3A_487 = arith.index_cast %scan3A_436 : i32 to index
        %get3A_488 = arith.constant 112 : index
        %get3A_489 = tpu.vector_load %arg13[%get3A_487, %get3A_488] {strides = array<i32>} : memref<80x144xf32, #tpu.memory_space<vmem>>, vector<16xf32>,
        %mul3A_490 = arith.mulf %get3A_489, %gather3A_439 : vector<16xf32>
        %swap3A_491 = arith.index_cast %scan3A_436 : i32 to index
        %swap3A_492 = arith.constant 112 : index
        %swap3A_493 = tpu.vector_load %arg13[%swap3A_491, %swap3A_492] {strides = array<i32>} : memref<80x144xf32, #tpu.memory_space<vmem>>, vector<16xf32>,
        tpu.vector_store %arg13[%swap3A_491, %swap3A_492], %mul3A_490 {strides = array<i32>} : memref<80x144xf32, #tpu.memory_space<vmem>>, vector<16xf32>,
      }
      %scan3A_243 = arith.constant 80 : i32
      "tpu.region"() ({
        %run_scoped3A = tpu.sem_alloc : memref<!tpu.dma_semaphore, #tpu.memory_space<semaphore_mem>>
        %dma_start3A_436 = arith.constant 0 : i32
        %dma_start3A_437 = arith.constant 0 : i32
        %dma_start3A_438 = tpu.memref_slice %arg8[%dma_start3A_436, %dma_start3A_437] : memref<10000x144xf32, #tpu.memory_space<vmem_shared>> -> memref<10000x144xf32, #tpu.memory_space<vmem_shared>>
        tpu.enqueue_indirect_dma source(%arg13 : memref<80x144xf32, #tpu.memory_space<vmem>>) target(%dma_start3A_438 : memref<10000x144xf32, #tpu.memory_space<vmem_shared>>) offsets(%arg9 : memref<80xi32, #tpu.memory_space<vmem>>) semaphore(%run_scoped3A : memref<!tpu.dma_semaphore, #tpu.memory_space<semaphore_mem>>) {add = true}
        %dma_wait3A_439 = arith.constant 0 : i32
        %dma_wait3A_440 = arith.constant 0 : i32
        %dma_wait3A_441 = tpu.memref_slice %arg8[%dma_wait3A_439, %dma_wait3A_440] : memref<10000x144xf32, #tpu.memory_space<vmem_shared>> -> memref<10000x144xf32, #tpu.memory_space<vmem_shared>>
        tpu.wait_indirect_dma semaphore(%run_scoped3A : memref<!tpu.dma_semaphore, #tpu.memory_space<semaphore_mem>>) src(%arg13 : memref<80x144xf32, #tpu.memory_space<vmem>>) dst(%dma_wait3A_441 : memref<10000x144xf32, #tpu.memory_space<vmem_shared>>)
        tpu.yield
      }) : () -> ()
      %add3A_244 = arith.constant 2 : i32
      %add3A_245 = arith.addi %add3A_77, %add3A_244 : i32
      %lt3A_246 = arith.constant 282 : i32
      %lt3A_247 = arith.cmpi slt, %add3A_245, %lt3A_246 : i32
      %convert_element_type3A_248 = arith.extui %lt3A_247 : i1 to i32
      %cond3A_249 = arith.constant 0 : i32
      %cond3A_250 = arith.cmpi ne, %convert_element_type3A_248, %cond3A_249 : i32
      scf.if %cond3A_250 {
        %add3A_436 = arith.constant 2 : i32
        %add3A_437 = arith.addi %add3A_77, %add3A_436 : i32
        %mul3A_438 = arith.constant 80 : i32
        %mul3A_439 = arith.muli %add3A_437, %mul3A_438 : i32
        %add3A_440 = arith.addi %mul3A_2, %mul3A_439 : i32
        %dma_start3A_441 = arith.constant 0 : i32
        %dma_start3A_442 = tpu.memref_slice %arg2[%arg0, %dma_start3A_441, %add3A_440] : memref<2x2x360960xi32, #tpu.memory_space<hbm>> -> memref<1x1x80xi32, #tpu.memory_space<hbm>>
        %dma_start3A_443 = tpu.memref_squeeze %dma_start3A_442 : memref<1x1x80xi32, #tpu.memory_space<hbm>> -> memref<80xi32, #tpu.memory_space<hbm>>
        %dma_start3A_444 = tpu.memref_slice %arg2[%arg0, %dma_start3A_441, %add3A_440] : memref<2x2x360960xi32, #tpu.memory_space<hbm>> -> memref<1x1x80xi32, #tpu.memory_space<hbm>>
        %dma_start3A_445 = tpu.memref_squeeze %dma_start3A_444 : memref<1x1x80xi32, #tpu.memory_space<hbm>> -> memref<80xi32, #tpu.memory_space<hbm>>
        tpu.enqueue_dma source(%dma_start3A_445 : memref<80xi32, #tpu.memory_space<hbm>>) target(%arg9 : memref<80xi32, #tpu.memory_space<vmem>>) target_semaphore(%arg17 : memref<!tpu.dma_semaphore, #tpu.memory_space<semaphore_mem>>)
        %dma_start3A_446 = arith.constant 1 : i32
        %dma_start3A_447 = tpu.memref_slice %arg2[%arg0, %dma_start3A_446, %add3A_440] : memref<2x2x360960xi32, #tpu.memory_space<hbm>> -> memref<1x1x80xi32, #tpu.memory_space<hbm>>
        %dma_start3A_448 = tpu.memref_squeeze %dma_start3A_447 : memref<1x1x80xi32, #tpu.memory_space<hbm>> -> memref<80xi32, #tpu.memory_space<hbm>>
        %dma_start3A_449 = tpu.memref_slice %arg2[%arg0, %dma_start3A_446, %add3A_440] : memref<2x2x360960xi32, #tpu.memory_space<hbm>> -> memref<1x1x80xi32, #tpu.memory_space<hbm>>
        %dma_start3A_450 = tpu.memref_squeeze %dma_start3A_449 : memref<1x1x80xi32, #tpu.memory_space<hbm>> -> memref<80xi32, #tpu.memory_space<hbm>>
        tpu.enqueue_dma source(%dma_start3A_450 : memref<80xi32, #tpu.memory_space<hbm>>) target(%arg11 : memref<80xi32, #tpu.memory_space<vmem>>) target_semaphore(%arg17 : memref<!tpu.dma_semaphore, #tpu.memory_space<semaphore_mem>>)
        %dma_start3A_451 = arith.constant 0 : i32
        %dma_start3A_452 = tpu.memref_slice %arg3[%add3A_440, %dma_start3A_451] : memref<360960x144xf32, #tpu.memory_space<hbm>> -> memref<80x144xf32, #tpu.memory_space<hbm>>
        %dma_start3A_453 = arith.constant 0 : i32
        %dma_start3A_454 = tpu.memref_slice %arg3[%add3A_440, %dma_start3A_453] : memref<360960x144xf32, #tpu.memory_space<hbm>> -> memref<80x144xf32, #tpu.memory_space<hbm>>
        tpu.enqueue_dma source(%dma_start3A_454 : memref<80x144xf32, #tpu.memory_space<hbm>>) target(%arg13 : memref<80x144xf32, #tpu.memory_space<vmem>>) target_semaphore(%arg17 : memref<!tpu.dma_semaphore, #tpu.memory_space<semaphore_mem>>)
      } else {
      }
      %mul3A_251 = arith.constant 2 : i32
      %mul3A_252 = arith.muli %scan3A_73, %mul3A_251 : i32
      %add3A_253 = arith.constant 1 : i32
      %add3A_254 = arith.addi %mul3A_252, %add3A_253 : i32
      %add3A_255 = arith.constant 1 : i32
      %add3A_256 = arith.addi %add3A_254, %add3A_255 : i32
      %lt3A_257 = arith.constant 282 : i32
      %lt3A_258 = arith.cmpi slt, %add3A_256, %lt3A_257 : i32
      %convert_element_type3A_259 = arith.extui %lt3A_258 : i1 to i32
      %cond3A_260 = arith.constant 0 : i32
      %cond3A_261 = arith.cmpi ne, %convert_element_type3A_259, %cond3A_260 : i32
      scf.if %cond3A_261 {
        %dma_wait3A_436 = arith.constant 0 : i32
        %dma_wait3A_437 = arith.constant 0 : i32
        %dma_wait3A_438 = tpu.memref_slice %arg2[%arg0, %dma_wait3A_436, %dma_wait3A_437] : memref<2x2x360960xi32, #tpu.memory_space<hbm>> -> memref<1x1x80xi32, #tpu.memory_space<hbm>>
        %dma_wait3A_439 = tpu.memref_squeeze %dma_wait3A_438 : memref<1x1x80xi32, #tpu.memory_space<hbm>> -> memref<80xi32, #tpu.memory_space<hbm>>
        %dma_wait3A_440 = arith.constant 0 : i32
        %dma_wait3A_441 = tpu.memref_slice %arg2[%arg0, %dma_wait3A_436, %dma_wait3A_440] : memref<2x2x360960xi32, #tpu.memory_space<hbm>> -> memref<1x1x80xi32, #tpu.memory_space<hbm>>
        %dma_wait3A_442 = tpu.memref_squeeze %dma_wait3A_441 : memref<1x1x80xi32, #tpu.memory_space<hbm>> -> memref<80xi32, #tpu.memory_space<hbm>>
        tpu.wait_dma2 semaphore(%arg17 : memref<!tpu.dma_semaphore, #tpu.memory_space<semaphore_mem>>) src(%dma_wait3A_442 : memref<80xi32, #tpu.memory_space<hbm>>) dst(%arg9 : memref<80xi32, #tpu.memory_space<vmem>>)
        %dma_wait3A_443 = arith.constant 1 : i32
        %dma_wait3A_444 = arith.constant 0 : i32
        %dma_wait3A_445 = tpu.memref_slice %arg2[%arg0, %dma_wait3A_443, %dma_wait3A_444] : memref<2x2x360960xi32, #tpu.memory_space<hbm>> -> memref<1x1x80xi32, #tpu.memory_space<hbm>>
        %dma_wait3A_446 = tpu.memref_squeeze %dma_wait3A_445 : memref<1x1x80xi32, #tpu.memory_space<hbm>> -> memref<80xi32, #tpu.memory_space<hbm>>
        %dma_wait3A_447 = arith.constant 0 : i32
        %dma_wait3A_448 = tpu.memref_slice %arg2[%arg0, %dma_wait3A_443, %dma_wait3A_447] : memref<2x2x360960xi32, #tpu.memory_space<hbm>> -> memref<1x1x80xi32, #tpu.memory_space<hbm>>
        %dma_wait3A_449 = tpu.memref_squeeze %dma_wait3A_448 : memref<1x1x80xi32, #tpu.memory_space<hbm>> -> memref<80xi32, #tpu.memory_space<hbm>>
        tpu.wait_dma2 semaphore(%arg17 : memref<!tpu.dma_semaphore, #tpu.memory_space<semaphore_mem>>) src(%dma_wait3A_449 : memref<80xi32, #tpu.memory_space<hbm>>) dst(%arg11 : memref<80xi32, #tpu.memory_space<vmem>>)
        %dma_wait3A_450 = arith.constant 0 : i32
        %dma_wait3A_451 = arith.constant 0 : i32
        %dma_wait3A_452 = tpu.memref_slice %arg3[%dma_wait3A_450, %dma_wait3A_451] : memref<360960x144xf32, #tpu.memory_space<hbm>> -> memref<80x144xf32, #tpu.memory_space<hbm>>
        %dma_wait3A_453 = arith.constant 0 : i32
        %dma_wait3A_454 = arith.constant 0 : i32
        %dma_wait3A_455 = tpu.memref_slice %arg3[%dma_wait3A_453, %dma_wait3A_454] : memref<360960x144xf32, #tpu.memory_space<hbm>> -> memref<80x144xf32, #tpu.memory_space<hbm>>
        tpu.wait_dma2 semaphore(%arg17 : memref<!tpu.dma_semaphore, #tpu.memory_space<semaphore_mem>>) src(%dma_wait3A_455 : memref<80x144xf32, #tpu.memory_space<hbm>>) dst(%arg13 : memref<80x144xf32, #tpu.memory_space<vmem>>)
        %dma_start3A_456 = arith.constant 0 : i32
        %dma_start3A_457 = arith.constant 0 : i32
        %dma_start3A_458 = tpu.memref_slice %arg4[%dma_start3A_456, %dma_start3A_457] : memref<10000x144xf32, #tpu.memory_space<hbm>> -> memref<10000x144xf32, #tpu.memory_space<hbm>>
        tpu.enqueue_indirect_dma source(%dma_start3A_458 : memref<10000x144xf32, #tpu.memory_space<hbm>>) target(%arg13 : memref<80x144xf32, #tpu.memory_space<vmem>>) offsets(%arg11 : memref<80xi32, #tpu.memory_space<vmem>>) semaphore(%arg19 : memref<!tpu.dma_semaphore, #tpu.memory_space<semaphore_mem>>) {add = true}
        %dma_start3A_459 = arith.constant 0 : i32
        %dma_start3A_460 = arith.constant 0 : i32
        %dma_start3A_461 = tpu.memref_slice %arg5[%dma_start3A_459, %dma_start3A_460] : memref<10000x16xf32, #tpu.memory_space<hbm>> -> memref<10000x16xf32, #tpu.memory_space<hbm>>
        tpu.enqueue_indirect_dma source(%dma_start3A_461 : memref<10000x16xf32, #tpu.memory_space<hbm>>) target(%arg15 : memref<80x16xf32, #tpu.memory_space<vmem>>) offsets(%arg9 : memref<80xi32, #tpu.memory_space<vmem>>) semaphore(%arg19 : memref<!tpu.dma_semaphore, #tpu.memory_space<semaphore_mem>>)
      } else {
      }
      %dma_wait3A_262 = arith.constant 0 : i32
      %dma_wait3A_263 = arith.constant 0 : i32
      %dma_wait3A_264 = tpu.memref_slice %arg4[%dma_wait3A_262, %dma_wait3A_263] : memref<10000x144xf32, #tpu.memory_space<hbm>> -> memref<10000x144xf32, #tpu.memory_space<hbm>>
      tpu.wait_indirect_dma semaphore(%arg20 : memref<!tpu.dma_semaphore, #tpu.memory_space<semaphore_mem>>) src(%dma_wait3A_264 : memref<10000x144xf32, #tpu.memory_space<hbm>>) dst(%arg14 : memref<80x144xf32, #tpu.memory_space<vmem>>)
      %dma_wait3A_265 = arith.constant 0 : i32
      %dma_wait3A_266 = arith.constant 0 : i32
      %dma_wait3A_267 = tpu.memref_slice %arg5[%dma_wait3A_265, %dma_wait3A_266] : memref<10000x16xf32, #tpu.memory_space<hbm>> -> memref<10000x16xf32, #tpu.memory_space<hbm>>
      tpu.wait_indirect_dma semaphore(%arg20 : memref<!tpu.dma_semaphore, #tpu.memory_space<semaphore_mem>>) src(%dma_wait3A_267 : memref<10000x16xf32, #tpu.memory_space<hbm>>) dst(%arg16 : memref<80x16xf32, #tpu.memory_space<vmem>>)
      %add3A_268 = arith.constant 0 : i32
      %add3A_269 = vector.broadcast %add3A_268 : i32 to vector<16xi32>
      %add3A_270 = arith.addi %iota3A, %add3A_269 : vector<16xi32>
      %gather3A_271 = tpu.vector_load_idx %arg14[%add3A_270, %add3A_7] : memref<80x144xf32, #tpu.memory_space<vmem>>[vector<16xi32>, vector<16xi32>], vector<16xf32>,
      %gather3A_272 = tpu.vector_load_idx %arg16[%add3A_270, %broadcast_in_dim3A_3] : memref<80x16xf32, #tpu.memory_space<vmem>>[vector<16xi32>, vector<16xi32>], vector<16xf32>,
      %add3A_273 = arith.addf %gather3A_271, %gather3A_272 : vector<16xf32>
      %gather3A_274 = tpu.vector_load_idx %arg14[%add3A_270, %add3A_10] : memref<80x144xf32, #tpu.memory_space<vmem>>[vector<16xi32>, vector<16xi32>], vector<16xf32>,
      %gather3A_275 = tpu.vector_load_idx %arg16[%add3A_270, %broadcast_in_dim3A_5] : memref<80x16xf32, #tpu.memory_space<vmem>>[vector<16xi32>, vector<16xi32>], vector<16xf32>,
      %add3A_276 = arith.addf %gather3A_274, %gather3A_275 : vector<16xf32>
      %gt3A_277 = arith.constant 0.000000e+00 : f32
      %gt3A_278 = vector.broadcast %gt3A_277 : f32 to vector<16xf32>
      %gt3A_279 = arith.cmpf ogt, %add3A_273, %gt3A_278 : vector<16xf32>
      %mul3A_280 = arith.constant 2.000000e-01 : f32
      %mul3A_281 = vector.broadcast %mul3A_280 : f32 to vector<16xf32>
      %mul3A_282 = arith.mulf %mul3A_281, %add3A_273 : vector<16xf32>
      %select_n3A_283 = arith.select %gt3A_279, %add3A_273, %mul3A_282 : vector<16xi1>, vector<16xf32>
      %neg3A_284 = arith.constant 0.000000e+00 : f32
      %neg3A_285 = vector.broadcast %neg3A_284 : f32 to vector<16xf32>
      %neg3A_286 = arith.subf %neg3A_285, %select_n3A_283 : vector<16xf32>
      %exp3A_287 = math.exp %neg3A_286 : vector<16xf32>
      %gt3A_288 = arith.constant 0.000000e+00 : f32
      %gt3A_289 = vector.broadcast %gt3A_288 : f32 to vector<16xf32>
      %gt3A_290 = arith.cmpf ogt, %add3A_276, %gt3A_289 : vector<16xf32>
      %mul3A_291 = arith.constant 2.000000e-01 : f32
      %mul3A_292 = vector.broadcast %mul3A_291 : f32 to vector<16xf32>
      %mul3A_293 = arith.mulf %mul3A_292, %add3A_276 : vector<16xf32>
      %select_n3A_294 = arith.select %gt3A_290, %add3A_276, %mul3A_293 : vector<16xi1>, vector<16xf32>
      %neg3A_295 = arith.constant 0.000000e+00 : f32
      %neg3A_296 = vector.broadcast %neg3A_295 : f32 to vector<16xf32>
      %neg3A_297 = arith.subf %neg3A_296, %select_n3A_294 : vector<16xf32>
      %exp3A_298 = math.exp %neg3A_297 : vector<16xf32>
      tpu.vector_store_idx %arg14[%add3A_270, %add3A_7], %exp3A_287 : memref<80x144xf32, #tpu.memory_space<vmem>>[vector<16xi32>, vector<16xi32>], vector<16xf32>,
      tpu.vector_store_idx %arg14[%add3A_270, %add3A_10], %exp3A_298 : memref<80x144xf32, #tpu.memory_space<vmem>>[vector<16xi32>, vector<16xi32>], vector<16xf32>,
      %add3A_299 = arith.constant 16 : i32
      %add3A_300 = vector.broadcast %add3A_299 : i32 to vector<16xi32>
      %add3A_301 = arith.addi %iota3A, %add3A_300 : vector<16xi32>
      %gather3A_302 = tpu.vector_load_idx %arg14[%add3A_301, %add3A_7] : memref<80x144xf32, #tpu.memory_space<vmem>>[vector<16xi32>, vector<16xi32>], vector<16xf32>,
      %gather3A_303 = tpu.vector_load_idx %arg16[%add3A_301, %broadcast_in_dim3A_3] : memref<80x16xf32, #tpu.memory_space<vmem>>[vector<16xi32>, vector<16xi32>], vector<16xf32>,
      %add3A_304 = arith.addf %gather3A_302, %gather3A_303 : vector<16xf32>
      %gather3A_305 = tpu.vector_load_idx %arg14[%add3A_301, %add3A_10] : memref<80x144xf32, #tpu.memory_space<vmem>>[vector<16xi32>, vector<16xi32>], vector<16xf32>,
      %gather3A_306 = tpu.vector_load_idx %arg16[%add3A_301, %broadcast_in_dim3A_5] : memref<80x16xf32, #tpu.memory_space<vmem>>[vector<16xi32>, vector<16xi32>], vector<16xf32>,
      %add3A_307 = arith.addf %gather3A_305, %gather3A_306 : vector<16xf32>
      %gt3A_308 = arith.constant 0.000000e+00 : f32
      %gt3A_309 = vector.broadcast %gt3A_308 : f32 to vector<16xf32>
      %gt3A_310 = arith.cmpf ogt, %add3A_304, %gt3A_309 : vector<16xf32>
      %mul3A_311 = arith.constant 2.000000e-01 : f32
      %mul3A_312 = vector.broadcast %mul3A_311 : f32 to vector<16xf32>
      %mul3A_313 = arith.mulf %mul3A_312, %add3A_304 : vector<16xf32>
      %select_n3A_314 = arith.select %gt3A_310, %add3A_304, %mul3A_313 : vector<16xi1>, vector<16xf32>
      %neg3A_315 = arith.constant 0.000000e+00 : f32
      %neg3A_316 = vector.broadcast %neg3A_315 : f32 to vector<16xf32>
      %neg3A_317 = arith.subf %neg3A_316, %select_n3A_314 : vector<16xf32>
      %exp3A_318 = math.exp %neg3A_317 : vector<16xf32>
      %gt3A_319 = arith.constant 0.000000e+00 : f32
      %gt3A_320 = vector.broadcast %gt3A_319 : f32 to vector<16xf32>
      %gt3A_321 = arith.cmpf ogt, %add3A_307, %gt3A_320 : vector<16xf32>
      %mul3A_322 = arith.constant 2.000000e-01 : f32
      %mul3A_323 = vector.broadcast %mul3A_322 : f32 to vector<16xf32>
      %mul3A_324 = arith.mulf %mul3A_323, %add3A_307 : vector<16xf32>
      %select_n3A_325 = arith.select %gt3A_321, %add3A_307, %mul3A_324 : vector<16xi1>, vector<16xf32>
      %neg3A_326 = arith.constant 0.000000e+00 : f32
      %neg3A_327 = vector.broadcast %neg3A_326 : f32 to vector<16xf32>
      %neg3A_328 = arith.subf %neg3A_327, %select_n3A_325 : vector<16xf32>
      %exp3A_329 = math.exp %neg3A_328 : vector<16xf32>
      tpu.vector_store_idx %arg14[%add3A_301, %add3A_7], %exp3A_318 : memref<80x144xf32, #tpu.memory_space<vmem>>[vector<16xi32>, vector<16xi32>], vector<16xf32>,
      tpu.vector_store_idx %arg14[%add3A_301, %add3A_10], %exp3A_329 : memref<80x144xf32, #tpu.memory_space<vmem>>[vector<16xi32>, vector<16xi32>], vector<16xf32>,
      %add3A_330 = arith.constant 32 : i32
      %add3A_331 = vector.broadcast %add3A_330 : i32 to vector<16xi32>
      %add3A_332 = arith.addi %iota3A, %add3A_331 : vector<16xi32>
      %gather3A_333 = tpu.vector_load_idx %arg14[%add3A_332, %add3A_7] : memref<80x144xf32, #tpu.memory_space<vmem>>[vector<16xi32>, vector<16xi32>], vector<16xf32>,
      %gather3A_334 = tpu.vector_load_idx %arg16[%add3A_332, %broadcast_in_dim3A_3] : memref<80x16xf32, #tpu.memory_space<vmem>>[vector<16xi32>, vector<16xi32>], vector<16xf32>,
      %add3A_335 = arith.addf %gather3A_333, %gather3A_334 : vector<16xf32>
      %gather3A_336 = tpu.vector_load_idx %arg14[%add3A_332, %add3A_10] : memref<80x144xf32, #tpu.memory_space<vmem>>[vector<16xi32>, vector<16xi32>], vector<16xf32>,
      %gather3A_337 = tpu.vector_load_idx %arg16[%add3A_332, %broadcast_in_dim3A_5] : memref<80x16xf32, #tpu.memory_space<vmem>>[vector<16xi32>, vector<16xi32>], vector<16xf32>,
      %add3A_338 = arith.addf %gather3A_336, %gather3A_337 : vector<16xf32>
      %gt3A_339 = arith.constant 0.000000e+00 : f32
      %gt3A_340 = vector.broadcast %gt3A_339 : f32 to vector<16xf32>
      %gt3A_341 = arith.cmpf ogt, %add3A_335, %gt3A_340 : vector<16xf32>
      %mul3A_342 = arith.constant 2.000000e-01 : f32
      %mul3A_343 = vector.broadcast %mul3A_342 : f32 to vector<16xf32>
      %mul3A_344 = arith.mulf %mul3A_343, %add3A_335 : vector<16xf32>
      %select_n3A_345 = arith.select %gt3A_341, %add3A_335, %mul3A_344 : vector<16xi1>, vector<16xf32>
      %neg3A_346 = arith.constant 0.000000e+00 : f32
      %neg3A_347 = vector.broadcast %neg3A_346 : f32 to vector<16xf32>
      %neg3A_348 = arith.subf %neg3A_347, %select_n3A_345 : vector<16xf32>
      %exp3A_349 = math.exp %neg3A_348 : vector<16xf32>
      %gt3A_350 = arith.constant 0.000000e+00 : f32
      %gt3A_351 = vector.broadcast %gt3A_350 : f32 to vector<16xf32>
      %gt3A_352 = arith.cmpf ogt, %add3A_338, %gt3A_351 : vector<16xf32>
      %mul3A_353 = arith.constant 2.000000e-01 : f32
      %mul3A_354 = vector.broadcast %mul3A_353 : f32 to vector<16xf32>
      %mul3A_355 = arith.mulf %mul3A_354, %add3A_338 : vector<16xf32>
      %select_n3A_356 = arith.select %gt3A_352, %add3A_338, %mul3A_355 : vector<16xi1>, vector<16xf32>
      %neg3A_357 = arith.constant 0.000000e+00 : f32
      %neg3A_358 = vector.broadcast %neg3A_357 : f32 to vector<16xf32>
      %neg3A_359 = arith.subf %neg3A_358, %select_n3A_356 : vector<16xf32>
      %exp3A_360 = math.exp %neg3A_359 : vector<16xf32>
      tpu.vector_store_idx %arg14[%add3A_332, %add3A_7], %exp3A_349 : memref<80x144xf32, #tpu.memory_space<vmem>>[vector<16xi32>, vector<16xi32>], vector<16xf32>,
      tpu.vector_store_idx %arg14[%add3A_332, %add3A_10], %exp3A_360 : memref<80x144xf32, #tpu.memory_space<vmem>>[vector<16xi32>, vector<16xi32>], vector<16xf32>,
      %add3A_361 = arith.constant 48 : i32
      %add3A_362 = vector.broadcast %add3A_361 : i32 to vector<16xi32>
      %add3A_363 = arith.addi %iota3A, %add3A_362 : vector<16xi32>
      %gather3A_364 = tpu.vector_load_idx %arg14[%add3A_363, %add3A_7] : memref<80x144xf32, #tpu.memory_space<vmem>>[vector<16xi32>, vector<16xi32>], vector<16xf32>,
      %gather3A_365 = tpu.vector_load_idx %arg16[%add3A_363, %broadcast_in_dim3A_3] : memref<80x16xf32, #tpu.memory_space<vmem>>[vector<16xi32>, vector<16xi32>], vector<16xf32>,
      %add3A_366 = arith.addf %gather3A_364, %gather3A_365 : vector<16xf32>
      %gather3A_367 = tpu.vector_load_idx %arg14[%add3A_363, %add3A_10] : memref<80x144xf32, #tpu.memory_space<vmem>>[vector<16xi32>, vector<16xi32>], vector<16xf32>,
      %gather3A_368 = tpu.vector_load_idx %arg16[%add3A_363, %broadcast_in_dim3A_5] : memref<80x16xf32, #tpu.memory_space<vmem>>[vector<16xi32>, vector<16xi32>], vector<16xf32>,
      %add3A_369 = arith.addf %gather3A_367, %gather3A_368 : vector<16xf32>
      %gt3A_370 = arith.constant 0.000000e+00 : f32
      %gt3A_371 = vector.broadcast %gt3A_370 : f32 to vector<16xf32>
      %gt3A_372 = arith.cmpf ogt, %add3A_366, %gt3A_371 : vector<16xf32>
      %mul3A_373 = arith.constant 2.000000e-01 : f32
      %mul3A_374 = vector.broadcast %mul3A_373 : f32 to vector<16xf32>
      %mul3A_375 = arith.mulf %mul3A_374, %add3A_366 : vector<16xf32>
      %select_n3A_376 = arith.select %gt3A_372, %add3A_366, %mul3A_375 : vector<16xi1>, vector<16xf32>
      %neg3A_377 = arith.constant 0.000000e+00 : f32
      %neg3A_378 = vector.broadcast %neg3A_377 : f32 to vector<16xf32>
      %neg3A_379 = arith.subf %neg3A_378, %select_n3A_376 : vector<16xf32>
      %exp3A_380 = math.exp %neg3A_379 : vector<16xf32>
      %gt3A_381 = arith.constant 0.000000e+00 : f32
      %gt3A_382 = vector.broadcast %gt3A_381 : f32 to vector<16xf32>
      %gt3A_383 = arith.cmpf ogt, %add3A_369, %gt3A_382 : vector<16xf32>
      %mul3A_384 = arith.constant 2.000000e-01 : f32
      %mul3A_385 = vector.broadcast %mul3A_384 : f32 to vector<16xf32>
      %mul3A_386 = arith.mulf %mul3A_385, %add3A_369 : vector<16xf32>
      %select_n3A_387 = arith.select %gt3A_383, %add3A_369, %mul3A_386 : vector<16xi1>, vector<16xf32>
      %neg3A_388 = arith.constant 0.000000e+00 : f32
      %neg3A_389 = vector.broadcast %neg3A_388 : f32 to vector<16xf32>
      %neg3A_390 = arith.subf %neg3A_389, %select_n3A_387 : vector<16xf32>
      %exp3A_391 = math.exp %neg3A_390 : vector<16xf32>
      tpu.vector_store_idx %arg14[%add3A_363, %add3A_7], %exp3A_380 : memref<80x144xf32, #tpu.memory_space<vmem>>[vector<16xi32>, vector<16xi32>], vector<16xf32>,
      tpu.vector_store_idx %arg14[%add3A_363, %add3A_10], %exp3A_391 : memref<80x144xf32, #tpu.memory_space<vmem>>[vector<16xi32>, vector<16xi32>], vector<16xf32>,
      %add3A_392 = arith.constant 64 : i32
      %add3A_393 = vector.broadcast %add3A_392 : i32 to vector<16xi32>
      %add3A_394 = arith.addi %iota3A, %add3A_393 : vector<16xi32>
      %gather3A_395 = tpu.vector_load_idx %arg14[%add3A_394, %add3A_7] : memref<80x144xf32, #tpu.memory_space<vmem>>[vector<16xi32>, vector<16xi32>], vector<16xf32>,
      %gather3A_396 = tpu.vector_load_idx %arg16[%add3A_394, %broadcast_in_dim3A_3] : memref<80x16xf32, #tpu.memory_space<vmem>>[vector<16xi32>, vector<16xi32>], vector<16xf32>,
      %add3A_397 = arith.addf %gather3A_395, %gather3A_396 : vector<16xf32>
      %gather3A_398 = tpu.vector_load_idx %arg14[%add3A_394, %add3A_10] : memref<80x144xf32, #tpu.memory_space<vmem>>[vector<16xi32>, vector<16xi32>], vector<16xf32>,
      %gather3A_399 = tpu.vector_load_idx %arg16[%add3A_394, %broadcast_in_dim3A_5] : memref<80x16xf32, #tpu.memory_space<vmem>>[vector<16xi32>, vector<16xi32>], vector<16xf32>,
      %add3A_400 = arith.addf %gather3A_398, %gather3A_399 : vector<16xf32>
      %gt3A_401 = arith.constant 0.000000e+00 : f32
      %gt3A_402 = vector.broadcast %gt3A_401 : f32 to vector<16xf32>
      %gt3A_403 = arith.cmpf ogt, %add3A_397, %gt3A_402 : vector<16xf32>
      %mul3A_404 = arith.constant 2.000000e-01 : f32
      %mul3A_405 = vector.broadcast %mul3A_404 : f32 to vector<16xf32>
      %mul3A_406 = arith.mulf %mul3A_405, %add3A_397 : vector<16xf32>
      %select_n3A_407 = arith.select %gt3A_403, %add3A_397, %mul3A_406 : vector<16xi1>, vector<16xf32>
      %neg3A_408 = arith.constant 0.000000e+00 : f32
      %neg3A_409 = vector.broadcast %neg3A_408 : f32 to vector<16xf32>
      %neg3A_410 = arith.subf %neg3A_409, %select_n3A_407 : vector<16xf32>
      %exp3A_411 = math.exp %neg3A_410 : vector<16xf32>
      %gt3A_412 = arith.constant 0.000000e+00 : f32
      %gt3A_413 = vector.broadcast %gt3A_412 : f32 to vector<16xf32>
      %gt3A_414 = arith.cmpf ogt, %add3A_400, %gt3A_413 : vector<16xf32>
      %mul3A_415 = arith.constant 2.000000e-01 : f32
      %mul3A_416 = vector.broadcast %mul3A_415 : f32 to vector<16xf32>
      %mul3A_417 = arith.mulf %mul3A_416, %add3A_400 : vector<16xf32>
      %select_n3A_418 = arith.select %gt3A_414, %add3A_400, %mul3A_417 : vector<16xi1>, vector<16xf32>
      %neg3A_419 = arith.constant 0.000000e+00 : f32
      %neg3A_420 = vector.broadcast %neg3A_419 : f32 to vector<16xf32>
      %neg3A_421 = arith.subf %neg3A_420, %select_n3A_418 : vector<16xf32>
      %exp3A_422 = math.exp %neg3A_421 : vector<16xf32>
      tpu.vector_store_idx %arg14[%add3A_394, %add3A_7], %exp3A_411 : memref<80x144xf32, #tpu.memory_space<vmem>>[vector<16xi32>, vector<16xi32>], vector<16xf32>,
      tpu.vector_store_idx %arg14[%add3A_394, %add3A_10], %exp3A_422 : memref<80x144xf32, #tpu.memory_space<vmem>>[vector<16xi32>, vector<16xi32>], vector<16xf32>,
      %scan3A_423 = arith.constant 0 : i32
      %scan3A_424 = arith.constant 0 : i32
      %scan3A_425 = arith.constant 80 : i32
      %scan3A_426 = arith.addi %scan3A_424, %scan3A_425 : i32
      %scan3A_427 = arith.constant 1 : i32
      scf.for %scan3A_436 = %scan3A_424 to %scan3A_426 step %scan3A_427  : i32 {
        %broadcast_in_dim3A_437 = vector.broadcast %scan3A_436 : i32 to vector<16xi32>
        %gather3A_438 = tpu.vector_load_idx %arg14[%broadcast_in_dim3A_437, %add3A_7] : memref<80x144xf32, #tpu.memory_space<vmem>>[vector<16xi32>, vector<16xi32>], vector<16xf32>,
        %gather3A_439 = tpu.vector_load_idx %arg14[%broadcast_in_dim3A_437, %add3A_10] : memref<80x144xf32, #tpu.memory_space<vmem>>[vector<16xi32>, vector<16xi32>], vector<16xf32>,
        %get3A = arith.index_cast %scan3A_436 : i32 to index
        %get3A_440 = arith.constant 0 : index
        %get3A_441 = tpu.vector_load %arg14[%get3A, %get3A_440] {strides = array<i32>} : memref<80x144xf32, #tpu.memory_space<vmem>>, vector<16xf32>,
        %mul3A_442 = arith.mulf %get3A_441, %gather3A_438 : vector<16xf32>
        %swap3A = arith.index_cast %scan3A_436 : i32 to index
        %swap3A_443 = arith.constant 0 : index
        %swap3A_444 = tpu.vector_load %arg14[%swap3A, %swap3A_443] {strides = array<i32>} : memref<80x144xf32, #tpu.memory_space<vmem>>, vector<16xf32>,
        tpu.vector_store %arg14[%swap3A, %swap3A_443], %mul3A_442 {strides = array<i32>} : memref<80x144xf32, #tpu.memory_space<vmem>>, vector<16xf32>,
        %get3A_445 = arith.index_cast %scan3A_436 : i32 to index
        %get3A_446 = arith.constant 16 : index
        %get3A_447 = tpu.vector_load %arg14[%get3A_445, %get3A_446] {strides = array<i32>} : memref<80x144xf32, #tpu.memory_space<vmem>>, vector<16xf32>,
        %mul3A_448 = arith.mulf %get3A_447, %gather3A_438 : vector<16xf32>
        %swap3A_449 = arith.index_cast %scan3A_436 : i32 to index
        %swap3A_450 = arith.constant 16 : index
        %swap3A_451 = tpu.vector_load %arg14[%swap3A_449, %swap3A_450] {strides = array<i32>} : memref<80x144xf32, #tpu.memory_space<vmem>>, vector<16xf32>,
        tpu.vector_store %arg14[%swap3A_449, %swap3A_450], %mul3A_448 {strides = array<i32>} : memref<80x144xf32, #tpu.memory_space<vmem>>, vector<16xf32>,
        %get3A_452 = arith.index_cast %scan3A_436 : i32 to index
        %get3A_453 = arith.constant 32 : index
        %get3A_454 = tpu.vector_load %arg14[%get3A_452, %get3A_453] {strides = array<i32>} : memref<80x144xf32, #tpu.memory_space<vmem>>, vector<16xf32>,
        %mul3A_455 = arith.mulf %get3A_454, %gather3A_438 : vector<16xf32>
        %swap3A_456 = arith.index_cast %scan3A_436 : i32 to index
        %swap3A_457 = arith.constant 32 : index
        %swap3A_458 = tpu.vector_load %arg14[%swap3A_456, %swap3A_457] {strides = array<i32>} : memref<80x144xf32, #tpu.memory_space<vmem>>, vector<16xf32>,
        tpu.vector_store %arg14[%swap3A_456, %swap3A_457], %mul3A_455 {strides = array<i32>} : memref<80x144xf32, #tpu.memory_space<vmem>>, vector<16xf32>,
        %get3A_459 = arith.index_cast %scan3A_436 : i32 to index
        %get3A_460 = arith.constant 48 : index
        %get3A_461 = tpu.vector_load %arg14[%get3A_459, %get3A_460] {strides = array<i32>} : memref<80x144xf32, #tpu.memory_space<vmem>>, vector<16xf32>,
        %mul3A_462 = arith.mulf %get3A_461, %gather3A_438 : vector<16xf32>
        %swap3A_463 = arith.index_cast %scan3A_436 : i32 to index
        %swap3A_464 = arith.constant 48 : index
        %swap3A_465 = tpu.vector_load %arg14[%swap3A_463, %swap3A_464] {strides = array<i32>} : memref<80x144xf32, #tpu.memory_space<vmem>>, vector<16xf32>,
        tpu.vector_store %arg14[%swap3A_463, %swap3A_464], %mul3A_462 {strides = array<i32>} : memref<80x144xf32, #tpu.memory_space<vmem>>, vector<16xf32>,
        %get3A_466 = arith.index_cast %scan3A_436 : i32 to index
        %get3A_467 = arith.constant 64 : index
        %get3A_468 = tpu.vector_load %arg14[%get3A_466, %get3A_467] {strides = array<i32>} : memref<80x144xf32, #tpu.memory_space<vmem>>, vector<16xf32>,
        %mul3A_469 = arith.mulf %get3A_468, %gather3A_439 : vector<16xf32>
        %swap3A_470 = arith.index_cast %scan3A_436 : i32 to index
        %swap3A_471 = arith.constant 64 : index
        %swap3A_472 = tpu.vector_load %arg14[%swap3A_470, %swap3A_471] {strides = array<i32>} : memref<80x144xf32, #tpu.memory_space<vmem>>, vector<16xf32>,
        tpu.vector_store %arg14[%swap3A_470, %swap3A_471], %mul3A_469 {strides = array<i32>} : memref<80x144xf32, #tpu.memory_space<vmem>>, vector<16xf32>,
        %get3A_473 = arith.index_cast %scan3A_436 : i32 to index
        %get3A_474 = arith.constant 80 : index
        %get3A_475 = tpu.vector_load %arg14[%get3A_473, %get3A_474] {strides = array<i32>} : memref<80x144xf32, #tpu.memory_space<vmem>>, vector<16xf32>,
        %mul3A_476 = arith.mulf %get3A_475, %gather3A_439 : vector<16xf32>
        %swap3A_477 = arith.index_cast %scan3A_436 : i32 to index
        %swap3A_478 = arith.constant 80 : index
        %swap3A_479 = tpu.vector_load %arg14[%swap3A_477, %swap3A_478] {strides = array<i32>} : memref<80x144xf32, #tpu.memory_space<vmem>>, vector<16xf32>,
        tpu.vector_store %arg14[%swap3A_477, %swap3A_478], %mul3A_476 {strides = array<i32>} : memref<80x144xf32, #tpu.memory_space<vmem>>, vector<16xf32>,
        %get3A_480 = arith.index_cast %scan3A_436 : i32 to index
        %get3A_481 = arith.constant 96 : index
        %get3A_482 = tpu.vector_load %arg14[%get3A_480, %get3A_481] {strides = array<i32>} : memref<80x144xf32, #tpu.memory_space<vmem>>, vector<16xf32>,
        %mul3A_483 = arith.mulf %get3A_482, %gather3A_439 : vector<16xf32>
        %swap3A_484 = arith.index_cast %scan3A_436 : i32 to index
        %swap3A_485 = arith.constant 96 : index
        %swap3A_486 = tpu.vector_load %arg14[%swap3A_484, %swap3A_485] {strides = array<i32>} : memref<80x144xf32, #tpu.memory_space<vmem>>, vector<16xf32>,
        tpu.vector_store %arg14[%swap3A_484, %swap3A_485], %mul3A_483 {strides = array<i32>} : memref<80x144xf32, #tpu.memory_space<vmem>>, vector<16xf32>,
        %get3A_487 = arith.index_cast %scan3A_436 : i32 to index
        %get3A_488 = arith.constant 112 : index
        %get3A_489 = tpu.vector_load %arg14[%get3A_487, %get3A_488] {strides = array<i32>} : memref<80x144xf32, #tpu.memory_space<vmem>>, vector<16xf32>,
        %mul3A_490 = arith.mulf %get3A_489, %gather3A_439 : vector<16xf32>
        %swap3A_491 = arith.index_cast %scan3A_436 : i32 to index
        %swap3A_492 = arith.constant 112 : index
        %swap3A_493 = tpu.vector_load %arg14[%swap3A_491, %swap3A_492] {strides = array<i32>} : memref<80x144xf32, #tpu.memory_space<vmem>>, vector<16xf32>,
        tpu.vector_store %arg14[%swap3A_491, %swap3A_492], %mul3A_490 {strides = array<i32>} : memref<80x144xf32, #tpu.memory_space<vmem>>, vector<16xf32>,
      }
      %scan3A_428 = arith.constant 80 : i32
      "tpu.region"() ({
        %run_scoped3A = tpu.sem_alloc : memref<!tpu.dma_semaphore, #tpu.memory_space<semaphore_mem>>
        %dma_start3A_436 = arith.constant 0 : i32
        %dma_start3A_437 = arith.constant 0 : i32
        %dma_start3A_438 = tpu.memref_slice %arg8[%dma_start3A_436, %dma_start3A_437] : memref<10000x144xf32, #tpu.memory_space<vmem_shared>> -> memref<10000x144xf32, #tpu.memory_space<vmem_shared>>
        tpu.enqueue_indirect_dma source(%arg14 : memref<80x144xf32, #tpu.memory_space<vmem>>) target(%dma_start3A_438 : memref<10000x144xf32, #tpu.memory_space<vmem_shared>>) offsets(%arg10 : memref<80xi32, #tpu.memory_space<vmem>>) semaphore(%run_scoped3A : memref<!tpu.dma_semaphore, #tpu.memory_space<semaphore_mem>>) {add = true}
        %dma_wait3A_439 = arith.constant 0 : i32
        %dma_wait3A_440 = arith.constant 0 : i32
        %dma_wait3A_441 = tpu.memref_slice %arg8[%dma_wait3A_439, %dma_wait3A_440] : memref<10000x144xf32, #tpu.memory_space<vmem_shared>> -> memref<10000x144xf32, #tpu.memory_space<vmem_shared>>
        tpu.wait_indirect_dma semaphore(%run_scoped3A : memref<!tpu.dma_semaphore, #tpu.memory_space<semaphore_mem>>) src(%arg14 : memref<80x144xf32, #tpu.memory_space<vmem>>) dst(%dma_wait3A_441 : memref<10000x144xf32, #tpu.memory_space<vmem_shared>>)
        tpu.yield
      }) : () -> ()
      %add3A_429 = arith.constant 2 : i32
      %add3A_430 = arith.addi %add3A_254, %add3A_429 : i32
      %lt3A_431 = arith.constant 282 : i32
      %lt3A_432 = arith.cmpi slt, %add3A_430, %lt3A_431 : i32
      %convert_element_type3A_433 = arith.extui %lt3A_432 : i1 to i32
      %cond3A_434 = arith.constant 0 : i32
      %cond3A_435 = arith.cmpi ne, %convert_element_type3A_433, %cond3A_434 : i32
      scf.if %cond3A_435 {
        %add3A_436 = arith.constant 2 : i32
        %add3A_437 = arith.addi %add3A_254, %add3A_436 : i32
        %mul3A_438 = arith.constant 80 : i32
        %mul3A_439 = arith.muli %add3A_437, %mul3A_438 : i32
        %add3A_440 = arith.addi %mul3A_2, %mul3A_439 : i32
        %dma_start3A_441 = arith.constant 0 : i32
        %dma_start3A_442 = tpu.memref_slice %arg2[%arg0, %dma_start3A_441, %add3A_440] : memref<2x2x360960xi32, #tpu.memory_space<hbm>> -> memref<1x1x80xi32, #tpu.memory_space<hbm>>
        %dma_start3A_443 = tpu.memref_squeeze %dma_start3A_442 : memref<1x1x80xi32, #tpu.memory_space<hbm>> -> memref<80xi32, #tpu.memory_space<hbm>>
        %dma_start3A_444 = tpu.memref_slice %arg2[%arg0, %dma_start3A_441, %add3A_440] : memref<2x2x360960xi32, #tpu.memory_space<hbm>> -> memref<1x1x80xi32, #tpu.memory_space<hbm>>
        %dma_start3A_445 = tpu.memref_squeeze %dma_start3A_444 : memref<1x1x80xi32, #tpu.memory_space<hbm>> -> memref<80xi32, #tpu.memory_space<hbm>>
        tpu.enqueue_dma source(%dma_start3A_445 : memref<80xi32, #tpu.memory_space<hbm>>) target(%arg10 : memref<80xi32, #tpu.memory_space<vmem>>) target_semaphore(%arg18 : memref<!tpu.dma_semaphore, #tpu.memory_space<semaphore_mem>>)
        %dma_start3A_446 = arith.constant 1 : i32
        %dma_start3A_447 = tpu.memref_slice %arg2[%arg0, %dma_start3A_446, %add3A_440] : memref<2x2x360960xi32, #tpu.memory_space<hbm>> -> memref<1x1x80xi32, #tpu.memory_space<hbm>>
        %dma_start3A_448 = tpu.memref_squeeze %dma_start3A_447 : memref<1x1x80xi32, #tpu.memory_space<hbm>> -> memref<80xi32, #tpu.memory_space<hbm>>
        %dma_start3A_449 = tpu.memref_slice %arg2[%arg0, %dma_start3A_446, %add3A_440] : memref<2x2x360960xi32, #tpu.memory_space<hbm>> -> memref<1x1x80xi32, #tpu.memory_space<hbm>>
        %dma_start3A_450 = tpu.memref_squeeze %dma_start3A_449 : memref<1x1x80xi32, #tpu.memory_space<hbm>> -> memref<80xi32, #tpu.memory_space<hbm>>
        tpu.enqueue_dma source(%dma_start3A_450 : memref<80xi32, #tpu.memory_space<hbm>>) target(%arg12 : memref<80xi32, #tpu.memory_space<vmem>>) target_semaphore(%arg18 : memref<!tpu.dma_semaphore, #tpu.memory_space<semaphore_mem>>)
        %dma_start3A_451 = arith.constant 0 : i32
        %dma_start3A_452 = tpu.memref_slice %arg3[%add3A_440, %dma_start3A_451] : memref<360960x144xf32, #tpu.memory_space<hbm>> -> memref<80x144xf32, #tpu.memory_space<hbm>>
        %dma_start3A_453 = arith.constant 0 : i32
        %dma_start3A_454 = tpu.memref_slice %arg3[%add3A_440, %dma_start3A_453] : memref<360960x144xf32, #tpu.memory_space<hbm>> -> memref<80x144xf32, #tpu.memory_space<hbm>>
        tpu.enqueue_dma source(%dma_start3A_454 : memref<80x144xf32, #tpu.memory_space<hbm>>) target(%arg14 : memref<80x144xf32, #tpu.memory_space<vmem>>) target_semaphore(%arg18 : memref<!tpu.dma_semaphore, #tpu.memory_space<semaphore_mem>>)
      } else {
      }
    }
    %scan3A_71 = arith.constant 141 : i32
    %barrier3A_72 = arith.constant 0 : index
    tpu.barrier barrier_id(%barrier3A_72)
    "tpu.region"() ({
      %run_scoped3A = tpu.sem_alloc : memref<!tpu.dma_semaphore, #tpu.memory_space<semaphore_mem>>
      %dma_start3A_73 = arith.constant 0 : i32
      %dma_start3A_74 = tpu.memref_slice %arg7[%arg0, %mul3A_0, %dma_start3A_73] : memref<2x10000x144xf32, #tpu.memory_space<hbm>> -> memref<1x625x144xf32, #tpu.memory_space<hbm>>
      %dma_start3A_75 = tpu.memref_squeeze %dma_start3A_74 : memref<1x625x144xf32, #tpu.memory_space<hbm>> -> memref<625x144xf32, #tpu.memory_space<hbm>>
      %dma_start3A_76 = arith.constant 0 : i32
      %dma_start3A_77 = tpu.memref_slice %arg8[%mul3A_0, %dma_start3A_76] : memref<10000x144xf32, #tpu.memory_space<vmem_shared>> -> memref<625x144xf32, #tpu.memory_space<vmem_shared>>
      tpu.enqueue_dma source(%dma_start3A_77 : memref<625x144xf32, #tpu.memory_space<vmem_shared>>) target(%dma_start3A_75 : memref<625x144xf32, #tpu.memory_space<hbm>>) target_semaphore(%run_scoped3A : memref<!tpu.dma_semaphore, #tpu.memory_space<semaphore_mem>>)
      %dma_wait3A_78 = arith.constant 0 : i32
      %dma_wait3A_79 = tpu.memref_slice %arg7[%arg0, %mul3A_0, %dma_wait3A_78] : memref<2x10000x144xf32, #tpu.memory_space<hbm>> -> memref<1x625x144xf32, #tpu.memory_space<hbm>>
      %dma_wait3A_80 = tpu.memref_squeeze %dma_wait3A_79 : memref<1x625x144xf32, #tpu.memory_space<hbm>> -> memref<625x144xf32, #tpu.memory_space<hbm>>
      %dma_wait3A_81 = arith.constant 0 : i32
      %dma_wait3A_82 = tpu.memref_slice %arg8[%mul3A_0, %dma_wait3A_81] : memref<10000x144xf32, #tpu.memory_space<vmem_shared>> -> memref<625x144xf32, #tpu.memory_space<vmem_shared>>
      tpu.wait_dma2 semaphore(%run_scoped3A : memref<!tpu.dma_semaphore, #tpu.memory_space<semaphore_mem>>) src(%dma_wait3A_82 : memref<625x144xf32, #tpu.memory_space<vmem_shared>>) dst(%dma_wait3A_80 : memref<625x144xf32, #tpu.memory_space<hbm>>)
      tpu.yield
    }) : () -> ()
    return
  }
}

</mosaic_0001>

<sc_bundles>
// kernel: kernel.11.cloned.1.call-start
scs
__scs_entry_jumppad:
0x0: {  	(pc) =	sbr.rel $0x88, $3  }
0x1: {  	(tag) =	ssettag $0x0;
	lr =	simm.s32 $0x1  }
0x2: {  	[smem:$0x3F86] =	sst lr;
	_ =	strace $0xD0000000  }
0x3: {  	_ = 	snop  }
0x4: {  	_ = 	snop  }
0x5: {  	_ = 	snop  }
0x6: {  	_ = 	snop  }
0x7: {  	_ = 	snop  }
__scs_overlays_trampoline_lowered:
0x8: {  	[smem:$0x3F95] =	sst s0  }
0x9: {  	[smem:$0x3F96] =	sst s1  }
0xa: {  	[smem:$0x3F97] =	sst s2  }
0xb: {  	[smem:$0x3F98] =	sst s3  }
0xc: {  	[smem:$0x3F99] =	sst s4  }
0xd: {  	[smem:$0x3F9A] =	sst s5  }
0xe: {  	[smem:$0x3F9B] =	sst s6  }
0xf: {  	[smem:$0x3F9C] =	sst s7  }
0x10: {  	[smem:$0x3F9D] =	sst s8  }
0x11: {  	[smem:$0x3F9E] =	sst s9;
	s0 =	simm.s32 @!p0 $0x0  }
0x12: {  	s1 =	sld [smem:$0x3F84];
	s0 =	simm.s32 @p0 $0x1  }
0x13: {  	[smem:$0x3F9F] =	sst s0;
	s0 =	simm.s32 @!p1 $0x0  }
0x14: {  	s2 =	sld [smem:$0x3F83];
	s0 =	simm.s32 @p1 $0x1  }
0x15: {  	[smem:$0x3FA0] =	sst s0;
	s0 =	simm.s32 @!p2 $0x0  }
0x16: {  	s3 =	sld [smem:$0x3FDB];
	s0 =	simm.s32 @p2 $0x1  }
0x17: {  	s4 =	simm.s32 $0x1BF5;
	[smem:$0x3FA2] =	sst s0  }
0x18: {  	s0 =	sld [smem:$0x3F85];
	_ =	swait.ge [sflag:s4], $0x0  }
0x19: {  	s7 =	sld [smem:$0x3F86]  }
0x1a: {  	s8 =	sadd.s32 $0xFFFFE003, lr  }
0x1b: {  	s9 =	sadd.s32 $0xFFFFFEF7, lr;
	s5 =	simm.s32 $0xFFFFFFFF;
	p2 =	slt.u32 s8, $0xFFFFF086  }
0x1c: {  	p1 =	slt.u32 s9, $0xF7A;
	s5 =	simm.s32 @!p2 $0x0  }
0x1d: {  	s5 =	simm.s32 @p1 $0x1;
	p0 =	seq.s32 s7, s2  }
0x1e: {  	s7 =	smul.u32 @!p0 $0xF7A, s2;
	p2 =	seq.s32 @!p0 s5, $0x0  }
0x1f: {  	s9 =	smul.u32 $0xF7A, s1;
	s8 =	simm.s32 @!p0 $0x1BF5;
	p2 =	por !p2, p0  }
0x20: {  	[sflag:s8] =	ssyncset.s32 @!p0 $0xFFFFF086;
	s6 =	sadd.s32 @!p0 s3, s7;
	s7 =	simm.s32 @!p0 $0x108  }
0x21: {  	s3 =	sadd.s32 s3, s9;
	s6 =	sadd.s32 @!p0 $0x88, s6;
	s7 =	simm.s32 @p2 $0x1082  }
0x22: {  	[simem:s7], [sflag:s8] =	dma.local @!p0 [hbm:s6], $0xF7A  }
0x23: {  	s9 =	sor.u32 $0xD0000000, s2;
	s6 =	simm.s32 $0x108;
	_ =	swait.ge @!p0 [sflag:s8], $0x0  }
0x24: {  	s3 =	sadd.s32 $0x88, s3;
	s6 =	simm.s32 @!p1 $0x1082;
	[sflag:s4] =	ssyncset.s32 $0xFFFFF086  }
0x25: {  	[simem:s6], [sflag:s4] =	dma.local [hbm:s3], $0xF7A  }
0x26: {  	[smem:$0x3F86] =	sst s1;
	(tag) =	ssettag s2;
	_ =	strace s9  }
0x27: {  	s1 =	sld [smem:$0x3F96]  }
0x28: {  	s2 =	sld [smem:$0x3F97]  }
0x29: {  	s4 =	sld [smem:$0x3F99]  }
0x2a: {  	p0 =	seq.s32 s5, $0x0;
	s5 =	sld [smem:$0x3F9A]  }
0x2b: {  	s6 =	sld [smem:$0x3F9B]  }
0x2c: {  	s7 =	sld [smem:$0x3F9C]  }
0x2d: {  	s3 =	simm.s32 $0x108;
	s8 =	sld [smem:$0x3F9D]  }
0x2e: {  	s3 =	simm.s32 @!p0 $0x1082;
	s9 =	sld [smem:$0x3F9E]  }
0x2f: {  	lr =	sadd.s32 s0, s3;
	s0 =	sld [smem:$0x3F95]  }
0x30: {  	s3 =	sld [smem:$0x3F98]  }
0x31: {  	[smem:$0x3FA1] =	sst s10  }
0x32: {  	s10 =	sld [smem:$0x3F9F];
	_ =	sdelay $0x3  }
0x33: {  	p0 =	seq.s32 s10, $0x1;
	s10 =	sld [smem:$0x3FA1];
	_ =	sdelay $0x3  }
0x34: {  	[smem:$0x3FA1] =	sst s10  }
0x35: {  	s10 =	sld [smem:$0x3FA0];
	_ =	sdelay $0x3  }
0x36: {  	p1 =	seq.s32 s10, $0x1;
	s10 =	sld [smem:$0x3FA1];
	_ =	sdelay $0x3  }
0x37: {  	[smem:$0x3FA1] =	sst s10  }
0x38: {  	s10 =	sld [smem:$0x3FA2]  }
0x39: {  	_ = 	snop;
	(pc) =	sbr.ind lr, $3  }
0x3a: {  	_ = 	snop  }
0x3b: {  	_ = 	snop  }
0x3c: {  	p2 =	seq.s32 s10, $0x1;
	s10 =	sld [smem:$0x3FA1]  }
0x3d: {  	_ =	shalt  }
0x3e: {  	_ =	shalt  }
0x3f: {  	_ =	shalt  }
0x40: {  	_ =	shalt  }
0x41: {  	_ =	shalt  }
0x42: {  	_ =	shalt  }
0x43: {  	_ =	shalt  }
0x44: {  	_ =	shalt  }
0x45: {  	_ =	shalt  }
0x46: {  	_ =	shalt  }
0x47: {  	_ =	shalt  }
0x48: {  	_ =	shalt  }
0x49: {  	_ =	shalt  }
0x4a: {  	_ =	shalt  }
0x4b: {  	_ =	shalt  }
0x4c: {  	_ =	shalt  }
0x4d: {  	_ =	shalt  }
0x4e: {  	_ =	shalt  }
0x4f: {  	_ =	shalt  }
0x50: {  	_ =	shalt  }
0x51: {  	_ =	shalt  }
0x52: {  	_ =	shalt  }
0x53: {  	_ =	shalt  }
0x54: {  	_ =	shalt  }
0x55: {  	_ =	shalt  }
0x56: {  	_ =	shalt  }
0x57: {  	_ =	shalt  }
0x58: {  	_ =	shalt  }
0x59: {  	_ =	shalt  }
0x5a: {  	_ =	shalt  }
0x5b: {  	_ =	shalt  }
0x5c: {  	_ =	shalt  }
0x5d: {  	_ =	shalt  }
0x5e: {  	_ =	shalt  }
0x5f: {  	_ =	shalt  }
0x60: {  	_ =	shalt  }
0x61: {  	_ =	shalt  }
0x62: {  	_ =	shalt  }
0x63: {  	_ =	shalt  }
0x64: {  	_ =	shalt  }
0x65: {  	_ =	shalt  }
0x66: {  	_ =	shalt  }
0x67: {  	_ =	shalt  }
0x68: {  	_ =	shalt  }
0x69: {  	_ =	shalt  }
0x6a: {  	_ =	shalt  }
0x6b: {  	_ =	shalt  }
0x6c: {  	_ =	shalt  }
0x6d: {  	_ =	shalt  }
0x6e: {  	_ =	shalt  }
0x6f: {  	_ =	shalt  }
0x70: {  	_ =	shalt  }
0x71: {  	_ =	shalt  }
0x72: {  	_ =	shalt  }
0x73: {  	_ =	shalt  }
0x74: {  	_ =	shalt  }
0x75: {  	_ =	shalt  }
0x76: {  	_ =	shalt  }
0x77: {  	_ =	shalt  }
0x78: {  	_ =	shalt  }
0x79: {  	_ =	shalt  }
0x7a: {  	_ =	shalt  }
0x7b: {  	_ =	shalt  }
0x7c: {  	_ =	shalt  }
0x7d: {  	_ =	shalt  }
0x7e: {  	_ =	shalt  }
0x7f: {  	_ =	shalt  }
0x80: {  	_ =	shalt  }
0x81: {  	_ =	shalt  }
0x82: {  	_ =	shalt  }
0x83: {  	_ =	shalt  }
0x84: {  	_ =	shalt  }
0x85: {  	_ =	shalt  }
0x86: {  	_ =	shalt  }
0x87: {  	_ =	shalt  }
.Lfunc_end0:
.L_simem_size_0:
called_computation.2_lowered:
.L_overlay_start_0:
0x88: {  	s2 =	sld [smem:$0x3FD9]  }
0x89: {  	s3 =	sld [smem:$0x3FFE];
	_ =	sdelay $0x1  }
0x8a: {  	s1 =	srdreg.scid  }
0x8b: {  	s0 =	sand.u32 $0x1, s1  }
0x8c: {  	s16 =	sshll.u32 s0, $0xA;
	s2 =	sadd.s32 s3, s2  }
0x8d: {  	s2 =	sadd.s32 s2, s16  }
0x8e: {  	[smem:$0x3FAD] =	sst s2  }
0x8f: {  	_ = 	snop  }
0x90: {  	(tm) =	ssettm $0x1  }
0x91: {  	s17 =	sld [smem:$0x3FFB];
	_ =	sdelay $0x3  }
0x92: {  	_ =	strace s17  }
0x93: {  	s2 =	sld [smem:$0x3FFC];
	_ =	sdelay $0x3  }
0x94: {  	_ =	strace s2  }
0x95: {  	s2 =	sld [smem:$0x3FFD];
	_ =	sdelay $0x3  }
0x96: {  	_ =	strace s2  }
0x97: {  	_ =	strace $0x8FFFFFFF  }
0x98: {  	s18 =	sld [smem:$0x3FDB];
	_ =	sdelay $0x1  }
0x99: {  	s19 =	simm.s32 $_scs_section_size  }
0x9a: {  	s4 =	simm.s32 $_size__tile_overlayer_lowered;
	s5 =	simm.s32 $_tile_overlayer_lowered  }
0x9b: {  	s22 =	simm.s32 $0x1BFF;
	s21 =	sshll.u32 s5, $0x1;
	s2 =	sadd.s32 s19, s18  }
0x9c: {  	s6 =	simm.s32 $0x0;
	s20 =	sshll.u32 s4, $0x1;
	s4 =	sadd.s32 s21, s2  }
0x9d: {  	[timem:s6], [sflag:s22] =	dma.local [hbm:s4], s20  }
0x9e: {  	_ =	swait.ge [sflag:s22], s20  }
0x9f: {  	s3 =	ssub.s32 $0x0, s20;
	[sflag:s22] =	ssyncset.done $0x0  }
0xa0: {  	[sflag:s22] =	ssyncadd.s32 s3;
	_ =	sdelay $0x1  }
0xa1: {  	s23 =	simm.s32 $0x1B8B  }
0xa2: {  	_ =	swait.ge [sflag:s23], $0x1  }
0xa3: {  	[sflag:s23] =	ssyncset.done $0x0  }
0xa4: {  	s25 =	simm.s32 $0x1B8E;
	s24 =	sld [smem:$0x3FFE];
	[sflag:s23] =	ssyncadd.s32 $0xFFFFFFFF  }
0xa5: {  	s26 =	simm.s32 $execute0_lowered;
	[smem:$0x3FD2] =	sst s25  }
0xa6: {  	s4 =	sshll.u32 s26, $0x1;
	_ =	strace $0x8000004C;
	[dreg:$0x1] =	wrdreg $0xFFFFFFFF  }
0xa7: {  	s28 =	simm.s32 $_size_execute0_lowered;
	s2 =	sadd.s32 s2, s4;
	[dreg:$0x0] =	wrdreg $0x0  }
0xa8: {  	s4 =	sshll.u32 s28, $0x1;
	[dreg:$0x2] =	wrdreg s2  }
0xa9: {  	[dreg:$0x3] =	wrdreg s4  }
0xaa: {  	[dreg:$0x4] =	wrdreg $0xC0  }
0xab: {  	_ =	task [dreg:s6], $0x5FFFF  }
0xac: {  	[dreg:$0x1] =	wrdreg $0xFFFFFFFF  }
0xad: {  	[dreg:$0x0] =	wrdreg $0x60  }
0xae: {  	[dreg:$0x2] =	wrdreg s24  }
0xaf: {  	[dreg:$0x3] =	wrdreg $0x0  }
0xb0: {  	[dreg:$0x4] =	wrdreg $0x9  }
0xb1: {  	_ =	task.clear_ibuf [dreg:s6], $0x5FFFF;
	_ =	strace $0x9000004C  }
0xb2: {  	s29 =	simm.s32 $0x9;
	_ =	strace $0x8000004E  }
0xb3: {  	_ =	swait.ge [sflag:s29], $0x1  }
0xb4: {  	[sflag:s29] =	ssyncadd.s32 $0xFFFFFFFF  }
0xb5: {  	_ =	strace $0x9000004E  }
0xb6: {  	_ =	sfence  }
0xb7: {  	s30 =	sld [smem:$0x0];
	_ =	sdelay $0x2  }
0xb8: {  	s31 =	sshll.u32 s1, $0xD;
	s1 =	sshrl.u32 s1, $0x2  }
0xb9: {  	s3 =	sand.u32 $0x4000, s31;
	s1 =	sadd.s32 s1, s30  }
0xba: {  	s0 =	sor.u32 s3, s0;
	s1 =	sshll.u32 s1, $0x11  }
0xbb: {  	s0 =	sor.u32 s1, s0  }
0xbc: {  	s0 =	sadd.s32 $0x8F2B, s0  }
0xbd: {  	[sflag:s0] =	ssyncadd.remote.s32 $0x1  }
0xbe: {  	_ =	sfence.sel $0xFFFF  }
0xbf: {  	[dreg:$0x0] =	wrdreg $0xFFFFFFFF;
	(pc) =	sbr.abs _section_cstart, $3  }
0xc0: {  	[dreg:$0x1] =	wrdreg $0xFFFFFFFF  }
0xc1: {  	_ =	task.clear_ibuf [dreg:s6], $0x2FFFF;
	_ =	strace $0x9FFFFFFF  }
0xc2: {  	(tm) =	ssettm $0x7FFFFFFF  }
0xc3: {  	_ =	shalt  }
tec
execute0_lowered:
.L_overlay_start_1:
0x0: {  	(tag) =	ssettag $0x1  }
0x1: {  	s0 =	rddreg [dreg:$0x0]  }
0x2: {  	s2 =	rddreg [dreg:$0x1];
	s3 =	simm.s32 $0x0;
	s12 =	stileid.u32  }
0x3: {  	s1 =	srdreg.scid;
	s28 =	simm.s32 $0x16080;
	s29 =	simm.s32 $0x18DD0  }
0x4: {  	s30 =	simm.s32 $0x1;
	s31 =	simm.s32 $0x50;
	[smem:$0x7FF] =	sst s3  }
0x5: {  	s8 =	smul.u32 $0x15F90, s12;
	s1 =	sand.u32 $0x1, s1;
	s4 =	sadd.s32 $0x278C00, s0  }
0x6: {  	s5 =	sadd.s32 $0x951600, s0;
	s6 =	sadd.s32 $0x2CC00, s0;
	s7 =	sadd.s32 $0x58C00, s0  }
0x7: {  	s13 =	smul.u32 $0x5820, s12;
	s18 =	sshll.u32 s12, $0x6;
	_ =	strace $0x8000004D  }
0x8: {  	s9 =	smul.u32 $0x15F900, s1;
	s11 =	ssub.s32 $0x2, s1;
	s10 =	sshrl.u32 s8, $0x3  }
0x9: {  	s16 =	sshrl.u32 s11, $0x1;
	s14 =	sadd.s32 s8, s2;
	s15 =	sadd.s32 $0x50, s13  }
0xa: {  	s9 =	sadd.s32 s8, s9;
	s10 =	sadd.s32 s10, s0;
	s8 =	smul.u32 $0xB0400, s1  }
0xb: {  	s23 =	smul.u32 $0x12, s15;
	s9 =	sshrl.u32 s9, $0x3;
	s17 =	sadd.s32 $0xC00, s10  }
0xc: {  	s10 =	sor.u32 $0x1C05, s18;
	s18 =	sadd.s32 $0xF0, s13;
	s0 =	sadd.s32 s9, s0  }
0xd: {  	s9 =	ssub.s32 s11, s16;
	[dreg:$0x3] =	wrdreg s17;
	s19 =	sadd.s32 s13, s8  }
0xe: {  	s20 =	sadd.s32 s8, s15;
	s16 =	smul.u32 $0x63240, s12;
	s17 =	sadd.s32 $0xA0, s13  }
0xf: {  	v0 =	vlaneseq.u32;
	s13 =	simm.s32 $0x3;
	s15 =	simm.s32 $0x0;
	s1 =	sshrl.u32 s19, $0x3  }
0x10: {  	v18 =	vmul.u32 $0x90, v0;
	s21 =	sshrl.u32 s20, $0x3;
	s0 =	sadd.s32 $0x5DC00, s0;
	s26 =	smax.u32 s9, $0x1  }
0x11: {  	v0 =	vmul.u32 $0x10, v0;
	s9 =	simm.s32 $0x1BFD0;
	s22 =	sadd.s32 s4, s1;
	[dreg:$0xa] =	wrdreg s0  }
0x12: {  	v1 =	vadd.s32 $0x80, v18;
	s12 =	sadd.s32 s4, s21;
	s24 =	sadd.s32 s5, s16;
	[dreg:$0xb] =	wrdreg s26  }
0x13: {  	v2 =	vadd.s32 $0x81, v18;
	v3 =	vor.u32 $0x1, v0;
	v4 =	vadd.s32 $0x980, v18;
	s1 =	sadd.s32 s5, s23;
	s21 =	sshrl.u32 s14, $0x3;
	[dreg:$0x4] =	wrdreg s22  }
.Ltmp0:
0x14: {  	v5 =	vor.u32 $0x100, v0;
	v6 =	vadd.s32 $0x981, v18;
	v7 =	vor.u32 $0x101, v0;
	s23 =	simm.s32 $0x15F90;
	[dreg:$0x7] =	wrdreg s24;
	(pc) =	sbr.rel .LBB2_1-.Ltmp0, $4  }
0x15: {  	v8 =	vadd.s32 $0x1280, v18;
	v9 =	vor.u32 $0x200, v0;
	v10 =	vadd.s32 $0x1281, v18;
	s26 =	simm.s32 $0x15FE0;
	s0 =	simm.s32 $0x1BAD0;
	[dreg:$0x5] =	wrdreg s12  }
0x16: {  	v11 =	vor.u32 $0x201, v0;
	v12 =	vadd.s32 $0x1B80, v18;
	v13 =	vor.u32 $0x300, v0;
	s14 =	simm.s32 $0x4;
	s11 =	sadd.s32 $0xB040, s22;
	[dreg:$0x9] =	wrdreg s1  }
0x17: {  	v14 =	vadd.s32 $0x1B81, v18;
	v15 =	vor.u32 $0x301, v0;
	v16 =	vadd.s32 $0x2480, v18;
	s25 =	sadd.s32 $0xB040, s12;
	s22 =	simm.s32 $0x5;
	[dreg:$0x6] =	wrdreg s11  }
0x18: {  	v17 =	vor.u32 $0x400, v0;
	v18 =	vadd.s32 $0x2481, v18;
	v19 =	vor.u32 $0x401, v0;
	s1 =	simm.s32 $0x2;
	[dreg:$0x8] =	wrdreg s25;
	s25 =	simm.s32 $0x160D0  }
.LBB2_8:
0x19: {  	[bflag:$0x0] =	sbarrier.arrive $0xFFFF  }
0x1a: {  	s11 =	rddreg [dreg:$0xa]  }
0x1b: {  	[hbm:s11], [sflag:s10] =	dma.local [spmem:s21], $0x2BF2  }
0x1c: {  	_ =	swait.ge [sflag:s22], $0x2BF2  }
0x1d: {  	s15 =	sadd.s32 $0x1, s15;
	s24 =	rddreg [dreg:$0xb]  }
0x1e: {  	p0 =	sne.s32 s15, s24  }
.Ltmp1:
0x1f: {  	_ = 	snop;
	(pc) =	sbr.rel @!p0 .LBB2_9-.Ltmp1, $3  }
0x20: {  	_ =	sdelay $0x1  }
0x21: {  	[sflag:s22] =	ssyncset.done $0x0  }
0x22: {  	[sflag:s22] =	ssyncadd.s32 $0xFFFFD40E  }
.LBB2_1:
0x23: {  	s11 =	rddreg [dreg:$0x3]  }
0x24: {  	[spmem:s21], [sflag:s10] =	dma.local [hbm:s11], $0x2BF2  }
0x25: {  	_ =	swait.ge [sflag:s22], $0x2BF2  }
0x26: {  	[sflag:s22] =	ssyncset.done $0x0  }
0x27: {  	[sflag:s22] =	ssyncadd.s32 $0xFFFFD40E  }
0x28: {  	[bflag:$0x0] =	sbarrier.arrive $0xFFFF  }
0x29: {  	s20 =	rddreg [dreg:$0x4]  }
0x2a: {  	[tilespmem:s23], [sflag:$0x1] =	stream.linear.gather [hbm4b:s20+s3], $0x50, $0x38;
	[tilespmem:$0x1C4D0] =	vst v63  }
0x2b: {  	s12 =	simm.s32 $0x16030;
	s24 =	rddreg [dreg:$0x6]  }
0x2c: {  	[tilespmem:s12], [sflag:$0x1] =	stream.linear.gather [hbm4b:s24+s3], $0x50, $0x38;
	[tilespmem:$0x1C4D0] =	vst v63  }
0x2d: {  	s16 =	rddreg [dreg:$0x7]  }
0x2e: {  	[tilespmem:s25], [sflag:$0x1] =	stream.linear.gather [hbm4b:s16+s3], $0x2D00, $0x38;
	[tilespmem:$0x1C4D0] =	vst v63  }
0x2f: {  	s19 =	rddreg [dreg:$0x5]  }
0x30: {  	[tilespmem:s26], [sflag:$0x2] =	stream.linear.gather [hbm4b:s19+s3], $0x50, $0x38;
	[tilespmem:$0x1C4D0] =	vst v63  }
0x31: {  	s20 =	rddreg [dreg:$0x8]  }
0x32: {  	[tilespmem:s28], [sflag:$0x2] =	stream.linear.gather [hbm4b:s20+s3], $0x50, $0x38;
	[tilespmem:$0x1C4D0] =	vst v63  }
0x33: {  	s24 =	rddreg [dreg:$0x9]  }
0x34: {  	[tilespmem:s29], [sflag:$0x2] =	stream.linear.gather [hbm4b:s24+s3], $0x2D00, $0x38;
	[tilespmem:$0x1C4D0] =	vst v63  }
0x35: {  	_ =	swait.ge [sflag:s30], $0x50  }
0x36: {  	[sflag:s30] =	ssyncset.done $0x0  }
0x37: {  	[sflag:s30] =	ssyncadd.s32 $0xFFFFFFB0  }
0x38: {  	_ =	swait.ge [sflag:s30], $0x50  }
0x39: {  	[sflag:s30] =	ssyncset.done $0x0  }
0x3a: {  	[sflag:s30] =	ssyncadd.s32 $0xFFFFFFB0  }
0x3b: {  	_ =	swait.ge [sflag:s30], $0x2D00  }
0x3c: {  	[sflag:s30] =	ssyncset.done $0x0  }
0x3d: {  	[sflag:s30] =	ssyncadd.s32 $0xFFFFD300  }
0x3e: {  	[tilespmem:s25], [sflag:$0x3] =	stream.indirect.gather.add.f32 [hbm:s6], $0x90, s12, s31, $0xb8;
	[tilespmem:$0x1C4D0] =	vst v63  }
0x3f: {  	s16 =	simm.s32 $0x0  }
0x40: {  	[tilespmem:s0], [sflag:$0x3] =	stream.indirect.gather [hbm4b:s7+s31], $0x10, s23, s31, $0xb8;
	[tilespmem:$0x1C4D0] =	vst v63  }
.LBB2_2:
0x41: {  	_ =	swait.ge [sflag:s1], $0x50  }
0x42: {  	[sflag:s1] =	ssyncset.done $0x0  }
0x43: {  	[sflag:s1] =	ssyncadd.s32 $0xFFFFFFB0  }
0x44: {  	_ =	swait.ge [sflag:s1], $0x50  }
0x45: {  	[sflag:s1] =	ssyncset.done $0x0  }
0x46: {  	[sflag:s1] =	ssyncadd.s32 $0xFFFFFFB0  }
0x47: {  	_ =	swait.ge [sflag:s1], $0x2D00  }
0x48: {  	[sflag:s1] =	ssyncset.done $0x0  }
0x49: {  	[sflag:s1] =	ssyncadd.s32 $0xFFFFD300  }
0x4a: {  	[tilespmem:s29], [sflag:$0x4] =	stream.indirect.gather.add.f32 [hbm:s6], $0x90, s28, s31, $0xb8;
	[tilespmem:$0x1C4D0] =	vst v63  }
0x4b: {  	_ = 	snop  }
0x4c: {  	[tilespmem:s9], [sflag:$0x4] =	stream.indirect.gather [hbm4b:s7+s31], $0x10, s26, s31, $0xb8;
	[tilespmem:$0x1C4D0] =	vst v63  }
0x4d: {  	_ =	swait.ge [sflag:s13], $0x2D00  }
0x4e: {  	[sflag:s13] =	ssyncset.done $0x0  }
0x4f: {  	[sflag:s13] =	ssyncadd.s32 $0xFFFFD300  }
0x50: {  	_ =	swait.ge [sflag:s13], $0x500  }
0x51: {  	[sflag:s13] =	ssyncset.done $0x0  }
0x52: {  	[sflag:s13] =	ssyncadd.s32 $0xFFFFFB00  }
0x53: {  	v20 =	vld.idx.msk [tilespmem:v1+s25+$0x0], $0xffff  }
0x54: {  	v21 =	vld.idx.msk [tilespmem:v0+s0+$0x0], $0xffff  }
0x55: {  	v22 =	vld.idx.msk [tilespmem:v2+s25+$0x0], $0xffff  }
0x56: {  	v23 =	vld.idx.msk [tilespmem:v3+s0+$0x0], $0xffff;
	_ =	sdelay $0x3  }
0x57: {  	v20 =	vadd.f32 v21, v20  }
0x58: {  	v21 =	vadd.f32 v23, v22  }
0x59: {  	v22 =	vmul.f32 $2.000000030e-01, v20  }
0x5a: {  	vm0 =	vgt.f32 v20, $0.0e+00;
	v23 =	vmul.f32 $2.000000030e-01, v21  }
0x5b: {  	vm7 =	vgt.f32 v21, $0.0e+00;
	v20 =	vsel vm0, v20, v22  }
0x5c: {  	v21 =	vsel vm7, v21, v23;
	v20 =	vsub.f32 $0.0e+00, v20  }
0x5d: {  	v21 =	vsub.f32 $0.0e+00, v21  }
0x5e: {  	v20 =	vmul.f32 $1.442695020e+00, v20  }
0x5f: {  	v21 =	vmul.f32 $1.442695020e+00, v21  }
0x60: {  	(erf) = vpow2.f32 v20  }
0x61: {  	(erf) = vpow2.f32 v21;
	_ =	sdelay $0x7  }
0x62: {  	v20 =	vpop (erf)  }
0x63: {  	v21 =	vpop (erf);
	[tilespmem:v1+s25+$0x0] =	vst.idx.msk $0xffff, v20  }
0x64: {  	[tilespmem:v2+s25+$0x0] =	vst.idx.msk $0xffff, v21  }
0x65: {  	v20 =	vld.idx.msk [tilespmem:v4+s25+$0x0], $0xffff  }
0x66: {  	v21 =	vld.idx.msk [tilespmem:v5+s0+$0x0], $0xffff  }
0x67: {  	v22 =	vld.idx.msk [tilespmem:v6+s25+$0x0], $0xffff  }
0x68: {  	v23 =	vld.idx.msk [tilespmem:v7+s0+$0x0], $0xffff;
	_ =	sdelay $0x3  }
0x69: {  	v20 =	vadd.f32 v21, v20  }
0x6a: {  	v21 =	vadd.f32 v23, v22  }
0x6b: {  	v22 =	vmul.f32 $2.000000030e-01, v20  }
0x6c: {  	vm8 =	vgt.f32 v20, $0.0e+00;
	v23 =	vmul.f32 $2.000000030e-01, v21  }
0x6d: {  	vm9 =	vgt.f32 v21, $0.0e+00;
	v20 =	vsel vm8, v20, v22  }
0x6e: {  	v21 =	vsel vm9, v21, v23;
	v20 =	vsub.f32 $0.0e+00, v20  }
0x6f: {  	v21 =	vsub.f32 $0.0e+00, v21  }
0x70: {  	v20 =	vmul.f32 $1.442695020e+00, v20  }
0x71: {  	v21 =	vmul.f32 $1.442695020e+00, v21  }
0x72: {  	(erf) = vpow2.f32 v20  }
0x73: {  	(erf) = vpow2.f32 v21;
	_ =	sdelay $0x7  }
0x74: {  	v20 =	vpop (erf)  }
0x75: {  	v21 =	vpop (erf);
	[tilespmem:v4+s25+$0x0] =	vst.idx.msk $0xffff, v20  }
0x76: {  	[tilespmem:v6+s25+$0x0] =	vst.idx.msk $0xffff, v21  }
0x77: {  	v20 =	vld.idx.msk [tilespmem:v8+s25+$0x0], $0xffff  }
0x78: {  	v21 =	vld.idx.msk [tilespmem:v9+s0+$0x0], $0xffff  }
0x79: {  	v22 =	vld.idx.msk [tilespmem:v10+s25+$0x0], $0xffff  }
0x7a: {  	v23 =	vld.idx.msk [tilespmem:v11+s0+$0x0], $0xffff;
	_ =	sdelay $0x3  }
0x7b: {  	v20 =	vadd.f32 v21, v20  }
0x7c: {  	v21 =	vadd.f32 v23, v22  }
0x7d: {  	v22 =	vmul.f32 $2.000000030e-01, v20  }
0x7e: {  	vm10 =	vgt.f32 v20, $0.0e+00;
	v23 =	vmul.f32 $2.000000030e-01, v21  }
0x7f: {  	vm11 =	vgt.f32 v21, $0.0e+00;
	v20 =	vsel vm10, v20, v22  }
0x80: {  	v21 =	vsel vm11, v21, v23;
	v20 =	vsub.f32 $0.0e+00, v20  }
0x81: {  	v21 =	vsub.f32 $0.0e+00, v21  }
0x82: {  	v20 =	vmul.f32 $1.442695020e+00, v20  }
0x83: {  	v21 =	vmul.f32 $1.442695020e+00, v21  }
0x84: {  	(erf) = vpow2.f32 v20  }
0x85: {  	(erf) = vpow2.f32 v21;
	_ =	sdelay $0x7  }
0x86: {  	v20 =	vpop (erf)  }
0x87: {  	v21 =	vpop (erf);
	[tilespmem:v8+s25+$0x0] =	vst.idx.msk $0xffff, v20  }
0x88: {  	[tilespmem:v10+s25+$0x0] =	vst.idx.msk $0xffff, v21  }
0x89: {  	v20 =	vld.idx.msk [tilespmem:v12+s25+$0x0], $0xffff  }
0x8a: {  	v21 =	vld.idx.msk [tilespmem:v13+s0+$0x0], $0xffff  }
0x8b: {  	v22 =	vld.idx.msk [tilespmem:v14+s25+$0x0], $0xffff  }
0x8c: {  	v23 =	vld.idx.msk [tilespmem:v15+s0+$0x0], $0xffff;
	_ =	sdelay $0x3  }
0x8d: {  	v20 =	vadd.f32 v21, v20  }
0x8e: {  	v21 =	vadd.f32 v23, v22  }
0x8f: {  	v22 =	vmul.f32 $2.000000030e-01, v20  }
0x90: {  	vm12 =	vgt.f32 v20, $0.0e+00;
	v23 =	vmul.f32 $2.000000030e-01, v21  }
0x91: {  	vm13 =	vgt.f32 v21, $0.0e+00;
	v20 =	vsel vm12, v20, v22  }
0x92: {  	v21 =	vsel vm13, v21, v23;
	v20 =	vsub.f32 $0.0e+00, v20  }
0x93: {  	v21 =	vsub.f32 $0.0e+00, v21  }
0x94: {  	v20 =	vmul.f32 $1.442695020e+00, v20  }
0x95: {  	v21 =	vmul.f32 $1.442695020e+00, v21  }
0x96: {  	(erf) = vpow2.f32 v20  }
0x97: {  	(erf) = vpow2.f32 v21;
	_ =	sdelay $0x7  }
0x98: {  	v20 =	vpop (erf)  }
0x99: {  	v21 =	vpop (erf);
	[tilespmem:v12+s25+$0x0] =	vst.idx.msk $0xffff, v20  }
0x9a: {  	[tilespmem:v14+s25+$0x0] =	vst.idx.msk $0xffff, v21  }
0x9b: {  	v20 =	vld.idx.msk [tilespmem:v16+s25+$0x0], $0xffff  }
0x9c: {  	v21 =	vld.idx.msk [tilespmem:v17+s0+$0x0], $0xffff  }
0x9d: {  	v22 =	vld.idx.msk [tilespmem:v18+s25+$0x0], $0xffff  }
0x9e: {  	v23 =	vld.idx.msk [tilespmem:v19+s0+$0x0], $0xffff;
	_ =	sdelay $0x3  }
0x9f: {  	v20 =	vadd.f32 v21, v20  }
0xa0: {  	v21 =	vadd.f32 v23, v22  }
0xa1: {  	v22 =	vmul.f32 $2.000000030e-01, v20  }
0xa2: {  	vm14 =	vgt.f32 v20, $0.0e+00;
	v23 =	vmul.f32 $2.000000030e-01, v21  }
0xa3: {  	vm15 =	vgt.f32 v21, $0.0e+00;
	v20 =	vsel vm14, v20, v22  }
0xa4: {  	v21 =	vsel vm15, v21, v23;
	v20 =	vsub.f32 $0.0e+00, v20  }
0xa5: {  	v21 =	vsub.f32 $0.0e+00, v21  }
0xa6: {  	v20 =	vmul.f32 $1.442695020e+00, v20  }
0xa7: {  	v21 =	vmul.f32 $1.442695020e+00, v21  }
0xa8: {  	(erf) = vpow2.f32 v20  }
0xa9: {  	(erf) = vpow2.f32 v21;
	_ =	sdelay $0x1  }
0xaa: {  	s19 =	simm.s32 $0x0  }
0xab: {  	v20 =	vmov s19  }
0xac: {  	v20 =	vmul.u32 $0x90, v20;
	_ =	sdelay $0x1  }
0xad: {  	v20 =	vadd.s32 $0x80, v20  }
0xae: {  	v20 =	vbroadcast v20, $0x0  }
0xaf: {  	v21 =	vpop (erf)  }
0xb0: {  	v22 =	vpop (erf);
	[tilespmem:v16+s25+$0x0] =	vst.idx.msk $0xffff, v21  }
0xb1: {  	s24 =	simm.s32 $0x16110;
	v21 =	vor.u32 $0x1, v20;
	[tilespmem:v18+s25+$0x0] =	vst.idx.msk $0xffff, v22  }
0xb2: {  	v22 =	vld [tilespmem:s24+$0xFFFFFFF0]  }
0xb3: {  	v23 =	vld [tilespmem:s24+$0xFFFFFFC0]  }
0xb4: {  	v29 =	vld.idx.msk [tilespmem:v20+s25+$0x0], $0xffff  }
0xb5: {  	v25 =	vld [tilespmem:s24+$0x0]  }
0xb6: {  	v20 =	vld.idx.msk [tilespmem:v21+s25+$0x0], $0xffff  }
0xb7: {  	v26 =	vld [tilespmem:s24+$0xFFFFFFE0]  }
0xb8: {  	v24 =	vld [tilespmem:s24+$0xFFFFFFD0]  }
0xb9: {  	v30 =	vld [tilespmem:s24+$0x20]  }
0xba: {  	v21 =	vld [tilespmem:s24+$0x30]  }
0xbb: {  	v31 =	vmul.f32 v23, v29;
	v23 =	vmul.f32 v25, v20;
	v25 =	vld [tilespmem:s24+$0x10]  }
0xbc: {  	s20 =	simm.s32 $0x1  }
0xbd: {  	v28 =	vmov s20;
	v24 =	vmul.f32 v24, v29;
	v27 =	vmul.f32 v22, v29  }
0xbe: {  	s20 =	simm.s32 $0x16110;
	v28 =	vmul.u32 $0x90, v28;
	s19 =	simm.s32 $0x2;
	v26 =	vmul.f32 v26, v29;
	[tilespmem:s24+$0xFFFFFFC0] =	vst v31;
	v22 =	vmul.f32 v30, v20  }
.LBB2_3:
0xbf: {  	p0 =	sne.s32 s19, $0x4F  }
0xc0: {  	v28 =	vadd.s32 $0x80, v28;
	[tilespmem:s24+$0xFFFFFFF0] =	vst v27;
	v25 =	vmul.f32 v25, v20;
	v20 =	vmul.f32 v21, v20;
	s20 =	sadd.s32 $0x90, s20;
	s11 =	smov.u32 s19;
	s19 =	sadd.s32 $0x1, s19  }
0xc1: {  	v27 =	vbroadcast v28, $0x0;
	[tilespmem:s24+$0xFFFFFFD0] =	vst v24  }
0xc2: {  	v29 =	vld [tilespmem:s20+$0xFFFFFFF0];
	[tilespmem:s24+$0xFFFFFFE0] =	vst v26  }
0xc3: {  	v24 =	vor.u32 $0x1, v27;
	v26 =	vld [tilespmem:s20+$0xFFFFFFC0];
	[tilespmem:s24+$0x0] =	vst v23  }
0xc4: {  	v30 =	vld [tilespmem:s20+$0xFFFFFFE0];
	[tilespmem:s24+$0x30] =	vst v20  }
0xc5: {  	v21 =	vld [tilespmem:s20+$0x30];
	[tilespmem:s24+$0x10] =	vst v25  }
0xc6: {  	v23 =	vld [tilespmem:s20+$0xFFFFFFD0];
	[tilespmem:s24+$0x20] =	vst v22;
	s24 =	smov.u32 s20  }
0xc7: {  	v22 =	vld.idx.msk [tilespmem:v27+s25+$0x0], $0xffff  }
0xc8: {  	v20 =	vld.idx.msk [tilespmem:v24+s25+$0x0], $0xffff  }
0xc9: {  	v31 =	vld [tilespmem:s20+$0x0]  }
0xca: {  	v32 =	vld [tilespmem:s20+$0x20]  }
.Ltmp2:
0xcb: {  	v25 =	vld [tilespmem:s20+$0x10];
	(pc) =	sbr.rel @p0 .LBB2_3-.Ltmp2, $4  }
0xcc: {  	_ = 	snop  }
0xcd: {  	v27 =	vmov s11;
	v26 =	vmul.f32 v26, v22;
	v24 =	vmul.f32 v23, v22  }
0xce: {  	v28 =	vmul.u32 $0x90, v27;
	v27 =	vmul.f32 v29, v22;
	v23 =	vmul.f32 v31, v20  }
0xcf: {  	[tilespmem:s20+$0xFFFFFFC0] =	vst v26;
	v26 =	vmul.f32 v30, v22;
	v22 =	vmul.f32 v32, v20  }
0xd0: {  	[tilespmem:s24+$0xFFFFFFD0] =	vst v24;
	v24 =	vadd.s32 $0x80, v28  }
0xd1: {  	[tilespmem:s24+$0xFFFFFFF0] =	vst v27;
	s11 =	sadd.s32 $0x90, s20;
	v24 =	vbroadcast v24, $0x0  }
0xd2: {  	v21 =	vmul.f32 v21, v20;
	v27 =	vld [tilespmem:s11+$0xFFFFFFF0];
	[tilespmem:s24+$0xFFFFFFE0] =	vst v26  }
0xd3: {  	v20 =	vmul.f32 v25, v20;
	[tilespmem:s24+$0x0] =	vst v23  }
0xd4: {  	v23 =	vld [tilespmem:s11+$0xFFFFFFE0];
	[tilespmem:s24+$0x30] =	vst v21  }
0xd5: {  	v21 =	vld [tilespmem:s11+$0x30];
	v25 =	vor.u32 $0x1, v24;
	[tilespmem:s24+$0x10] =	vst v20  }
0xd6: {  	v20 =	vld [tilespmem:s11+$0xFFFFFFC0];
	[tilespmem:s24+$0x20] =	vst v22  }
0xd7: {  	v22 =	vld.idx.msk [tilespmem:v24+s25+$0x0], $0xffff;
	_ =	sdelay $0x1  }
0xd8: {  	v24 =	vld [tilespmem:s11+$0xFFFFFFD0]  }
0xd9: {  	v25 =	vld.idx.msk [tilespmem:v25+s25+$0x0], $0xffff;
	_ =	sdelay $0x1  }
0xda: {  	v26 =	vld [tilespmem:s11+$0x0];
	v20 =	vmul.f32 v20, v22  }
0xdb: {  	v28 =	vld [tilespmem:s11+$0x10];
	v27 =	vmul.f32 v27, v22  }
0xdc: {  	v29 =	vld [tilespmem:s11+$0x20];
	v24 =	vmul.f32 v24, v22;
	[tilespmem:s11+$0xFFFFFFC0] =	vst v20  }
0xdd: {  	v21 =	vmul.f32 v21, v25;
	[tilespmem:s11+$0xFFFFFFF0] =	vst v27  }
0xde: {  	v20 =	vmul.f32 v23, v22;
	[tilespmem:s11+$0xFFFFFFD0] =	vst v24  }
0xdf: {  	v22 =	vmul.f32 v26, v25;
	[tilespmem:s11+$0x30] =	vst v21  }
0xe0: {  	[tilespmem:s11+$0xFFFFFFE0] =	vst v20;
	v20 =	vmul.f32 v28, v25  }
0xe1: {  	[tilespmem:s11+$0x0] =	vst v22;
	v22 =	vmul.f32 v29, v25  }
0xe2: {  	p0 =	seq.s32 s16, $0x8C;
	[tilespmem:s11+$0x10] =	vst v20  }
0xe3: {  	[tilespmem:s11+$0x20] =	vst v22;
	s11 =	smul.u32 @!p0 $0xA0, s16  }
0xe4: {  	[spmem:s2] =	stream.indirect.scatter.add.f32 [tilespmem:s25], [sflag:$0x5], $0x90, s23, s31, $0xb8;
	[tilespmem:$0x1C4D0] =	vst v63  }
0xe5: {  	s11 =	sadd.s32 @!p0 s11, s17  }
0xe6: {  	_ =	swait.ge [sflag:s22], $0x2D00;
	s19 =	sadd.s32 @!p0 s8, s11  }
0xe7: {  	s20 =	simm.s32 @!p0 $0x0;
	[sflag:s22] =	ssyncset.done $0x0;
	s19 =	sshrl.u32 @!p0 s19, $0x3  }
0xe8: {  	s24 =	simm.s32 @!p0 $0x15F90;
	[sflag:s22] =	ssyncadd.s32 $0xFFFFD300;
	s19 =	sadd.s32 @!p0 s4, s19  }
0xe9: {  	[tilespmem:s24], [sflag:$0x1] =	stream.linear.gather @!p0 [hbm4b:s19+s20], $0x50, $0x38;
	[tilespmem:$0x1C4D0] =	vst v63  }
0xea: {  	s12 =	simm.s32 @!p0 $0x16030;
	s11 =	smul.u32 @!p0 $0x12, s11;
	s19 =	sadd.s32 @!p0 $0xB040, s19  }
0xeb: {  	[tilespmem:s12], [sflag:$0x1] =	stream.linear.gather @!p0 [hbm4b:s19+s20], $0x50, $0x38;
	[tilespmem:$0x1C4D0] =	vst v63  }
0xec: {  	s11 =	sadd.s32 @!p0 s5, s11;
	s19 =	simm.s32 @!p0 $0x160D0  }
0xed: {  	[tilespmem:s19], [sflag:$0x1] =	stream.linear.gather @!p0 [hbm4b:s11+s20], $0x2D00, $0x38;
	[tilespmem:$0x1C4D0] =	vst v63  }
0xee: {  	s11 =	simm.s32 @!p0 $0x1  }
0xef: {  	_ =	swait.ge @!p0 [sflag:s11], $0x50  }
0xf0: {  	[sflag:s11] =	ssyncset.done @!p0 $0x0  }
0xf1: {  	[sflag:s11] =	ssyncadd.s32 @!p0 $0xFFFFFFB0  }
0xf2: {  	_ =	swait.ge @!p0 [sflag:s11], $0x50  }
0xf3: {  	[sflag:s11] =	ssyncset.done @!p0 $0x0  }
0xf4: {  	[sflag:s11] =	ssyncadd.s32 @!p0 $0xFFFFFFB0  }
0xf5: {  	_ =	swait.ge @!p0 [sflag:s11], $0x2D00  }
0xf6: {  	[sflag:s11] =	ssyncset.done @!p0 $0x0  }
0xf7: {  	[sflag:s11] =	ssyncadd.s32 @!p0 $0xFFFFD300;
	s11 =	simm.s32 @!p0 $0x50  }
0xf8: {  	[tilespmem:s19], [sflag:$0x3] =	stream.indirect.gather.add.f32 @!p0 [hbm:s6], $0x90, s12, s11, $0xb8;
	[tilespmem:$0x1C4D0] =	vst v63  }
0xf9: {  	s12 =	simm.s32 @!p0 $0x1BAD0  }
0xfa: {  	[tilespmem:s12], [sflag:$0x3] =	stream.indirect.gather @!p0 [hbm4b:s7+s11], $0x10, s24, s11, $0xb8;
	[tilespmem:$0x1C4D0] =	vst v63  }
0xfb: {  	_ =	swait.ge [sflag:s14], $0x2D00  }
0xfc: {  	[sflag:s14] =	ssyncset.done $0x0  }
0xfd: {  	[sflag:s14] =	ssyncadd.s32 $0xFFFFD300  }
0xfe: {  	_ =	swait.ge [sflag:s14], $0x500  }
0xff: {  	[sflag:s14] =	ssyncset.done $0x0  }
0x100: {  	[sflag:s14] =	ssyncadd.s32 $0xFFFFFB00  }
0x101: {  	v20 =	vld.idx.msk [tilespmem:v1+s29+$0x0], $0xffff  }
0x102: {  	v21 =	vld.idx.msk [tilespmem:v0+s9+$0x0], $0xffff  }
0x103: {  	v22 =	vld.idx.msk [tilespmem:v2+s29+$0x0], $0xffff  }
0x104: {  	v23 =	vld.idx.msk [tilespmem:v3+s9+$0x0], $0xffff;
	_ =	sdelay $0x3  }
0x105: {  	v20 =	vadd.f32 v21, v20  }
0x106: {  	v21 =	vadd.f32 v23, v22  }
0x107: {  	v22 =	vmul.f32 $2.000000030e-01, v20  }
0x108: {  	vm0 =	vgt.f32 v20, $0.0e+00;
	v23 =	vmul.f32 $2.000000030e-01, v21  }
0x109: {  	vm7 =	vgt.f32 v21, $0.0e+00;
	v20 =	vsel vm0, v20, v22  }
0x10a: {  	v21 =	vsel vm7, v21, v23;
	v20 =	vsub.f32 $0.0e+00, v20  }
0x10b: {  	v21 =	vsub.f32 $0.0e+00, v21  }
0x10c: {  	v20 =	vmul.f32 $1.442695020e+00, v20  }
0x10d: {  	v21 =	vmul.f32 $1.442695020e+00, v21  }
0x10e: {  	(erf) = vpow2.f32 v20  }
0x10f: {  	(erf) = vpow2.f32 v21;
	_ =	sdelay $0x7  }
0x110: {  	v20 =	vpop (erf)  }
0x111: {  	v21 =	vpop (erf);
	[tilespmem:v1+s29+$0x0] =	vst.idx.msk $0xffff, v20  }
0x112: {  	[tilespmem:v2+s29+$0x0] =	vst.idx.msk $0xffff, v21  }
0x113: {  	v20 =	vld.idx.msk [tilespmem:v4+s29+$0x0], $0xffff  }
0x114: {  	v21 =	vld.idx.msk [tilespmem:v5+s9+$0x0], $0xffff  }
0x115: {  	v22 =	vld.idx.msk [tilespmem:v6+s29+$0x0], $0xffff  }
0x116: {  	v23 =	vld.idx.msk [tilespmem:v7+s9+$0x0], $0xffff;
	_ =	sdelay $0x3  }
0x117: {  	v20 =	vadd.f32 v21, v20  }
0x118: {  	v21 =	vadd.f32 v23, v22  }
0x119: {  	v22 =	vmul.f32 $2.000000030e-01, v20  }
0x11a: {  	vm8 =	vgt.f32 v20, $0.0e+00;
	v23 =	vmul.f32 $2.000000030e-01, v21  }
0x11b: {  	vm9 =	vgt.f32 v21, $0.0e+00;
	v20 =	vsel vm8, v20, v22  }
0x11c: {  	v21 =	vsel vm9, v21, v23;
	v20 =	vsub.f32 $0.0e+00, v20  }
0x11d: {  	v21 =	vsub.f32 $0.0e+00, v21  }
0x11e: {  	v20 =	vmul.f32 $1.442695020e+00, v20  }
0x11f: {  	v21 =	vmul.f32 $1.442695020e+00, v21  }
0x120: {  	(erf) = vpow2.f32 v20  }
0x121: {  	(erf) = vpow2.f32 v21;
	_ =	sdelay $0x7  }
0x122: {  	v20 =	vpop (erf)  }
0x123: {  	v21 =	vpop (erf);
	[tilespmem:v4+s29+$0x0] =	vst.idx.msk $0xffff, v20  }
0x124: {  	[tilespmem:v6+s29+$0x0] =	vst.idx.msk $0xffff, v21  }
0x125: {  	v20 =	vld.idx.msk [tilespmem:v8+s29+$0x0], $0xffff  }
0x126: {  	v21 =	vld.idx.msk [tilespmem:v9+s9+$0x0], $0xffff  }
0x127: {  	v22 =	vld.idx.msk [tilespmem:v10+s29+$0x0], $0xffff  }
0x128: {  	v23 =	vld.idx.msk [tilespmem:v11+s9+$0x0], $0xffff;
	_ =	sdelay $0x3  }
0x129: {  	v20 =	vadd.f32 v21, v20  }
0x12a: {  	v21 =	vadd.f32 v23, v22  }
0x12b: {  	v22 =	vmul.f32 $2.000000030e-01, v20  }
0x12c: {  	vm10 =	vgt.f32 v20, $0.0e+00;
	v23 =	vmul.f32 $2.000000030e-01, v21  }
0x12d: {  	vm11 =	vgt.f32 v21, $0.0e+00;
	v20 =	vsel vm10, v20, v22  }
0x12e: {  	v21 =	vsel vm11, v21, v23;
	v20 =	vsub.f32 $0.0e+00, v20  }
0x12f: {  	v21 =	vsub.f32 $0.0e+00, v21  }
0x130: {  	v20 =	vmul.f32 $1.442695020e+00, v20  }
0x131: {  	v21 =	vmul.f32 $1.442695020e+00, v21  }
0x132: {  	(erf) = vpow2.f32 v20  }
0x133: {  	(erf) = vpow2.f32 v21;
	_ =	sdelay $0x7  }
0x134: {  	v20 =	vpop (erf)  }
0x135: {  	v21 =	vpop (erf);
	[tilespmem:v8+s29+$0x0] =	vst.idx.msk $0xffff, v20  }
0x136: {  	[tilespmem:v10+s29+$0x0] =	vst.idx.msk $0xffff, v21  }
0x137: {  	v20 =	vld.idx.msk [tilespmem:v12+s29+$0x0], $0xffff  }
0x138: {  	v21 =	vld.idx.msk [tilespmem:v13+s9+$0x0], $0xffff  }
0x139: {  	v22 =	vld.idx.msk [tilespmem:v14+s29+$0x0], $0xffff  }
0x13a: {  	v23 =	vld.idx.msk [tilespmem:v15+s9+$0x0], $0xffff;
	_ =	sdelay $0x3  }
0x13b: {  	v20 =	vadd.f32 v21, v20  }
0x13c: {  	v21 =	vadd.f32 v23, v22  }
0x13d: {  	v22 =	vmul.f32 $2.000000030e-01, v20  }
0x13e: {  	vm12 =	vgt.f32 v20, $0.0e+00;
	v23 =	vmul.f32 $2.000000030e-01, v21  }
0x13f: {  	vm13 =	vgt.f32 v21, $0.0e+00;
	v20 =	vsel vm12, v20, v22  }
0x140: {  	v21 =	vsel vm13, v21, v23;
	v20 =	vsub.f32 $0.0e+00, v20  }
0x141: {  	v21 =	vsub.f32 $0.0e+00, v21  }
0x142: {  	v20 =	vmul.f32 $1.442695020e+00, v20  }
0x143: {  	v21 =	vmul.f32 $1.442695020e+00, v21  }
0x144: {  	(erf) = vpow2.f32 v20  }
0x145: {  	(erf) = vpow2.f32 v21;
	_ =	sdelay $0x7  }
0x146: {  	v20 =	vpop (erf)  }
0x147: {  	v21 =	vpop (erf);
	[tilespmem:v12+s29+$0x0] =	vst.idx.msk $0xffff, v20  }
0x148: {  	[tilespmem:v14+s29+$0x0] =	vst.idx.msk $0xffff, v21  }
0x149: {  	v20 =	vld.idx.msk [tilespmem:v16+s29+$0x0], $0xffff  }
0x14a: {  	v21 =	vld.idx.msk [tilespmem:v17+s9+$0x0], $0xffff  }
0x14b: {  	v22 =	vld.idx.msk [tilespmem:v18+s29+$0x0], $0xffff  }
0x14c: {  	v23 =	vld.idx.msk [tilespmem:v19+s9+$0x0], $0xffff;
	_ =	sdelay $0x3  }
0x14d: {  	v20 =	vadd.f32 v21, v20  }
0x14e: {  	v21 =	vadd.f32 v23, v22  }
0x14f: {  	v22 =	vmul.f32 $2.000000030e-01, v20  }
0x150: {  	vm14 =	vgt.f32 v20, $0.0e+00;
	v23 =	vmul.f32 $2.000000030e-01, v21  }
0x151: {  	vm15 =	vgt.f32 v21, $0.0e+00;
	v20 =	vsel vm14, v20, v22  }
0x152: {  	v21 =	vsel vm15, v21, v23;
	v20 =	vsub.f32 $0.0e+00, v20  }
0x153: {  	v21 =	vsub.f32 $0.0e+00, v21  }
0x154: {  	v20 =	vmul.f32 $1.442695020e+00, v20  }
0x155: {  	v21 =	vmul.f32 $1.442695020e+00, v21  }
0x156: {  	(erf) = vpow2.f32 v20  }
0x157: {  	(erf) = vpow2.f32 v21;
	_ =	sdelay $0x1  }
0x158: {  	s19 =	simm.s32 $0x0  }
0x159: {  	v20 =	vmov s19  }
0x15a: {  	v20 =	vmul.u32 $0x90, v20;
	_ =	sdelay $0x1  }
0x15b: {  	v20 =	vadd.s32 $0x80, v20  }
0x15c: {  	v20 =	vbroadcast v20, $0x0  }
0x15d: {  	v21 =	vpop (erf)  }
0x15e: {  	v22 =	vpop (erf);
	[tilespmem:v16+s29+$0x0] =	vst.idx.msk $0xffff, v21  }
0x15f: {  	s24 =	simm.s32 $0x18E10;
	v21 =	vor.u32 $0x1, v20;
	[tilespmem:v18+s29+$0x0] =	vst.idx.msk $0xffff, v22  }
0x160: {  	v22 =	vld [tilespmem:s24+$0xFFFFFFF0]  }
0x161: {  	v23 =	vld [tilespmem:s24+$0xFFFFFFC0]  }
0x162: {  	v29 =	vld.idx.msk [tilespmem:v20+s29+$0x0], $0xffff  }
0x163: {  	v25 =	vld [tilespmem:s24+$0x0]  }
0x164: {  	v20 =	vld.idx.msk [tilespmem:v21+s29+$0x0], $0xffff  }
0x165: {  	v26 =	vld [tilespmem:s24+$0xFFFFFFE0]  }
0x166: {  	v24 =	vld [tilespmem:s24+$0xFFFFFFD0]  }
0x167: {  	v30 =	vld [tilespmem:s24+$0x20]  }
0x168: {  	v21 =	vld [tilespmem:s24+$0x30]  }
0x169: {  	v31 =	vmul.f32 v23, v29;
	v23 =	vmul.f32 v25, v20;
	v25 =	vld [tilespmem:s24+$0x10]  }
0x16a: {  	s20 =	simm.s32 $0x1  }
0x16b: {  	v28 =	vmov s20;
	v24 =	vmul.f32 v24, v29;
	v27 =	vmul.f32 v22, v29  }
0x16c: {  	s20 =	simm.s32 $0x18E10;
	v28 =	vmul.u32 $0x90, v28;
	s19 =	simm.s32 $0x2;
	v26 =	vmul.f32 v26, v29;
	[tilespmem:s24+$0xFFFFFFC0] =	vst v31;
	v22 =	vmul.f32 v30, v20  }
.LBB2_5:
0x16d: {  	p1 =	sne.s32 s19, $0x4F  }
0x16e: {  	v28 =	vadd.s32 $0x80, v28;
	[tilespmem:s24+$0xFFFFFFF0] =	vst v27;
	v25 =	vmul.f32 v25, v20;
	v20 =	vmul.f32 v21, v20;
	s20 =	sadd.s32 $0x90, s20;
	s11 =	smov.u32 s19;
	s19 =	sadd.s32 $0x1, s19  }
0x16f: {  	v27 =	vbroadcast v28, $0x0;
	[tilespmem:s24+$0xFFFFFFD0] =	vst v24  }
0x170: {  	v29 =	vld [tilespmem:s20+$0xFFFFFFF0];
	[tilespmem:s24+$0xFFFFFFE0] =	vst v26  }
0x171: {  	v24 =	vor.u32 $0x1, v27;
	v26 =	vld [tilespmem:s20+$0xFFFFFFC0];
	[tilespmem:s24+$0x0] =	vst v23  }
0x172: {  	v30 =	vld [tilespmem:s20+$0xFFFFFFE0];
	[tilespmem:s24+$0x30] =	vst v20  }
0x173: {  	v21 =	vld [tilespmem:s20+$0x30];
	[tilespmem:s24+$0x10] =	vst v25  }
0x174: {  	v23 =	vld [tilespmem:s20+$0xFFFFFFD0];
	[tilespmem:s24+$0x20] =	vst v22;
	s24 =	smov.u32 s20  }
0x175: {  	v22 =	vld.idx.msk [tilespmem:v27+s29+$0x0], $0xffff  }
0x176: {  	v20 =	vld.idx.msk [tilespmem:v24+s29+$0x0], $0xffff  }
0x177: {  	v31 =	vld [tilespmem:s20+$0x0]  }
0x178: {  	v32 =	vld [tilespmem:s20+$0x20]  }
.Ltmp3:
0x179: {  	v25 =	vld [tilespmem:s20+$0x10];
	(pc) =	sbr.rel @p1 .LBB2_5-.Ltmp3, $4  }
0x17a: {  	_ = 	snop  }
0x17b: {  	v27 =	vmov s11;
	v26 =	vmul.f32 v26, v22;
	v24 =	vmul.f32 v23, v22  }
0x17c: {  	v28 =	vmul.u32 $0x90, v27;
	v27 =	vmul.f32 v29, v22;
	v23 =	vmul.f32 v31, v20  }
0x17d: {  	[tilespmem:s20+$0xFFFFFFC0] =	vst v26;
	v26 =	vmul.f32 v30, v22;
	v22 =	vmul.f32 v32, v20  }
0x17e: {  	[tilespmem:s24+$0xFFFFFFF0] =	vst v27;
	v58 =	vadd.s32 $0x80, v28  }
0x17f: {  	s11 =	sadd.s32 $0x90, s20;
	[tilespmem:s24+$0xFFFFFFD0] =	vst v24;
	v24 =	vbroadcast v58, $0x0  }
0x180: {  	v21 =	vmul.f32 v21, v20;
	v27 =	vld [tilespmem:s11+$0xFFFFFFF0];
	[tilespmem:s24+$0xFFFFFFE0] =	vst v26  }
0x181: {  	v20 =	vmul.f32 v25, v20;
	[tilespmem:s24+$0x0] =	vst v23  }
0x182: {  	v23 =	vld [tilespmem:s11+$0xFFFFFFE0];
	[tilespmem:s24+$0x30] =	vst v21  }
0x183: {  	v21 =	vld [tilespmem:s11+$0x30];
	v59 =	vor.u32 $0x1, v24;
	[tilespmem:s24+$0x10] =	vst v20  }
0x184: {  	v20 =	vld [tilespmem:s11+$0xFFFFFFC0];
	[tilespmem:s24+$0x20] =	vst v22  }
0x185: {  	v22 =	vld.idx.msk [tilespmem:v24+s29+$0x0], $0xffff  }
0x186: {  	v60 =	vld [tilespmem:s11+$0xFFFFFFD0]  }
0x187: {  	v26 =	vld [tilespmem:s11+$0x0]  }
0x188: {  	v25 =	vld.idx.msk [tilespmem:v59+s29+$0x0], $0xffff;
	_ =	sdelay $0x1  }
0x189: {  	v20 =	vmul.f32 v20, v22  }
0x18a: {  	v29 =	vld [tilespmem:s11+$0x20];
	v27 =	vmul.f32 v27, v22  }
0x18b: {  	v61 =	vld [tilespmem:s11+$0x10];
	v24 =	vmul.f32 v60, v22;
	[tilespmem:s11+$0xFFFFFFC0] =	vst v20  }
0x18c: {  	v62 =	vmul.f32 v26, v25;
	[tilespmem:s11+$0xFFFFFFF0] =	vst v27  }
0x18d: {  	v21 =	vmul.f32 v21, v25;
	[tilespmem:s11+$0xFFFFFFD0] =	vst v24  }
0x18e: {  	v20 =	vmul.f32 v23, v22;
	[tilespmem:s11+$0x0] =	vst v62  }
0x18f: {  	v63 =	vmul.f32 v29, v25;
	[tilespmem:s11+$0x30] =	vst v21  }
0x190: {  	[tilespmem:s11+$0xFFFFFFE0] =	vst v20;
	v20 =	vmul.f32 v61, v25  }
0x191: {  	[tilespmem:s11+$0x20] =	vst v63  }
.Ltmp4:
0x192: {  	[tilespmem:s11+$0x10] =	vst v20;
	(pc) =	sbr.rel @p0 .LBB2_8-.Ltmp4, $4  }
0x193: {  	[spmem:s2] =	stream.indirect.scatter.add.f32 [tilespmem:s29], [sflag:$0x5], $0x90, s26, s31, $0xb8;
	[tilespmem:$0x1C4D0] =	vst v63  }
0x194: {  	_ =	swait.ge [sflag:s22], $0x2D00  }
0x195: {  	[sflag:s22] =	ssyncset.done $0x0  }
0x196: {  	[sflag:s22] =	ssyncadd.s32 $0xFFFFD300  }
0x197: {  	s11 =	smul.u32 $0xA0, s16;
	_ =	sdelay $0x1  }
0x198: {  	s11 =	sadd.s32 s11, s18  }
0x199: {  	s12 =	sadd.s32 s8, s11  }
0x19a: {  	s12 =	sshrl.u32 s12, $0x3  }
0x19b: {  	s12 =	sadd.s32 s4, s12  }
0x19c: {  	[tilespmem:s26], [sflag:$0x2] =	stream.linear.gather [hbm4b:s12+s3], $0x50, $0x38;
	[tilespmem:$0x1C4D0] =	vst v63  }
.Ltmp5:
0x19d: {  	_ = 	snop;
	(pc) =	sbr.rel .LBB2_2-.Ltmp5, $4  }
0x19e: {  	s11 =	smul.u32 $0x12, s11;
	s12 =	sadd.s32 $0xB040, s12  }
0x19f: {  	[tilespmem:s28], [sflag:$0x2] =	stream.linear.gather [hbm4b:s12+s3], $0x50, $0x38;
	[tilespmem:$0x1C4D0] =	vst v63  }
0x1a0: {  	s16 =	sadd.s32 $0x1, s16;
	s11 =	sadd.s32 s5, s11  }
0x1a1: {  	[tilespmem:s29], [sflag:$0x2] =	stream.linear.gather [hbm4b:s11+s3], $0x2D00, $0x38;
	[tilespmem:$0x1C4D0] =	vst v63  }
.LBB2_9:
0x1a2: {  	_ =	sfence.sel $0x180000  }
0x1a3: {  	[bflag:$0x0] =	sbarrier.arrive $0xFFFF  }
0x1a4: {  	_ =	strace $0x9000004D  }
0x1a5: {  	s0 =	stileid.u32;
	[bflag:$0x2] =	sbarrier.arrive $0xFFFF  }
0x1a6: {  	p0 =	sne.s32 s0, $0x0;
	s0 =	rddreg [dreg:$0x2]  }
0x1a7: {  	s0 =	sadd.s32 @!p0 $0x100000, s0  }
0x1a8: {  	[sflag:s0] =	ssyncadd.tile.s32 @!p0 $0x1;
	_ =	shalt  }
.Lfunc_end2:
_tile_overlayer_lowered:
.L_overlay_start_2:
0x1a9: {  	(tag) =	ssettag $0x2  }
0x1aa: {  	s0 =	rddreg [dreg:$0x0];
	s2 =	stileid.u32  }
0x1ab: {  	s1 =	rddreg [dreg:$0x1];
	p0 =	sne.s32 s2, $0x0  }
0x1ac: {  	s3 =	rddreg [dreg:$0x2];
	[bflag:$0x3] =	sbarrier.arrive $0xFFFF;
	s2 =	simm.s32 @!p0 $0x1C05  }
0x1ad: {  	[timem:s3], [sflag:s2] =	dma.local @!p0 [hbm:s0], s1  }
0x1ae: {  	s0 =	simm.s32 @!p0 $0x5  }
0x1af: {  	_ =	swait.ge @!p0 [sflag:s0], s1  }
0x1b0: {  	s1 =	ssub.s32 @!p0 $0x0, s1;
	[sflag:s0] =	ssyncset.done @!p0 $0x0  }
0x1b1: {  	[sflag:s0] =	ssyncadd.s32 @!p0 s1  }
0x1b2: {  	[bflag:$0x3] =	sbarrier.arrive $0xFFFF  }
0x1b3: {  	_ =	shalt  }

// kernel: kernel.5.cloned.1.call-start
scs
__scs_entry_jumppad:
0x0: {  	(pc) =	sbr.rel $0x88, $3  }
0x1: {  	(tag) =	ssettag $0x0;
	lr =	simm.s32 $0x1  }
0x2: {  	[smem:$0x3F86] =	sst lr;
	_ =	strace $0xD0000000  }
0x3: {  	_ = 	snop  }
0x4: {  	_ = 	snop  }
0x5: {  	_ = 	snop  }
0x6: {  	_ = 	snop  }
0x7: {  	_ = 	snop  }
__scs_overlays_trampoline_lowered:
0x8: {  	[smem:$0x3F95] =	sst s0  }
0x9: {  	[smem:$0x3F96] =	sst s1  }
0xa: {  	[smem:$0x3F97] =	sst s2  }
0xb: {  	[smem:$0x3F98] =	sst s3  }
0xc: {  	[smem:$0x3F99] =	sst s4  }
0xd: {  	[smem:$0x3F9A] =	sst s5  }
0xe: {  	[smem:$0x3F9B] =	sst s6  }
0xf: {  	[smem:$0x3F9C] =	sst s7  }
0x10: {  	[smem:$0x3F9D] =	sst s8  }
0x11: {  	[smem:$0x3F9E] =	sst s9;
	s0 =	simm.s32 @!p0 $0x0  }
0x12: {  	s1 =	sld [smem:$0x3F84];
	s0 =	simm.s32 @p0 $0x1  }
0x13: {  	[smem:$0x3F9F] =	sst s0;
	s0 =	simm.s32 @!p1 $0x0  }
0x14: {  	s2 =	sld [smem:$0x3F83];
	s0 =	simm.s32 @p1 $0x1  }
0x15: {  	[smem:$0x3FA0] =	sst s0;
	s0 =	simm.s32 @!p2 $0x0  }
0x16: {  	s3 =	sld [smem:$0x3FDB];
	s0 =	simm.s32 @p2 $0x1  }
0x17: {  	s4 =	simm.s32 $0x1BF5;
	[smem:$0x3FA2] =	sst s0  }
0x18: {  	s0 =	sld [smem:$0x3F85];
	_ =	swait.ge [sflag:s4], $0x0  }
0x19: {  	s7 =	sld [smem:$0x3F86]  }
0x1a: {  	s8 =	sadd.s32 $0xFFFFE003, lr  }
0x1b: {  	s9 =	sadd.s32 $0xFFFFFEF7, lr;
	s5 =	simm.s32 $0xFFFFFFFF;
	p2 =	slt.u32 s8, $0xFFFFF086  }
0x1c: {  	p1 =	slt.u32 s9, $0xF7A;
	s5 =	simm.s32 @!p2 $0x0  }
0x1d: {  	s5 =	simm.s32 @p1 $0x1;
	p0 =	seq.s32 s7, s2  }
0x1e: {  	s7 =	smul.u32 @!p0 $0xF7A, s2;
	p2 =	seq.s32 @!p0 s5, $0x0  }
0x1f: {  	s9 =	smul.u32 $0xF7A, s1;
	s8 =	simm.s32 @!p0 $0x1BF5;
	p2 =	por !p2, p0  }
0x20: {  	[sflag:s8] =	ssyncset.s32 @!p0 $0xFFFFF086;
	s6 =	sadd.s32 @!p0 s3, s7;
	s7 =	simm.s32 @!p0 $0x108  }
0x21: {  	s3 =	sadd.s32 s3, s9;
	s6 =	sadd.s32 @!p0 $0x88, s6;
	s7 =	simm.s32 @p2 $0x1082  }
0x22: {  	[simem:s7], [sflag:s8] =	dma.local @!p0 [hbm:s6], $0xF7A  }
0x23: {  	s9 =	sor.u32 $0xD0000000, s2;
	s6 =	simm.s32 $0x108;
	_ =	swait.ge @!p0 [sflag:s8], $0x0  }
0x24: {  	s3 =	sadd.s32 $0x88, s3;
	s6 =	simm.s32 @!p1 $0x1082;
	[sflag:s4] =	ssyncset.s32 $0xFFFFF086  }
0x25: {  	[simem:s6], [sflag:s4] =	dma.local [hbm:s3], $0xF7A  }
0x26: {  	[smem:$0x3F86] =	sst s1;
	(tag) =	ssettag s2;
	_ =	strace s9  }
0x27: {  	s1 =	sld [smem:$0x3F96]  }
0x28: {  	s2 =	sld [smem:$0x3F97]  }
0x29: {  	s4 =	sld [smem:$0x3F99]  }
0x2a: {  	p0 =	seq.s32 s5, $0x0;
	s5 =	sld [smem:$0x3F9A]  }
0x2b: {  	s6 =	sld [smem:$0x3F9B]  }
0x2c: {  	s7 =	sld [smem:$0x3F9C]  }
0x2d: {  	s3 =	simm.s32 $0x108;
	s8 =	sld [smem:$0x3F9D]  }
0x2e: {  	s3 =	simm.s32 @!p0 $0x1082;
	s9 =	sld [smem:$0x3F9E]  }
0x2f: {  	lr =	sadd.s32 s0, s3;
	s0 =	sld [smem:$0x3F95]  }
0x30: {  	s3 =	sld [smem:$0x3F98]  }
0x31: {  	[smem:$0x3FA1] =	sst s10  }
0x32: {  	s10 =	sld [smem:$0x3F9F];
	_ =	sdelay $0x3  }
0x33: {  	p0 =	seq.s32 s10, $0x1;
	s10 =	sld [smem:$0x3FA1];
	_ =	sdelay $0x3  }
0x34: {  	[smem:$0x3FA1] =	sst s10  }
0x35: {  	s10 =	sld [smem:$0x3FA0];
	_ =	sdelay $0x3  }
0x36: {  	p1 =	seq.s32 s10, $0x1;
	s10 =	sld [smem:$0x3FA1];
	_ =	sdelay $0x3  }
0x37: {  	[smem:$0x3FA1] =	sst s10  }
0x38: {  	s10 =	sld [smem:$0x3FA2]  }
0x39: {  	_ = 	snop;
	(pc) =	sbr.ind lr, $3  }
0x3a: {  	_ = 	snop  }
0x3b: {  	_ = 	snop  }
0x3c: {  	p2 =	seq.s32 s10, $0x1;
	s10 =	sld [smem:$0x3FA1]  }
0x3d: {  	_ =	shalt  }
0x3e: {  	_ =	shalt  }
0x3f: {  	_ =	shalt  }
0x40: {  	_ =	shalt  }
0x41: {  	_ =	shalt  }
0x42: {  	_ =	shalt  }
0x43: {  	_ =	shalt  }
0x44: {  	_ =	shalt  }
0x45: {  	_ =	shalt  }
0x46: {  	_ =	shalt  }
0x47: {  	_ =	shalt  }
0x48: {  	_ =	shalt  }
0x49: {  	_ =	shalt  }
0x4a: {  	_ =	shalt  }
0x4b: {  	_ =	shalt  }
0x4c: {  	_ =	shalt  }
0x4d: {  	_ =	shalt  }
0x4e: {  	_ =	shalt  }
0x4f: {  	_ =	shalt  }
0x50: {  	_ =	shalt  }
0x51: {  	_ =	shalt  }
0x52: {  	_ =	shalt  }
0x53: {  	_ =	shalt  }
0x54: {  	_ =	shalt  }
0x55: {  	_ =	shalt  }
0x56: {  	_ =	shalt  }
0x57: {  	_ =	shalt  }
0x58: {  	_ =	shalt  }
0x59: {  	_ =	shalt  }
0x5a: {  	_ =	shalt  }
0x5b: {  	_ =	shalt  }
0x5c: {  	_ =	shalt  }
0x5d: {  	_ =	shalt  }
0x5e: {  	_ =	shalt  }
0x5f: {  	_ =	shalt  }
0x60: {  	_ =	shalt  }
0x61: {  	_ =	shalt  }
0x62: {  	_ =	shalt  }
0x63: {  	_ =	shalt  }
0x64: {  	_ =	shalt  }
0x65: {  	_ =	shalt  }
0x66: {  	_ =	shalt  }
0x67: {  	_ =	shalt  }
0x68: {  	_ =	shalt  }
0x69: {  	_ =	shalt  }
0x6a: {  	_ =	shalt  }
0x6b: {  	_ =	shalt  }
0x6c: {  	_ =	shalt  }
0x6d: {  	_ =	shalt  }
0x6e: {  	_ =	shalt  }
0x6f: {  	_ =	shalt  }
0x70: {  	_ =	shalt  }
0x71: {  	_ =	shalt  }
0x72: {  	_ =	shalt  }
0x73: {  	_ =	shalt  }
0x74: {  	_ =	shalt  }
0x75: {  	_ =	shalt  }
0x76: {  	_ =	shalt  }
0x77: {  	_ =	shalt  }
0x78: {  	_ =	shalt  }
0x79: {  	_ =	shalt  }
0x7a: {  	_ =	shalt  }
0x7b: {  	_ =	shalt  }
0x7c: {  	_ =	shalt  }
0x7d: {  	_ =	shalt  }
0x7e: {  	_ =	shalt  }
0x7f: {  	_ =	shalt  }
0x80: {  	_ =	shalt  }
0x81: {  	_ =	shalt  }
0x82: {  	_ =	shalt  }
0x83: {  	_ =	shalt  }
0x84: {  	_ =	shalt  }
0x85: {  	_ =	shalt  }
0x86: {  	_ =	shalt  }
0x87: {  	_ =	shalt  }
.Lfunc_end0:
.L_simem_size_0:
called_computation_lowered:
.L_overlay_start_0:
0x88: {  	s2 =	sld [smem:$0x3FD9]  }
0x89: {  	s3 =	sld [smem:$0x3FFE];
	_ =	sdelay $0x1  }
0x8a: {  	s1 =	srdreg.scid  }
0x8b: {  	s0 =	sand.u32 $0x1, s1  }
0x8c: {  	s16 =	sshll.u32 s0, $0xA;
	s2 =	sadd.s32 s3, s2  }
0x8d: {  	s2 =	sadd.s32 s2, s16  }
0x8e: {  	[smem:$0x3FAD] =	sst s2  }
0x8f: {  	_ = 	snop  }
0x90: {  	(tm) =	ssettm $0x1  }
0x91: {  	s17 =	sld [smem:$0x3FFB];
	_ =	sdelay $0x3  }
0x92: {  	_ =	strace s17  }
0x93: {  	s2 =	sld [smem:$0x3FFC];
	_ =	sdelay $0x3  }
0x94: {  	_ =	strace s2  }
0x95: {  	s2 =	sld [smem:$0x3FFD];
	_ =	sdelay $0x3  }
0x96: {  	_ =	strace s2  }
0x97: {  	_ =	strace $0x8FFFFFFF  }
0x98: {  	s18 =	sld [smem:$0x3FDB];
	_ =	sdelay $0x1  }
0x99: {  	s19 =	simm.s32 $_scs_section_size  }
0x9a: {  	s4 =	simm.s32 $_size__tile_overlayer_lowered;
	s5 =	simm.s32 $_tile_overlayer_lowered  }
0x9b: {  	s22 =	simm.s32 $0x1BFF;
	s21 =	sshll.u32 s5, $0x1;
	s2 =	sadd.s32 s19, s18  }
0x9c: {  	s6 =	simm.s32 $0x0;
	s20 =	sshll.u32 s4, $0x1;
	s4 =	sadd.s32 s21, s2  }
0x9d: {  	[timem:s6], [sflag:s22] =	dma.local [hbm:s4], s20  }
0x9e: {  	_ =	swait.ge [sflag:s22], s20  }
0x9f: {  	s3 =	ssub.s32 $0x0, s20;
	[sflag:s22] =	ssyncset.done $0x0  }
0xa0: {  	[sflag:s22] =	ssyncadd.s32 s3;
	_ =	sdelay $0x1  }
0xa1: {  	s23 =	simm.s32 $0x1B8B  }
0xa2: {  	_ =	swait.ge [sflag:s23], $0x1  }
0xa3: {  	[sflag:s23] =	ssyncset.done $0x0  }
0xa4: {  	s25 =	simm.s32 $0x1B8E;
	s24 =	sld [smem:$0x3FFE];
	[sflag:s23] =	ssyncadd.s32 $0xFFFFFFFF  }
0xa5: {  	s26 =	simm.s32 $execute0_lowered;
	[smem:$0x3FD2] =	sst s25  }
0xa6: {  	s4 =	sshll.u32 s26, $0x1;
	_ =	strace $0x80000049;
	[dreg:$0x1] =	wrdreg $0xFFFFFFFF  }
0xa7: {  	s28 =	simm.s32 $_size_execute0_lowered;
	s2 =	sadd.s32 s2, s4;
	[dreg:$0x0] =	wrdreg $0x0  }
0xa8: {  	s4 =	sshll.u32 s28, $0x1;
	[dreg:$0x2] =	wrdreg s2  }
0xa9: {  	[dreg:$0x3] =	wrdreg s4  }
0xaa: {  	[dreg:$0x4] =	wrdreg $0xC0  }
0xab: {  	_ =	task [dreg:s6], $0x5FFFF  }
0xac: {  	[dreg:$0x1] =	wrdreg $0xFFFFFFFF  }
0xad: {  	[dreg:$0x0] =	wrdreg $0x60  }
0xae: {  	[dreg:$0x2] =	wrdreg s24  }
0xaf: {  	[dreg:$0x3] =	wrdreg $0x0  }
0xb0: {  	[dreg:$0x4] =	wrdreg $0x9  }
0xb1: {  	_ =	task.clear_ibuf [dreg:s6], $0x5FFFF;
	_ =	strace $0x90000049  }
0xb2: {  	s29 =	simm.s32 $0x9;
	_ =	strace $0x8000004B  }
0xb3: {  	_ =	swait.ge [sflag:s29], $0x1  }
0xb4: {  	[sflag:s29] =	ssyncadd.s32 $0xFFFFFFFF  }
0xb5: {  	_ =	strace $0x9000004B  }
0xb6: {  	_ =	sfence  }
0xb7: {  	s30 =	sld [smem:$0x0];
	_ =	sdelay $0x2  }
0xb8: {  	s31 =	sshll.u32 s1, $0xD;
	s1 =	sshrl.u32 s1, $0x2  }
0xb9: {  	s3 =	sand.u32 $0x4000, s31;
	s1 =	sadd.s32 s1, s30  }
0xba: {  	s0 =	sor.u32 s3, s0;
	s1 =	sshll.u32 s1, $0x11  }
0xbb: {  	s0 =	sor.u32 s1, s0  }
0xbc: {  	s0 =	sadd.s32 $0x8F2B, s0  }
0xbd: {  	[sflag:s0] =	ssyncadd.remote.s32 $0x1  }
0xbe: {  	_ =	sfence.sel $0xFFFF  }
0xbf: {  	[dreg:$0x0] =	wrdreg $0xFFFFFFFF;
	(pc) =	sbr.abs _section_cstart, $3  }
0xc0: {  	[dreg:$0x1] =	wrdreg $0xFFFFFFFF  }
0xc1: {  	_ =	task.clear_ibuf [dreg:s6], $0x2FFFF;
	_ =	strace $0x9FFFFFFF  }
0xc2: {  	(tm) =	ssettm $0x7FFFFFFF  }
0xc3: {  	_ =	shalt  }
tec
execute0_lowered:
.L_overlay_start_1:
0x0: {  	(tag) =	ssettag $0x1  }
0x1: {  	s0 =	rddreg [dreg:$0x0]  }
0x2: {  	s2 =	rddreg [dreg:$0x1];
	s3 =	simm.s32 $0x0;
	s12 =	stileid.u32  }
0x3: {  	s1 =	srdreg.scid;
	s28 =	simm.s32 $0x16080;
	s29 =	simm.s32 $0x18DD0  }
0x4: {  	s31 =	simm.s32 $0x50;
	[smem:$0x7FF] =	sst s3;
	s8 =	smul.u32 $0x15F90, s12  }
0x5: {  	s30 =	simm.s32 $0x1;
	s4 =	sadd.s32 $0x278C00, s0;
	s5 =	sadd.s32 $0x31F200, s0  }
0x6: {  	s1 =	sand.u32 $0x1, s1;
	s6 =	sadd.s32 $0x2F3200, s0;
	s7 =	sadd.s32 $0x2B8A00, s0  }
0x7: {  	s13 =	smul.u32 $0x5820, s12;
	s18 =	sshll.u32 s12, $0x6;
	_ =	strace $0x8000004A  }
0x8: {  	s9 =	smul.u32 $0x15F900, s1;
	s11 =	ssub.s32 $0x2, s1;
	s10 =	sshrl.u32 s8, $0x3  }
0x9: {  	s16 =	sshrl.u32 s11, $0x1;
	s14 =	sadd.s32 s8, s2;
	s15 =	sadd.s32 $0x50, s13  }
0xa: {  	s9 =	sadd.s32 s8, s9;
	s10 =	sadd.s32 s10, s0;
	s8 =	smul.u32 $0xB0400, s1  }
0xb: {  	s23 =	smul.u32 $0x12, s15;
	s9 =	sshrl.u32 s9, $0x3;
	s17 =	sadd.s32 $0xC00, s10  }
0xc: {  	s10 =	sor.u32 $0x1C05, s18;
	s18 =	sadd.s32 $0xF0, s13;
	s0 =	sadd.s32 s9, s0  }
0xd: {  	s9 =	ssub.s32 s11, s16;
	[dreg:$0x3] =	wrdreg s17;
	s19 =	sadd.s32 s13, s8  }
0xe: {  	s20 =	sadd.s32 s8, s15;
	s16 =	smul.u32 $0x63240, s12;
	s17 =	sadd.s32 $0xA0, s13  }
0xf: {  	v0 =	vlaneseq.u32;
	s13 =	simm.s32 $0x3;
	s15 =	simm.s32 $0x0;
	s1 =	sshrl.u32 s19, $0x3  }
0x10: {  	v18 =	vmul.u32 $0x90, v0;
	s21 =	sshrl.u32 s20, $0x3;
	s0 =	sadd.s32 $0x2CC00, s0;
	s26 =	smax.u32 s9, $0x1  }
0x11: {  	v0 =	vmul.u32 $0x10, v0;
	s9 =	simm.s32 $0x1BFD0;
	s22 =	sadd.s32 s4, s1;
	[dreg:$0xa] =	wrdreg s0  }
0x12: {  	v1 =	vadd.s32 $0x80, v18;
	s12 =	sadd.s32 s4, s21;
	s24 =	sadd.s32 s5, s16;
	[dreg:$0xb] =	wrdreg s26  }
0x13: {  	v2 =	vadd.s32 $0x81, v18;
	v3 =	vor.u32 $0x1, v0;
	v4 =	vadd.s32 $0x980, v18;
	s1 =	sadd.s32 s5, s23;
	s21 =	sshrl.u32 s14, $0x3;
	[dreg:$0x4] =	wrdreg s22  }
.Ltmp0:
0x14: {  	v5 =	vor.u32 $0x100, v0;
	v6 =	vadd.s32 $0x981, v18;
	v7 =	vor.u32 $0x101, v0;
	s23 =	simm.s32 $0x15F90;
	[dreg:$0x7] =	wrdreg s24;
	(pc) =	sbr.rel .LBB2_1-.Ltmp0, $4  }
0x15: {  	v8 =	vadd.s32 $0x1280, v18;
	v9 =	vor.u32 $0x200, v0;
	v10 =	vadd.s32 $0x1281, v18;
	s26 =	simm.s32 $0x15FE0;
	s0 =	simm.s32 $0x1BAD0;
	[dreg:$0x5] =	wrdreg s12  }
0x16: {  	v11 =	vor.u32 $0x201, v0;
	v12 =	vadd.s32 $0x1B80, v18;
	v13 =	vor.u32 $0x300, v0;
	s14 =	simm.s32 $0x4;
	s11 =	sadd.s32 $0xB040, s22;
	[dreg:$0x9] =	wrdreg s1  }
0x17: {  	v14 =	vadd.s32 $0x1B81, v18;
	v15 =	vor.u32 $0x301, v0;
	v16 =	vadd.s32 $0x2480, v18;
	s25 =	sadd.s32 $0xB040, s12;
	s22 =	simm.s32 $0x5;
	[dreg:$0x6] =	wrdreg s11  }
0x18: {  	v17 =	vor.u32 $0x400, v0;
	v18 =	vadd.s32 $0x2481, v18;
	v19 =	vor.u32 $0x401, v0;
	s1 =	simm.s32 $0x2;
	[dreg:$0x8] =	wrdreg s25;
	s25 =	simm.s32 $0x160D0  }
.LBB2_8:
0x19: {  	[bflag:$0x0] =	sbarrier.arrive $0xFFFF  }
0x1a: {  	s11 =	rddreg [dreg:$0xa]  }
0x1b: {  	[hbm:s11], [sflag:s10] =	dma.local [spmem:s21], $0x2BF2  }
0x1c: {  	_ =	swait.ge [sflag:s22], $0x2BF2  }
0x1d: {  	s15 =	sadd.s32 $0x1, s15;
	s24 =	rddreg [dreg:$0xb]  }
0x1e: {  	p0 =	sne.s32 s15, s24  }
.Ltmp1:
0x1f: {  	_ = 	snop;
	(pc) =	sbr.rel @!p0 .LBB2_9-.Ltmp1, $3  }
0x20: {  	_ =	sdelay $0x1  }
0x21: {  	[sflag:s22] =	ssyncset.done $0x0  }
0x22: {  	[sflag:s22] =	ssyncadd.s32 $0xFFFFD40E  }
.LBB2_1:
0x23: {  	s11 =	rddreg [dreg:$0x3]  }
0x24: {  	[spmem:s21], [sflag:s10] =	dma.local [hbm:s11], $0x2BF2  }
0x25: {  	_ =	swait.ge [sflag:s22], $0x2BF2  }
0x26: {  	[sflag:s22] =	ssyncset.done $0x0  }
0x27: {  	[sflag:s22] =	ssyncadd.s32 $0xFFFFD40E  }
0x28: {  	[bflag:$0x0] =	sbarrier.arrive $0xFFFF  }
0x29: {  	s20 =	rddreg [dreg:$0x4]  }
0x2a: {  	[tilespmem:s23], [sflag:$0x1] =	stream.linear.gather [hbm4b:s20+s3], $0x50, $0x38;
	[tilespmem:$0x1C4D0] =	vst v63  }
0x2b: {  	s12 =	simm.s32 $0x16030;
	s24 =	rddreg [dreg:$0x6]  }
0x2c: {  	[tilespmem:s12], [sflag:$0x1] =	stream.linear.gather [hbm4b:s24+s3], $0x50, $0x38;
	[tilespmem:$0x1C4D0] =	vst v63  }
0x2d: {  	s16 =	rddreg [dreg:$0x7]  }
0x2e: {  	[tilespmem:s25], [sflag:$0x1] =	stream.linear.gather [hbm4b:s16+s3], $0x2D00, $0x38;
	[tilespmem:$0x1C4D0] =	vst v63  }
0x2f: {  	s19 =	rddreg [dreg:$0x5]  }
0x30: {  	[tilespmem:s26], [sflag:$0x2] =	stream.linear.gather [hbm4b:s19+s3], $0x50, $0x38;
	[tilespmem:$0x1C4D0] =	vst v63  }
0x31: {  	s20 =	rddreg [dreg:$0x8]  }
0x32: {  	[tilespmem:s28], [sflag:$0x2] =	stream.linear.gather [hbm4b:s20+s3], $0x50, $0x38;
	[tilespmem:$0x1C4D0] =	vst v63  }
0x33: {  	s24 =	rddreg [dreg:$0x9]  }
0x34: {  	[tilespmem:s29], [sflag:$0x2] =	stream.linear.gather [hbm4b:s24+s3], $0x2D00, $0x38;
	[tilespmem:$0x1C4D0] =	vst v63  }
0x35: {  	_ =	swait.ge [sflag:s30], $0x50  }
0x36: {  	[sflag:s30] =	ssyncset.done $0x0  }
0x37: {  	[sflag:s30] =	ssyncadd.s32 $0xFFFFFFB0  }
0x38: {  	_ =	swait.ge [sflag:s30], $0x50  }
0x39: {  	[sflag:s30] =	ssyncset.done $0x0  }
0x3a: {  	[sflag:s30] =	ssyncadd.s32 $0xFFFFFFB0  }
0x3b: {  	_ =	swait.ge [sflag:s30], $0x2D00  }
0x3c: {  	[sflag:s30] =	ssyncset.done $0x0  }
0x3d: {  	[sflag:s30] =	ssyncadd.s32 $0xFFFFD300  }
0x3e: {  	[tilespmem:s25], [sflag:$0x3] =	stream.indirect.gather.add.f32 [hbm:s6], $0x90, s12, s31, $0xb8;
	[tilespmem:$0x1C4D0] =	vst v63  }
0x3f: {  	s16 =	simm.s32 $0x0  }
0x40: {  	[tilespmem:s0], [sflag:$0x3] =	stream.indirect.gather [hbm4b:s7+s31], $0x10, s23, s31, $0xb8;
	[tilespmem:$0x1C4D0] =	vst v63  }
.LBB2_2:
0x41: {  	_ =	swait.ge [sflag:s1], $0x50  }
0x42: {  	[sflag:s1] =	ssyncset.done $0x0  }
0x43: {  	[sflag:s1] =	ssyncadd.s32 $0xFFFFFFB0  }
0x44: {  	_ =	swait.ge [sflag:s1], $0x50  }
0x45: {  	[sflag:s1] =	ssyncset.done $0x0  }
0x46: {  	[sflag:s1] =	ssyncadd.s32 $0xFFFFFFB0  }
0x47: {  	_ =	swait.ge [sflag:s1], $0x2D00  }
0x48: {  	[sflag:s1] =	ssyncset.done $0x0  }
0x49: {  	[sflag:s1] =	ssyncadd.s32 $0xFFFFD300  }
0x4a: {  	[tilespmem:s29], [sflag:$0x4] =	stream.indirect.gather.add.f32 [hbm:s6], $0x90, s28, s31, $0xb8;
	[tilespmem:$0x1C4D0] =	vst v63  }
0x4b: {  	_ = 	snop  }
0x4c: {  	[tilespmem:s9], [sflag:$0x4] =	stream.indirect.gather [hbm4b:s7+s31], $0x10, s26, s31, $0xb8;
	[tilespmem:$0x1C4D0] =	vst v63  }
0x4d: {  	_ =	swait.ge [sflag:s13], $0x2D00  }
0x4e: {  	[sflag:s13] =	ssyncset.done $0x0  }
0x4f: {  	[sflag:s13] =	ssyncadd.s32 $0xFFFFD300  }
0x50: {  	_ =	swait.ge [sflag:s13], $0x500  }
0x51: {  	[sflag:s13] =	ssyncset.done $0x0  }
0x52: {  	[sflag:s13] =	ssyncadd.s32 $0xFFFFFB00  }
0x53: {  	v20 =	vld.idx.msk [tilespmem:v1+s25+$0x0], $0xffff  }
0x54: {  	v21 =	vld.idx.msk [tilespmem:v0+s0+$0x0], $0xffff  }
0x55: {  	v22 =	vld.idx.msk [tilespmem:v2+s25+$0x0], $0xffff  }
0x56: {  	v23 =	vld.idx.msk [tilespmem:v3+s0+$0x0], $0xffff;
	_ =	sdelay $0x3  }
0x57: {  	v20 =	vadd.f32 v21, v20  }
0x58: {  	v21 =	vadd.f32 v23, v22  }
0x59: {  	v22 =	vmul.f32 $2.000000030e-01, v20  }
0x5a: {  	vm0 =	vgt.f32 v20, $0.0e+00;
	v23 =	vmul.f32 $2.000000030e-01, v21  }
0x5b: {  	vm7 =	vgt.f32 v21, $0.0e+00;
	v20 =	vsel vm0, v20, v22  }
0x5c: {  	v21 =	vsel vm7, v21, v23;
	v20 =	vsub.f32 $0.0e+00, v20  }
0x5d: {  	v21 =	vsub.f32 $0.0e+00, v21  }
0x5e: {  	v20 =	vmul.f32 $1.442695020e+00, v20  }
0x5f: {  	v21 =	vmul.f32 $1.442695020e+00, v21  }
0x60: {  	(erf) = vpow2.f32 v20  }
0x61: {  	(erf) = vpow2.f32 v21;
	_ =	sdelay $0x7  }
0x62: {  	v20 =	vpop (erf)  }
0x63: {  	v21 =	vpop (erf);
	[tilespmem:v1+s25+$0x0] =	vst.idx.msk $0xffff, v20  }
0x64: {  	[tilespmem:v2+s25+$0x0] =	vst.idx.msk $0xffff, v21  }
0x65: {  	v20 =	vld.idx.msk [tilespmem:v4+s25+$0x0], $0xffff  }
0x66: {  	v21 =	vld.idx.msk [tilespmem:v5+s0+$0x0], $0xffff  }
0x67: {  	v22 =	vld.idx.msk [tilespmem:v6+s25+$0x0], $0xffff  }
0x68: {  	v23 =	vld.idx.msk [tilespmem:v7+s0+$0x0], $0xffff;
	_ =	sdelay $0x3  }
0x69: {  	v20 =	vadd.f32 v21, v20  }
0x6a: {  	v21 =	vadd.f32 v23, v22  }
0x6b: {  	v22 =	vmul.f32 $2.000000030e-01, v20  }
0x6c: {  	vm8 =	vgt.f32 v20, $0.0e+00;
	v23 =	vmul.f32 $2.000000030e-01, v21  }
0x6d: {  	vm9 =	vgt.f32 v21, $0.0e+00;
	v20 =	vsel vm8, v20, v22  }
0x6e: {  	v21 =	vsel vm9, v21, v23;
	v20 =	vsub.f32 $0.0e+00, v20  }
0x6f: {  	v21 =	vsub.f32 $0.0e+00, v21  }
0x70: {  	v20 =	vmul.f32 $1.442695020e+00, v20  }
0x71: {  	v21 =	vmul.f32 $1.442695020e+00, v21  }
0x72: {  	(erf) = vpow2.f32 v20  }
0x73: {  	(erf) = vpow2.f32 v21;
	_ =	sdelay $0x7  }
0x74: {  	v20 =	vpop (erf)  }
0x75: {  	v21 =	vpop (erf);
	[tilespmem:v4+s25+$0x0] =	vst.idx.msk $0xffff, v20  }
0x76: {  	[tilespmem:v6+s25+$0x0] =	vst.idx.msk $0xffff, v21  }
0x77: {  	v20 =	vld.idx.msk [tilespmem:v8+s25+$0x0], $0xffff  }
0x78: {  	v21 =	vld.idx.msk [tilespmem:v9+s0+$0x0], $0xffff  }
0x79: {  	v22 =	vld.idx.msk [tilespmem:v10+s25+$0x0], $0xffff  }
0x7a: {  	v23 =	vld.idx.msk [tilespmem:v11+s0+$0x0], $0xffff;
	_ =	sdelay $0x3  }
0x7b: {  	v20 =	vadd.f32 v21, v20  }
0x7c: {  	v21 =	vadd.f32 v23, v22  }
0x7d: {  	v22 =	vmul.f32 $2.000000030e-01, v20  }
0x7e: {  	vm10 =	vgt.f32 v20, $0.0e+00;
	v23 =	vmul.f32 $2.000000030e-01, v21  }
0x7f: {  	vm11 =	vgt.f32 v21, $0.0e+00;
	v20 =	vsel vm10, v20, v22  }
0x80: {  	v21 =	vsel vm11, v21, v23;
	v20 =	vsub.f32 $0.0e+00, v20  }
0x81: {  	v21 =	vsub.f32 $0.0e+00, v21  }
0x82: {  	v20 =	vmul.f32 $1.442695020e+00, v20  }
0x83: {  	v21 =	vmul.f32 $1.442695020e+00, v21  }
0x84: {  	(erf) = vpow2.f32 v20  }
0x85: {  	(erf) = vpow2.f32 v21;
	_ =	sdelay $0x7  }
0x86: {  	v20 =	vpop (erf)  }
0x87: {  	v21 =	vpop (erf);
	[tilespmem:v8+s25+$0x0] =	vst.idx.msk $0xffff, v20  }
0x88: {  	[tilespmem:v10+s25+$0x0] =	vst.idx.msk $0xffff, v21  }
0x89: {  	v20 =	vld.idx.msk [tilespmem:v12+s25+$0x0], $0xffff  }
0x8a: {  	v21 =	vld.idx.msk [tilespmem:v13+s0+$0x0], $0xffff  }
0x8b: {  	v22 =	vld.idx.msk [tilespmem:v14+s25+$0x0], $0xffff  }
0x8c: {  	v23 =	vld.idx.msk [tilespmem:v15+s0+$0x0], $0xffff;
	_ =	sdelay $0x3  }
0x8d: {  	v20 =	vadd.f32 v21, v20  }
0x8e: {  	v21 =	vadd.f32 v23, v22  }
0x8f: {  	v22 =	vmul.f32 $2.000000030e-01, v20  }
0x90: {  	vm12 =	vgt.f32 v20, $0.0e+00;
	v23 =	vmul.f32 $2.000000030e-01, v21  }
0x91: {  	vm13 =	vgt.f32 v21, $0.0e+00;
	v20 =	vsel vm12, v20, v22  }
0x92: {  	v21 =	vsel vm13, v21, v23;
	v20 =	vsub.f32 $0.0e+00, v20  }
0x93: {  	v21 =	vsub.f32 $0.0e+00, v21  }
0x94: {  	v20 =	vmul.f32 $1.442695020e+00, v20  }
0x95: {  	v21 =	vmul.f32 $1.442695020e+00, v21  }
0x96: {  	(erf) = vpow2.f32 v20  }
0x97: {  	(erf) = vpow2.f32 v21;
	_ =	sdelay $0x7  }
0x98: {  	v20 =	vpop (erf)  }
0x99: {  	v21 =	vpop (erf);
	[tilespmem:v12+s25+$0x0] =	vst.idx.msk $0xffff, v20  }
0x9a: {  	[tilespmem:v14+s25+$0x0] =	vst.idx.msk $0xffff, v21  }
0x9b: {  	v20 =	vld.idx.msk [tilespmem:v16+s25+$0x0], $0xffff  }
0x9c: {  	v21 =	vld.idx.msk [tilespmem:v17+s0+$0x0], $0xffff  }
0x9d: {  	v22 =	vld.idx.msk [tilespmem:v18+s25+$0x0], $0xffff  }
0x9e: {  	v23 =	vld.idx.msk [tilespmem:v19+s0+$0x0], $0xffff;
	_ =	sdelay $0x3  }
0x9f: {  	v20 =	vadd.f32 v21, v20  }
0xa0: {  	v21 =	vadd.f32 v23, v22  }
0xa1: {  	v22 =	vmul.f32 $2.000000030e-01, v20  }
0xa2: {  	vm14 =	vgt.f32 v20, $0.0e+00;
	v23 =	vmul.f32 $2.000000030e-01, v21  }
0xa3: {  	vm15 =	vgt.f32 v21, $0.0e+00;
	v20 =	vsel vm14, v20, v22  }
0xa4: {  	v21 =	vsel vm15, v21, v23;
	v20 =	vsub.f32 $0.0e+00, v20  }
0xa5: {  	v21 =	vsub.f32 $0.0e+00, v21  }
0xa6: {  	v20 =	vmul.f32 $1.442695020e+00, v20  }
0xa7: {  	v21 =	vmul.f32 $1.442695020e+00, v21  }
0xa8: {  	(erf) = vpow2.f32 v20  }
0xa9: {  	(erf) = vpow2.f32 v21;
	_ =	sdelay $0x1  }
0xaa: {  	s19 =	simm.s32 $0x0  }
0xab: {  	v20 =	vmov s19  }
0xac: {  	v20 =	vmul.u32 $0x90, v20;
	_ =	sdelay $0x1  }
0xad: {  	v20 =	vadd.s32 $0x80, v20  }
0xae: {  	v20 =	vbroadcast v20, $0x0  }
0xaf: {  	v21 =	vpop (erf)  }
0xb0: {  	v22 =	vpop (erf);
	[tilespmem:v16+s25+$0x0] =	vst.idx.msk $0xffff, v21  }
0xb1: {  	s24 =	simm.s32 $0x16110;
	v21 =	vor.u32 $0x1, v20;
	[tilespmem:v18+s25+$0x0] =	vst.idx.msk $0xffff, v22  }
0xb2: {  	v22 =	vld [tilespmem:s24+$0xFFFFFFF0]  }
0xb3: {  	v23 =	vld [tilespmem:s24+$0xFFFFFFC0]  }
0xb4: {  	v29 =	vld.idx.msk [tilespmem:v20+s25+$0x0], $0xffff  }
0xb5: {  	v25 =	vld [tilespmem:s24+$0x0]  }
0xb6: {  	v20 =	vld.idx.msk [tilespmem:v21+s25+$0x0], $0xffff  }
0xb7: {  	v26 =	vld [tilespmem:s24+$0xFFFFFFE0]  }
0xb8: {  	v24 =	vld [tilespmem:s24+$0xFFFFFFD0]  }
0xb9: {  	v30 =	vld [tilespmem:s24+$0x20]  }
0xba: {  	v21 =	vld [tilespmem:s24+$0x30]  }
0xbb: {  	v31 =	vmul.f32 v23, v29;
	v23 =	vmul.f32 v25, v20;
	v25 =	vld [tilespmem:s24+$0x10]  }
0xbc: {  	s20 =	simm.s32 $0x1  }
0xbd: {  	v28 =	vmov s20;
	v24 =	vmul.f32 v24, v29;
	v27 =	vmul.f32 v22, v29  }
0xbe: {  	s20 =	simm.s32 $0x16110;
	v28 =	vmul.u32 $0x90, v28;
	s19 =	simm.s32 $0x2;
	v26 =	vmul.f32 v26, v29;
	[tilespmem:s24+$0xFFFFFFC0] =	vst v31;
	v22 =	vmul.f32 v30, v20  }
.LBB2_3:
0xbf: {  	p0 =	sne.s32 s19, $0x4F  }
0xc0: {  	v28 =	vadd.s32 $0x80, v28;
	[tilespmem:s24+$0xFFFFFFF0] =	vst v27;
	v25 =	vmul.f32 v25, v20;
	v20 =	vmul.f32 v21, v20;
	s20 =	sadd.s32 $0x90, s20;
	s11 =	smov.u32 s19;
	s19 =	sadd.s32 $0x1, s19  }
0xc1: {  	v27 =	vbroadcast v28, $0x0;
	[tilespmem:s24+$0xFFFFFFD0] =	vst v24  }
0xc2: {  	v29 =	vld [tilespmem:s20+$0xFFFFFFF0];
	[tilespmem:s24+$0xFFFFFFE0] =	vst v26  }
0xc3: {  	v24 =	vor.u32 $0x1, v27;
	v26 =	vld [tilespmem:s20+$0xFFFFFFC0];
	[tilespmem:s24+$0x0] =	vst v23  }
0xc4: {  	v30 =	vld [tilespmem:s20+$0xFFFFFFE0];
	[tilespmem:s24+$0x30] =	vst v20  }
0xc5: {  	v21 =	vld [tilespmem:s20+$0x30];
	[tilespmem:s24+$0x10] =	vst v25  }
0xc6: {  	v23 =	vld [tilespmem:s20+$0xFFFFFFD0];
	[tilespmem:s24+$0x20] =	vst v22;
	s24 =	smov.u32 s20  }
0xc7: {  	v22 =	vld.idx.msk [tilespmem:v27+s25+$0x0], $0xffff  }
0xc8: {  	v20 =	vld.idx.msk [tilespmem:v24+s25+$0x0], $0xffff  }
0xc9: {  	v31 =	vld [tilespmem:s20+$0x0]  }
0xca: {  	v32 =	vld [tilespmem:s20+$0x20]  }
.Ltmp2:
0xcb: {  	v25 =	vld [tilespmem:s20+$0x10];
	(pc) =	sbr.rel @p0 .LBB2_3-.Ltmp2, $4  }
0xcc: {  	_ = 	snop  }
0xcd: {  	v27 =	vmov s11;
	v26 =	vmul.f32 v26, v22;
	v24 =	vmul.f32 v23, v22  }
0xce: {  	v28 =	vmul.u32 $0x90, v27;
	v27 =	vmul.f32 v29, v22;
	v23 =	vmul.f32 v31, v20  }
0xcf: {  	[tilespmem:s20+$0xFFFFFFC0] =	vst v26;
	v26 =	vmul.f32 v30, v22;
	v22 =	vmul.f32 v32, v20  }
0xd0: {  	[tilespmem:s24+$0xFFFFFFD0] =	vst v24;
	v24 =	vadd.s32 $0x80, v28  }
0xd1: {  	[tilespmem:s24+$0xFFFFFFF0] =	vst v27;
	s11 =	sadd.s32 $0x90, s20;
	v24 =	vbroadcast v24, $0x0  }
0xd2: {  	v21 =	vmul.f32 v21, v20;
	v27 =	vld [tilespmem:s11+$0xFFFFFFF0];
	[tilespmem:s24+$0xFFFFFFE0] =	vst v26  }
0xd3: {  	v20 =	vmul.f32 v25, v20;
	[tilespmem:s24+$0x0] =	vst v23  }
0xd4: {  	v23 =	vld [tilespmem:s11+$0xFFFFFFE0];
	[tilespmem:s24+$0x30] =	vst v21  }
0xd5: {  	v21 =	vld [tilespmem:s11+$0x30];
	v25 =	vor.u32 $0x1, v24;
	[tilespmem:s24+$0x10] =	vst v20  }
0xd6: {  	v20 =	vld [tilespmem:s11+$0xFFFFFFC0];
	[tilespmem:s24+$0x20] =	vst v22  }
0xd7: {  	v22 =	vld.idx.msk [tilespmem:v24+s25+$0x0], $0xffff;
	_ =	sdelay $0x1  }
0xd8: {  	v24 =	vld [tilespmem:s11+$0xFFFFFFD0]  }
0xd9: {  	v25 =	vld.idx.msk [tilespmem:v25+s25+$0x0], $0xffff;
	_ =	sdelay $0x1  }
0xda: {  	v26 =	vld [tilespmem:s11+$0x0];
	v20 =	vmul.f32 v20, v22  }
0xdb: {  	v28 =	vld [tilespmem:s11+$0x10];
	v27 =	vmul.f32 v27, v22  }
0xdc: {  	v29 =	vld [tilespmem:s11+$0x20];
	v24 =	vmul.f32 v24, v22;
	[tilespmem:s11+$0xFFFFFFC0] =	vst v20  }
0xdd: {  	v21 =	vmul.f32 v21, v25;
	[tilespmem:s11+$0xFFFFFFF0] =	vst v27  }
0xde: {  	v20 =	vmul.f32 v23, v22;
	[tilespmem:s11+$0xFFFFFFD0] =	vst v24  }
0xdf: {  	v22 =	vmul.f32 v26, v25;
	[tilespmem:s11+$0x30] =	vst v21  }
0xe0: {  	[tilespmem:s11+$0xFFFFFFE0] =	vst v20;
	v20 =	vmul.f32 v28, v25  }
0xe1: {  	[tilespmem:s11+$0x0] =	vst v22;
	v22 =	vmul.f32 v29, v25  }
0xe2: {  	p0 =	seq.s32 s16, $0x8C;
	[tilespmem:s11+$0x10] =	vst v20  }
0xe3: {  	[tilespmem:s11+$0x20] =	vst v22;
	s11 =	smul.u32 @!p0 $0xA0, s16  }
0xe4: {  	[spmem:s2] =	stream.indirect.scatter.add.f32 [tilespmem:s25], [sflag:$0x5], $0x90, s23, s31, $0xb8;
	[tilespmem:$0x1C4D0] =	vst v63  }
0xe5: {  	s11 =	sadd.s32 @!p0 s11, s17  }
0xe6: {  	_ =	swait.ge [sflag:s22], $0x2D00;
	s19 =	sadd.s32 @!p0 s8, s11  }
0xe7: {  	s20 =	simm.s32 @!p0 $0x0;
	[sflag:s22] =	ssyncset.done $0x0;
	s19 =	sshrl.u32 @!p0 s19, $0x3  }
0xe8: {  	s24 =	simm.s32 @!p0 $0x15F90;
	[sflag:s22] =	ssyncadd.s32 $0xFFFFD300;
	s19 =	sadd.s32 @!p0 s4, s19  }
0xe9: {  	[tilespmem:s24], [sflag:$0x1] =	stream.linear.gather @!p0 [hbm4b:s19+s20], $0x50, $0x38;
	[tilespmem:$0x1C4D0] =	vst v63  }
0xea: {  	s12 =	simm.s32 @!p0 $0x16030;
	s11 =	smul.u32 @!p0 $0x12, s11;
	s19 =	sadd.s32 @!p0 $0xB040, s19  }
0xeb: {  	[tilespmem:s12], [sflag:$0x1] =	stream.linear.gather @!p0 [hbm4b:s19+s20], $0x50, $0x38;
	[tilespmem:$0x1C4D0] =	vst v63  }
0xec: {  	s11 =	sadd.s32 @!p0 s5, s11;
	s19 =	simm.s32 @!p0 $0x160D0  }
0xed: {  	[tilespmem:s19], [sflag:$0x1] =	stream.linear.gather @!p0 [hbm4b:s11+s20], $0x2D00, $0x38;
	[tilespmem:$0x1C4D0] =	vst v63  }
0xee: {  	s11 =	simm.s32 @!p0 $0x1  }
0xef: {  	_ =	swait.ge @!p0 [sflag:s11], $0x50  }
0xf0: {  	[sflag:s11] =	ssyncset.done @!p0 $0x0  }
0xf1: {  	[sflag:s11] =	ssyncadd.s32 @!p0 $0xFFFFFFB0  }
0xf2: {  	_ =	swait.ge @!p0 [sflag:s11], $0x50  }
0xf3: {  	[sflag:s11] =	ssyncset.done @!p0 $0x0  }
0xf4: {  	[sflag:s11] =	ssyncadd.s32 @!p0 $0xFFFFFFB0  }
0xf5: {  	_ =	swait.ge @!p0 [sflag:s11], $0x2D00  }
0xf6: {  	[sflag:s11] =	ssyncset.done @!p0 $0x0  }
0xf7: {  	[sflag:s11] =	ssyncadd.s32 @!p0 $0xFFFFD300;
	s11 =	simm.s32 @!p0 $0x50  }
0xf8: {  	[tilespmem:s19], [sflag:$0x3] =	stream.indirect.gather.add.f32 @!p0 [hbm:s6], $0x90, s12, s11, $0xb8;
	[tilespmem:$0x1C4D0] =	vst v63  }
0xf9: {  	s12 =	simm.s32 @!p0 $0x1BAD0  }
0xfa: {  	[tilespmem:s12], [sflag:$0x3] =	stream.indirect.gather @!p0 [hbm4b:s7+s11], $0x10, s24, s11, $0xb8;
	[tilespmem:$0x1C4D0] =	vst v63  }
0xfb: {  	_ =	swait.ge [sflag:s14], $0x2D00  }
0xfc: {  	[sflag:s14] =	ssyncset.done $0x0  }
0xfd: {  	[sflag:s14] =	ssyncadd.s32 $0xFFFFD300  }
0xfe: {  	_ =	swait.ge [sflag:s14], $0x500  }
0xff: {  	[sflag:s14] =	ssyncset.done $0x0  }
0x100: {  	[sflag:s14] =	ssyncadd.s32 $0xFFFFFB00  }
0x101: {  	v20 =	vld.idx.msk [tilespmem:v1+s29+$0x0], $0xffff  }
0x102: {  	v21 =	vld.idx.msk [tilespmem:v0+s9+$0x0], $0xffff  }
0x103: {  	v22 =	vld.idx.msk [tilespmem:v2+s29+$0x0], $0xffff  }
0x104: {  	v23 =	vld.idx.msk [tilespmem:v3+s9+$0x0], $0xffff;
	_ =	sdelay $0x3  }
0x105: {  	v20 =	vadd.f32 v21, v20  }
0x106: {  	v21 =	vadd.f32 v23, v22  }
0x107: {  	v22 =	vmul.f32 $2.000000030e-01, v20  }
0x108: {  	vm0 =	vgt.f32 v20, $0.0e+00;
	v23 =	vmul.f32 $2.000000030e-01, v21  }
0x109: {  	vm7 =	vgt.f32 v21, $0.0e+00;
	v20 =	vsel vm0, v20, v22  }
0x10a: {  	v21 =	vsel vm7, v21, v23;
	v20 =	vsub.f32 $0.0e+00, v20  }
0x10b: {  	v21 =	vsub.f32 $0.0e+00, v21  }
0x10c: {  	v20 =	vmul.f32 $1.442695020e+00, v20  }
0x10d: {  	v21 =	vmul.f32 $1.442695020e+00, v21  }
0x10e: {  	(erf) = vpow2.f32 v20  }
0x10f: {  	(erf) = vpow2.f32 v21;
	_ =	sdelay $0x7  }
0x110: {  	v20 =	vpop (erf)  }
0x111: {  	v21 =	vpop (erf);
	[tilespmem:v1+s29+$0x0] =	vst.idx.msk $0xffff, v20  }
0x112: {  	[tilespmem:v2+s29+$0x0] =	vst.idx.msk $0xffff, v21  }
0x113: {  	v20 =	vld.idx.msk [tilespmem:v4+s29+$0x0], $0xffff  }
0x114: {  	v21 =	vld.idx.msk [tilespmem:v5+s9+$0x0], $0xffff  }
0x115: {  	v22 =	vld.idx.msk [tilespmem:v6+s29+$0x0], $0xffff  }
0x116: {  	v23 =	vld.idx.msk [tilespmem:v7+s9+$0x0], $0xffff;
	_ =	sdelay $0x3  }
0x117: {  	v20 =	vadd.f32 v21, v20  }
0x118: {  	v21 =	vadd.f32 v23, v22  }
0x119: {  	v22 =	vmul.f32 $2.000000030e-01, v20  }
0x11a: {  	vm8 =	vgt.f32 v20, $0.0e+00;
	v23 =	vmul.f32 $2.000000030e-01, v21  }
0x11b: {  	vm9 =	vgt.f32 v21, $0.0e+00;
	v20 =	vsel vm8, v20, v22  }
0x11c: {  	v21 =	vsel vm9, v21, v23;
	v20 =	vsub.f32 $0.0e+00, v20  }
0x11d: {  	v21 =	vsub.f32 $0.0e+00, v21  }
0x11e: {  	v20 =	vmul.f32 $1.442695020e+00, v20  }
0x11f: {  	v21 =	vmul.f32 $1.442695020e+00, v21  }
0x120: {  	(erf) = vpow2.f32 v20  }
0x121: {  	(erf) = vpow2.f32 v21;
	_ =	sdelay $0x7  }
0x122: {  	v20 =	vpop (erf)  }
0x123: {  	v21 =	vpop (erf);
	[tilespmem:v4+s29+$0x0] =	vst.idx.msk $0xffff, v20  }
0x124: {  	[tilespmem:v6+s29+$0x0] =	vst.idx.msk $0xffff, v21  }
0x125: {  	v20 =	vld.idx.msk [tilespmem:v8+s29+$0x0], $0xffff  }
0x126: {  	v21 =	vld.idx.msk [tilespmem:v9+s9+$0x0], $0xffff  }
0x127: {  	v22 =	vld.idx.msk [tilespmem:v10+s29+$0x0], $0xffff  }
0x128: {  	v23 =	vld.idx.msk [tilespmem:v11+s9+$0x0], $0xffff;
	_ =	sdelay $0x3  }
0x129: {  	v20 =	vadd.f32 v21, v20  }
0x12a: {  	v21 =	vadd.f32 v23, v22  }
0x12b: {  	v22 =	vmul.f32 $2.000000030e-01, v20  }
0x12c: {  	vm10 =	vgt.f32 v20, $0.0e+00;
	v23 =	vmul.f32 $2.000000030e-01, v21  }
0x12d: {  	vm11 =	vgt.f32 v21, $0.0e+00;
	v20 =	vsel vm10, v20, v22  }
0x12e: {  	v21 =	vsel vm11, v21, v23;
	v20 =	vsub.f32 $0.0e+00, v20  }
0x12f: {  	v21 =	vsub.f32 $0.0e+00, v21  }
0x130: {  	v20 =	vmul.f32 $1.442695020e+00, v20  }
0x131: {  	v21 =	vmul.f32 $1.442695020e+00, v21  }
0x132: {  	(erf) = vpow2.f32 v20  }
0x133: {  	(erf) = vpow2.f32 v21;
	_ =	sdelay $0x7  }
0x134: {  	v20 =	vpop (erf)  }
0x135: {  	v21 =	vpop (erf);
	[tilespmem:v8+s29+$0x0] =	vst.idx.msk $0xffff, v20  }
0x136: {  	[tilespmem:v10+s29+$0x0] =	vst.idx.msk $0xffff, v21  }
0x137: {  	v20 =	vld.idx.msk [tilespmem:v12+s29+$0x0], $0xffff  }
0x138: {  	v21 =	vld.idx.msk [tilespmem:v13+s9+$0x0], $0xffff  }
0x139: {  	v22 =	vld.idx.msk [tilespmem:v14+s29+$0x0], $0xffff  }
0x13a: {  	v23 =	vld.idx.msk [tilespmem:v15+s9+$0x0], $0xffff;
	_ =	sdelay $0x3  }
0x13b: {  	v20 =	vadd.f32 v21, v20  }
0x13c: {  	v21 =	vadd.f32 v23, v22  }
0x13d: {  	v22 =	vmul.f32 $2.000000030e-01, v20  }
0x13e: {  	vm12 =	vgt.f32 v20, $0.0e+00;
	v23 =	vmul.f32 $2.000000030e-01, v21  }
0x13f: {  	vm13 =	vgt.f32 v21, $0.0e+00;
	v20 =	vsel vm12, v20, v22  }
0x140: {  	v21 =	vsel vm13, v21, v23;
	v20 =	vsub.f32 $0.0e+00, v20  }
0x141: {  	v21 =	vsub.f32 $0.0e+00, v21  }
0x142: {  	v20 =	vmul.f32 $1.442695020e+00, v20  }
0x143: {  	v21 =	vmul.f32 $1.442695020e+00, v21  }
0x144: {  	(erf) = vpow2.f32 v20  }
0x145: {  	(erf) = vpow2.f32 v21;
	_ =	sdelay $0x7  }
0x146: {  	v20 =	vpop (erf)  }
0x147: {  	v21 =	vpop (erf);
	[tilespmem:v12+s29+$0x0] =	vst.idx.msk $0xffff, v20  }
0x148: {  	[tilespmem:v14+s29+$0x0] =	vst.idx.msk $0xffff, v21  }
0x149: {  	v20 =	vld.idx.msk [tilespmem:v16+s29+$0x0], $0xffff  }
0x14a: {  	v21 =	vld.idx.msk [tilespmem:v17+s9+$0x0], $0xffff  }
0x14b: {  	v22 =	vld.idx.msk [tilespmem:v18+s29+$0x0], $0xffff  }
0x14c: {  	v23 =	vld.idx.msk [tilespmem:v19+s9+$0x0], $0xffff;
	_ =	sdelay $0x3  }
0x14d: {  	v20 =	vadd.f32 v21, v20  }
0x14e: {  	v21 =	vadd.f32 v23, v22  }
0x14f: {  	v22 =	vmul.f32 $2.000000030e-01, v20  }
0x150: {  	vm14 =	vgt.f32 v20, $0.0e+00;
	v23 =	vmul.f32 $2.000000030e-01, v21  }
0x151: {  	vm15 =	vgt.f32 v21, $0.0e+00;
	v20 =	vsel vm14, v20, v22  }
0x152: {  	v21 =	vsel vm15, v21, v23;
	v20 =	vsub.f32 $0.0e+00, v20  }
0x153: {  	v21 =	vsub.f32 $0.0e+00, v21  }
0x154: {  	v20 =	vmul.f32 $1.442695020e+00, v20  }
0x155: {  	v21 =	vmul.f32 $1.442695020e+00, v21  }
0x156: {  	(erf) = vpow2.f32 v20  }
0x157: {  	(erf) = vpow2.f32 v21;
	_ =	sdelay $0x1  }
0x158: {  	s19 =	simm.s32 $0x0  }
0x159: {  	v20 =	vmov s19  }
0x15a: {  	v20 =	vmul.u32 $0x90, v20;
	_ =	sdelay $0x1  }
0x15b: {  	v20 =	vadd.s32 $0x80, v20  }
0x15c: {  	v20 =	vbroadcast v20, $0x0  }
0x15d: {  	v21 =	vpop (erf)  }
0x15e: {  	v22 =	vpop (erf);
	[tilespmem:v16+s29+$0x0] =	vst.idx.msk $0xffff, v21  }
0x15f: {  	s24 =	simm.s32 $0x18E10;
	v21 =	vor.u32 $0x1, v20;
	[tilespmem:v18+s29+$0x0] =	vst.idx.msk $0xffff, v22  }
0x160: {  	v22 =	vld [tilespmem:s24+$0xFFFFFFF0]  }
0x161: {  	v23 =	vld [tilespmem:s24+$0xFFFFFFC0]  }
0x162: {  	v29 =	vld.idx.msk [tilespmem:v20+s29+$0x0], $0xffff  }
0x163: {  	v25 =	vld [tilespmem:s24+$0x0]  }
0x164: {  	v20 =	vld.idx.msk [tilespmem:v21+s29+$0x0], $0xffff  }
0x165: {  	v26 =	vld [tilespmem:s24+$0xFFFFFFE0]  }
0x166: {  	v24 =	vld [tilespmem:s24+$0xFFFFFFD0]  }
0x167: {  	v30 =	vld [tilespmem:s24+$0x20]  }
0x168: {  	v21 =	vld [tilespmem:s24+$0x30]  }
0x169: {  	v31 =	vmul.f32 v23, v29;
	v23 =	vmul.f32 v25, v20;
	v25 =	vld [tilespmem:s24+$0x10]  }
0x16a: {  	s20 =	simm.s32 $0x1  }
0x16b: {  	v28 =	vmov s20;
	v24 =	vmul.f32 v24, v29;
	v27 =	vmul.f32 v22, v29  }
0x16c: {  	s20 =	simm.s32 $0x18E10;
	v28 =	vmul.u32 $0x90, v28;
	s19 =	simm.s32 $0x2;
	v26 =	vmul.f32 v26, v29;
	[tilespmem:s24+$0xFFFFFFC0] =	vst v31;
	v22 =	vmul.f32 v30, v20  }
.LBB2_5:
0x16d: {  	p1 =	sne.s32 s19, $0x4F  }
0x16e: {  	v28 =	vadd.s32 $0x80, v28;
	[tilespmem:s24+$0xFFFFFFF0] =	vst v27;
	v25 =	vmul.f32 v25, v20;
	v20 =	vmul.f32 v21, v20;
	s20 =	sadd.s32 $0x90, s20;
	s11 =	smov.u32 s19;
	s19 =	sadd.s32 $0x1, s19  }
0x16f: {  	v27 =	vbroadcast v28, $0x0;
	[tilespmem:s24+$0xFFFFFFD0] =	vst v24  }
0x170: {  	v29 =	vld [tilespmem:s20+$0xFFFFFFF0];
	[tilespmem:s24+$0xFFFFFFE0] =	vst v26  }
0x171: {  	v24 =	vor.u32 $0x1, v27;
	v26 =	vld [tilespmem:s20+$0xFFFFFFC0];
	[tilespmem:s24+$0x0] =	vst v23  }
0x172: {  	v30 =	vld [tilespmem:s20+$0xFFFFFFE0];
	[tilespmem:s24+$0x30] =	vst v20  }
0x173: {  	v21 =	vld [tilespmem:s20+$0x30];
	[tilespmem:s24+$0x10] =	vst v25  }
0x174: {  	v23 =	vld [tilespmem:s20+$0xFFFFFFD0];
	[tilespmem:s24+$0x20] =	vst v22;
	s24 =	smov.u32 s20  }
0x175: {  	v22 =	vld.idx.msk [tilespmem:v27+s29+$0x0], $0xffff  }
0x176: {  	v20 =	vld.idx.msk [tilespmem:v24+s29+$0x0], $0xffff  }
0x177: {  	v31 =	vld [tilespmem:s20+$0x0]  }
0x178: {  	v32 =	vld [tilespmem:s20+$0x20]  }
.Ltmp3:
0x179: {  	v25 =	vld [tilespmem:s20+$0x10];
	(pc) =	sbr.rel @p1 .LBB2_5-.Ltmp3, $4  }
0x17a: {  	_ = 	snop  }
0x17b: {  	v27 =	vmov s11;
	v26 =	vmul.f32 v26, v22;
	v24 =	vmul.f32 v23, v22  }
0x17c: {  	v28 =	vmul.u32 $0x90, v27;
	v27 =	vmul.f32 v29, v22;
	v23 =	vmul.f32 v31, v20  }
0x17d: {  	[tilespmem:s20+$0xFFFFFFC0] =	vst v26;
	v26 =	vmul.f32 v30, v22;
	v22 =	vmul.f32 v32, v20  }
0x17e: {  	[tilespmem:s24+$0xFFFFFFF0] =	vst v27;
	v58 =	vadd.s32 $0x80, v28  }
0x17f: {  	s11 =	sadd.s32 $0x90, s20;
	[tilespmem:s24+$0xFFFFFFD0] =	vst v24;
	v24 =	vbroadcast v58, $0x0  }
0x180: {  	v21 =	vmul.f32 v21, v20;
	v27 =	vld [tilespmem:s11+$0xFFFFFFF0];
	[tilespmem:s24+$0xFFFFFFE0] =	vst v26  }
0x181: {  	v20 =	vmul.f32 v25, v20;
	[tilespmem:s24+$0x0] =	vst v23  }
0x182: {  	v23 =	vld [tilespmem:s11+$0xFFFFFFE0];
	[tilespmem:s24+$0x30] =	vst v21  }
0x183: {  	v21 =	vld [tilespmem:s11+$0x30];
	v59 =	vor.u32 $0x1, v24;
	[tilespmem:s24+$0x10] =	vst v20  }
0x184: {  	v20 =	vld [tilespmem:s11+$0xFFFFFFC0];
	[tilespmem:s24+$0x20] =	vst v22  }
0x185: {  	v22 =	vld.idx.msk [tilespmem:v24+s29+$0x0], $0xffff  }
0x186: {  	v60 =	vld [tilespmem:s11+$0xFFFFFFD0]  }
0x187: {  	v26 =	vld [tilespmem:s11+$0x0]  }
0x188: {  	v25 =	vld.idx.msk [tilespmem:v59+s29+$0x0], $0xffff;
	_ =	sdelay $0x1  }
0x189: {  	v20 =	vmul.f32 v20, v22  }
0x18a: {  	v29 =	vld [tilespmem:s11+$0x20];
	v27 =	vmul.f32 v27, v22  }
0x18b: {  	v61 =	vld [tilespmem:s11+$0x10];
	v24 =	vmul.f32 v60, v22;
	[tilespmem:s11+$0xFFFFFFC0] =	vst v20  }
0x18c: {  	v62 =	vmul.f32 v26, v25;
	[tilespmem:s11+$0xFFFFFFF0] =	vst v27  }
0x18d: {  	v21 =	vmul.f32 v21, v25;
	[tilespmem:s11+$0xFFFFFFD0] =	vst v24  }
0x18e: {  	v20 =	vmul.f32 v23, v22;
	[tilespmem:s11+$0x0] =	vst v62  }
0x18f: {  	v63 =	vmul.f32 v29, v25;
	[tilespmem:s11+$0x30] =	vst v21  }
0x190: {  	[tilespmem:s11+$0xFFFFFFE0] =	vst v20;
	v20 =	vmul.f32 v61, v25  }
0x191: {  	[tilespmem:s11+$0x20] =	vst v63  }
.Ltmp4:
0x192: {  	[tilespmem:s11+$0x10] =	vst v20;
	(pc) =	sbr.rel @p0 .LBB2_8-.Ltmp4, $4  }
0x193: {  	[spmem:s2] =	stream.indirect.scatter.add.f32 [tilespmem:s29], [sflag:$0x5], $0x90, s26, s31, $0xb8;
	[tilespmem:$0x1C4D0] =	vst v63  }
0x194: {  	_ =	swait.ge [sflag:s22], $0x2D00  }
0x195: {  	[sflag:s22] =	ssyncset.done $0x0  }
0x196: {  	[sflag:s22] =	ssyncadd.s32 $0xFFFFD300  }
0x197: {  	s11 =	smul.u32 $0xA0, s16;
	_ =	sdelay $0x1  }
0x198: {  	s11 =	sadd.s32 s11, s18  }
0x199: {  	s12 =	sadd.s32 s8, s11  }
0x19a: {  	s12 =	sshrl.u32 s12, $0x3  }
0x19b: {  	s12 =	sadd.s32 s4, s12  }
0x19c: {  	[tilespmem:s26], [sflag:$0x2] =	stream.linear.gather [hbm4b:s12+s3], $0x50, $0x38;
	[tilespmem:$0x1C4D0] =	vst v63  }
.Ltmp5:
0x19d: {  	_ = 	snop;
	(pc) =	sbr.rel .LBB2_2-.Ltmp5, $4  }
0x19e: {  	s11 =	smul.u32 $0x12, s11;
	s12 =	sadd.s32 $0xB040, s12  }
0x19f: {  	[tilespmem:s28], [sflag:$0x2] =	stream.linear.gather [hbm4b:s12+s3], $0x50, $0x38;
	[tilespmem:$0x1C4D0] =	vst v63  }
0x1a0: {  	s16 =	sadd.s32 $0x1, s16;
	s11 =	sadd.s32 s5, s11  }
0x1a1: {  	[tilespmem:s29], [sflag:$0x2] =	stream.linear.gather [hbm4b:s11+s3], $0x2D00, $0x38;
	[tilespmem:$0x1C4D0] =	vst v63  }
.LBB2_9:
0x1a2: {  	_ =	sfence.sel $0x180000  }
0x1a3: {  	[bflag:$0x0] =	sbarrier.arrive $0xFFFF  }
0x1a4: {  	_ =	strace $0x9000004A  }
0x1a5: {  	s0 =	stileid.u32;
	[bflag:$0x2] =	sbarrier.arrive $0xFFFF  }
0x1a6: {  	p0 =	sne.s32 s0, $0x0;
	s0 =	rddreg [dreg:$0x2]  }
0x1a7: {  	s0 =	sadd.s32 @!p0 $0x100000, s0  }
0x1a8: {  	[sflag:s0] =	ssyncadd.tile.s32 @!p0 $0x1;
	_ =	shalt  }
.Lfunc_end2:
_tile_overlayer_lowered:
.L_overlay_start_2:
0x1a9: {  	(tag) =	ssettag $0x2  }
0x1aa: {  	s0 =	rddreg [dreg:$0x0];
	s2 =	stileid.u32  }
0x1ab: {  	s1 =	rddreg [dreg:$0x1];
	p0 =	sne.s32 s2, $0x0  }
0x1ac: {  	s3 =	rddreg [dreg:$0x2];
	[bflag:$0x3] =	sbarrier.arrive $0xFFFF;
	s2 =	simm.s32 @!p0 $0x1C05  }
0x1ad: {  	[timem:s3], [sflag:s2] =	dma.local @!p0 [hbm:s0], s1  }
0x1ae: {  	s0 =	simm.s32 @!p0 $0x5  }
0x1af: {  	_ =	swait.ge @!p0 [sflag:s0], s1  }
0x1b0: {  	s1 =	ssub.s32 @!p0 $0x0, s1;
	[sflag:s0] =	ssyncset.done @!p0 $0x0  }
0x1b1: {  	[sflag:s0] =	ssyncadd.s32 @!p0 s1  }
0x1b2: {  	[bflag:$0x3] =	sbarrier.arrive $0xFFFF  }
0x1b3: {  	_ =	shalt  }

// kernel: kernel.8.cloned.1.call-start
scs
__scs_entry_jumppad:
0x0: {  	(pc) =	sbr.rel $0x88, $3  }
0x1: {  	(tag) =	ssettag $0x0;
	lr =	simm.s32 $0x1  }
0x2: {  	[smem:$0x3F86] =	sst lr;
	_ =	strace $0xD0000000  }
0x3: {  	_ = 	snop  }
0x4: {  	_ = 	snop  }
0x5: {  	_ = 	snop  }
0x6: {  	_ = 	snop  }
0x7: {  	_ = 	snop  }
__scs_overlays_trampoline_lowered:
0x8: {  	[smem:$0x3F95] =	sst s0  }
0x9: {  	[smem:$0x3F96] =	sst s1  }
0xa: {  	[smem:$0x3F97] =	sst s2  }
0xb: {  	[smem:$0x3F98] =	sst s3  }
0xc: {  	[smem:$0x3F99] =	sst s4  }
0xd: {  	[smem:$0x3F9A] =	sst s5  }
0xe: {  	[smem:$0x3F9B] =	sst s6  }
0xf: {  	[smem:$0x3F9C] =	sst s7  }
0x10: {  	[smem:$0x3F9D] =	sst s8  }
0x11: {  	[smem:$0x3F9E] =	sst s9;
	s0 =	simm.s32 @!p0 $0x0  }
0x12: {  	s1 =	sld [smem:$0x3F84];
	s0 =	simm.s32 @p0 $0x1  }
0x13: {  	[smem:$0x3F9F] =	sst s0;
	s0 =	simm.s32 @!p1 $0x0  }
0x14: {  	s2 =	sld [smem:$0x3F83];
	s0 =	simm.s32 @p1 $0x1  }
0x15: {  	[smem:$0x3FA0] =	sst s0;
	s0 =	simm.s32 @!p2 $0x0  }
0x16: {  	s3 =	sld [smem:$0x3FDB];
	s0 =	simm.s32 @p2 $0x1  }
0x17: {  	s4 =	simm.s32 $0x1BF5;
	[smem:$0x3FA2] =	sst s0  }
0x18: {  	s0 =	sld [smem:$0x3F85];
	_ =	swait.ge [sflag:s4], $0x0  }
0x19: {  	s7 =	sld [smem:$0x3F86]  }
0x1a: {  	s8 =	sadd.s32 $0xFFFFE003, lr  }
0x1b: {  	s9 =	sadd.s32 $0xFFFFFEF7, lr;
	s5 =	simm.s32 $0xFFFFFFFF;
	p2 =	slt.u32 s8, $0xFFFFF086  }
0x1c: {  	p1 =	slt.u32 s9, $0xF7A;
	s5 =	simm.s32 @!p2 $0x0  }
0x1d: {  	s5 =	simm.s32 @p1 $0x1;
	p0 =	seq.s32 s7, s2  }
0x1e: {  	s7 =	smul.u32 @!p0 $0xF7A, s2;
	p2 =	seq.s32 @!p0 s5, $0x0  }
0x1f: {  	s9 =	smul.u32 $0xF7A, s1;
	s8 =	simm.s32 @!p0 $0x1BF5;
	p2 =	por !p2, p0  }
0x20: {  	[sflag:s8] =	ssyncset.s32 @!p0 $0xFFFFF086;
	s6 =	sadd.s32 @!p0 s3, s7;
	s7 =	simm.s32 @!p0 $0x108  }
0x21: {  	s3 =	sadd.s32 s3, s9;
	s6 =	sadd.s32 @!p0 $0x88, s6;
	s7 =	simm.s32 @p2 $0x1082  }
0x22: {  	[simem:s7], [sflag:s8] =	dma.local @!p0 [hbm:s6], $0xF7A  }
0x23: {  	s9 =	sor.u32 $0xD0000000, s2;
	s6 =	simm.s32 $0x108;
	_ =	swait.ge @!p0 [sflag:s8], $0x0  }
0x24: {  	s3 =	sadd.s32 $0x88, s3;
	s6 =	simm.s32 @!p1 $0x1082;
	[sflag:s4] =	ssyncset.s32 $0xFFFFF086  }
0x25: {  	[simem:s6], [sflag:s4] =	dma.local [hbm:s3], $0xF7A  }
0x26: {  	[smem:$0x3F86] =	sst s1;
	(tag) =	ssettag s2;
	_ =	strace s9  }
0x27: {  	s1 =	sld [smem:$0x3F96]  }
0x28: {  	s2 =	sld [smem:$0x3F97]  }
0x29: {  	s4 =	sld [smem:$0x3F99]  }
0x2a: {  	p0 =	seq.s32 s5, $0x0;
	s5 =	sld [smem:$0x3F9A]  }
0x2b: {  	s6 =	sld [smem:$0x3F9B]  }
0x2c: {  	s7 =	sld [smem:$0x3F9C]  }
0x2d: {  	s3 =	simm.s32 $0x108;
	s8 =	sld [smem:$0x3F9D]  }
0x2e: {  	s3 =	simm.s32 @!p0 $0x1082;
	s9 =	sld [smem:$0x3F9E]  }
0x2f: {  	lr =	sadd.s32 s0, s3;
	s0 =	sld [smem:$0x3F95]  }
0x30: {  	s3 =	sld [smem:$0x3F98]  }
0x31: {  	[smem:$0x3FA1] =	sst s10  }
0x32: {  	s10 =	sld [smem:$0x3F9F];
	_ =	sdelay $0x3  }
0x33: {  	p0 =	seq.s32 s10, $0x1;
	s10 =	sld [smem:$0x3FA1];
	_ =	sdelay $0x3  }
0x34: {  	[smem:$0x3FA1] =	sst s10  }
0x35: {  	s10 =	sld [smem:$0x3FA0];
	_ =	sdelay $0x3  }
0x36: {  	p1 =	seq.s32 s10, $0x1;
	s10 =	sld [smem:$0x3FA1];
	_ =	sdelay $0x3  }
0x37: {  	[smem:$0x3FA1] =	sst s10  }
0x38: {  	s10 =	sld [smem:$0x3FA2]  }
0x39: {  	_ = 	snop;
	(pc) =	sbr.ind lr, $3  }
0x3a: {  	_ = 	snop  }
0x3b: {  	_ = 	snop  }
0x3c: {  	p2 =	seq.s32 s10, $0x1;
	s10 =	sld [smem:$0x3FA1]  }
0x3d: {  	_ =	shalt  }
0x3e: {  	_ =	shalt  }
0x3f: {  	_ =	shalt  }
0x40: {  	_ =	shalt  }
0x41: {  	_ =	shalt  }
0x42: {  	_ =	shalt  }
0x43: {  	_ =	shalt  }
0x44: {  	_ =	shalt  }
0x45: {  	_ =	shalt  }
0x46: {  	_ =	shalt  }
0x47: {  	_ =	shalt  }
0x48: {  	_ =	shalt  }
0x49: {  	_ =	shalt  }
0x4a: {  	_ =	shalt  }
0x4b: {  	_ =	shalt  }
0x4c: {  	_ =	shalt  }
0x4d: {  	_ =	shalt  }
0x4e: {  	_ =	shalt  }
0x4f: {  	_ =	shalt  }
0x50: {  	_ =	shalt  }
0x51: {  	_ =	shalt  }
0x52: {  	_ =	shalt  }
0x53: {  	_ =	shalt  }
0x54: {  	_ =	shalt  }
0x55: {  	_ =	shalt  }
0x56: {  	_ =	shalt  }
0x57: {  	_ =	shalt  }
0x58: {  	_ =	shalt  }
0x59: {  	_ =	shalt  }
0x5a: {  	_ =	shalt  }
0x5b: {  	_ =	shalt  }
0x5c: {  	_ =	shalt  }
0x5d: {  	_ =	shalt  }
0x5e: {  	_ =	shalt  }
0x5f: {  	_ =	shalt  }
0x60: {  	_ =	shalt  }
0x61: {  	_ =	shalt  }
0x62: {  	_ =	shalt  }
0x63: {  	_ =	shalt  }
0x64: {  	_ =	shalt  }
0x65: {  	_ =	shalt  }
0x66: {  	_ =	shalt  }
0x67: {  	_ =	shalt  }
0x68: {  	_ =	shalt  }
0x69: {  	_ =	shalt  }
0x6a: {  	_ =	shalt  }
0x6b: {  	_ =	shalt  }
0x6c: {  	_ =	shalt  }
0x6d: {  	_ =	shalt  }
0x6e: {  	_ =	shalt  }
0x6f: {  	_ =	shalt  }
0x70: {  	_ =	shalt  }
0x71: {  	_ =	shalt  }
0x72: {  	_ =	shalt  }
0x73: {  	_ =	shalt  }
0x74: {  	_ =	shalt  }
0x75: {  	_ =	shalt  }
0x76: {  	_ =	shalt  }
0x77: {  	_ =	shalt  }
0x78: {  	_ =	shalt  }
0x79: {  	_ =	shalt  }
0x7a: {  	_ =	shalt  }
0x7b: {  	_ =	shalt  }
0x7c: {  	_ =	shalt  }
0x7d: {  	_ =	shalt  }
0x7e: {  	_ =	shalt  }
0x7f: {  	_ =	shalt  }
0x80: {  	_ =	shalt  }
0x81: {  	_ =	shalt  }
0x82: {  	_ =	shalt  }
0x83: {  	_ =	shalt  }
0x84: {  	_ =	shalt  }
0x85: {  	_ =	shalt  }
0x86: {  	_ =	shalt  }
0x87: {  	_ =	shalt  }
.Lfunc_end0:
.L_simem_size_0:
called_computation.1_lowered:
.L_overlay_start_0:
0x88: {  	s2 =	sld [smem:$0x3FD9]  }
0x89: {  	s3 =	sld [smem:$0x3FFE];
	_ =	sdelay $0x1  }
0x8a: {  	s1 =	srdreg.scid  }
0x8b: {  	s0 =	sand.u32 $0x1, s1  }
0x8c: {  	s14 =	sshll.u32 s0, $0xA;
	s2 =	sadd.s32 s3, s2  }
0x8d: {  	s2 =	sadd.s32 s2, s14  }
0x8e: {  	[smem:$0x3FAD] =	sst s2  }
0x8f: {  	_ = 	snop  }
0x90: {  	s2 =	sld [smem:$0x3FD0];
	_ =	sdelay $0x1  }
0x91: {  	s15 =	sld [smem:$0x3FC6]  }
0x92: {  	s5 =	simm.s32 $0xA;
	s6 =	simm.s32 $0x10;
	s4 =	sld [smem:$0x3FC5]  }
0x93: {  	[smem:s6], [sflag:s5] =	dma.local [hbm:s2], $0x1  }
0x94: {  	_ =	swait.eq [sflag:s5], $0x1  }
0x95: {  	[sflag:s5] =	ssyncset.done $0x0  }
0x96: {  	[sflag:s5] =	ssyncadd.s32 $0xFFFFFFFF  }
0x97: {  	s16 =	sld [smem:$0x11];
	(tm) =	ssettm $0x1  }
0x98: {  	s17 =	sld [smem:$0x3FFB];
	_ =	sdelay $0x3  }
0x99: {  	_ =	strace s17  }
0x9a: {  	s5 =	sld [smem:$0x3FFC];
	_ =	sdelay $0x3  }
0x9b: {  	_ =	strace s5  }
0x9c: {  	s5 =	sld [smem:$0x3FFD];
	_ =	sdelay $0x3  }
0x9d: {  	_ =	strace s5  }
0x9e: {  	_ =	strace $0x8FFFFFFF  }
0x9f: {  	s18 =	sld [smem:$0x3FDB];
	_ =	sdelay $0x1  }
0xa0: {  	s19 =	simm.s32 $_scs_section_size  }
0xa1: {  	s7 =	simm.s32 $_size__tile_overlayer_lowered;
	s8 =	simm.s32 $_tile_overlayer_lowered  }
0xa2: {  	s22 =	simm.s32 $0x1BFF;
	s21 =	sshll.u32 s8, $0x1;
	s5 =	sadd.s32 s19, s18  }
0xa3: {  	s9 =	simm.s32 $0x0;
	s20 =	sshll.u32 s7, $0x1;
	s7 =	sadd.s32 s21, s5  }
0xa4: {  	[timem:s9], [sflag:s22] =	dma.local [hbm:s7], s20  }
0xa5: {  	_ =	swait.ge [sflag:s22], s20  }
0xa6: {  	s6 =	ssub.s32 $0x0, s20;
	[sflag:s22] =	ssyncset.done $0x0  }
0xa7: {  	[sflag:s22] =	ssyncadd.s32 s6;
	_ =	sdelay $0x1  }
0xa8: {  	s23 =	simm.s32 $0x1B8B  }
0xa9: {  	_ =	swait.ge [sflag:s23], $0x1  }
0xaa: {  	[sflag:s23] =	ssyncset.done $0x0  }
0xab: {  	s25 =	simm.s32 $0x1B8E;
	s24 =	sld [smem:$0x3FFE];
	[sflag:s23] =	ssyncadd.s32 $0xFFFFFFFF  }
0xac: {  	s26 =	simm.s32 $execute0_lowered;
	[smem:$0x3FD2] =	sst s25  }
0xad: {  	s7 =	sshll.u32 s26, $0x1;
	_ =	strace $0x80000046;
	[dreg:$0x1] =	wrdreg $0xFFFFFFFF  }
0xae: {  	s28 =	simm.s32 $_size_execute0_lowered;
	s5 =	sadd.s32 s5, s7;
	[dreg:$0x0] =	wrdreg $0x0  }
0xaf: {  	s7 =	sshll.u32 s28, $0x1;
	[dreg:$0x2] =	wrdreg s5  }
0xb0: {  	[dreg:$0x3] =	wrdreg s7  }
0xb1: {  	[dreg:$0x4] =	wrdreg $0xC0  }
0xb2: {  	_ =	task [dreg:s9], $0x5FFFF  }
0xb3: {  	[dreg:$0x1] =	wrdreg $0xFFFFFFFF  }
0xb4: {  	[dreg:$0x0] =	wrdreg $0x60  }
0xb5: {  	[dreg:$0x2] =	wrdreg s4  }
0xb6: {  	[dreg:$0x3] =	wrdreg s15  }
0xb7: {  	[dreg:$0x4] =	wrdreg s16  }
0xb8: {  	[dreg:$0x5] =	wrdreg s24  }
0xb9: {  	[dreg:$0x6] =	wrdreg $0x0  }
0xba: {  	[dreg:$0x7] =	wrdreg $0x9  }
0xbb: {  	_ =	task.clear_ibuf [dreg:s9], $0x8FFFF;
	_ =	strace $0x90000046  }
0xbc: {  	s29 =	simm.s32 $0x9;
	_ =	strace $0x80000048  }
0xbd: {  	_ =	swait.ge [sflag:s29], $0x1  }
0xbe: {  	[sflag:s29] =	ssyncadd.s32 $0xFFFFFFFF  }
0xbf: {  	_ =	strace $0x90000048  }
0xc0: {  	_ =	sfence  }
0xc1: {  	s30 =	sld [smem:$0x0];
	_ =	sdelay $0x2  }
0xc2: {  	s31 =	sshll.u32 s1, $0xD;
	s1 =	sshrl.u32 s1, $0x2  }
0xc3: {  	s3 =	sand.u32 $0x4000, s31;
	s1 =	sadd.s32 s1, s30  }
0xc4: {  	s0 =	sor.u32 s3, s0;
	s1 =	sshll.u32 s1, $0x11  }
0xc5: {  	s0 =	sor.u32 s1, s0  }
0xc6: {  	s0 =	sadd.s32 $0x8F2B, s0  }
0xc7: {  	[sflag:s0] =	ssyncadd.remote.s32 $0x1  }
0xc8: {  	_ =	sfence.sel $0xFFFF  }
0xc9: {  	[dreg:$0x0] =	wrdreg $0xFFFFFFFF;
	(pc) =	sbr.abs _section_cstart, $3  }
0xca: {  	[dreg:$0x1] =	wrdreg $0xFFFFFFFF  }
0xcb: {  	_ =	task.clear_ibuf [dreg:s9], $0x2FFFF;
	_ =	strace $0x9FFFFFFF  }
0xcc: {  	(tm) =	ssettm $0x7FFFFFFF  }
0xcd: {  	_ =	shalt  }
tec
execute0_lowered:
.L_overlay_start_1:
0x0: {  	(tag) =	ssettag $0x1  }
0x1: {  	s6 =	rddreg [dreg:$0x0]  }
0x2: {  	s7 =	rddreg [dreg:$0x1]  }
0x3: {  	s1 =	rddreg [dreg:$0x2]  }
0x4: {  	s4 =	rddreg [dreg:$0x3]  }
0x5: {  	s2 =	rddreg [dreg:$0x4]  }
0x6: {  	s5 =	srdreg.scid;
	s9 =	stileid.u32  }
0x7: {  	s0 =	rddreg [dreg:$0x5];
	s13 =	smul.u32 $0x2710, s9  }
0x8: {  	s3 =	simm.s32 $0x0;
	s5 =	sand.u32 $0x1, s5;
	s30 =	smul.u32 $0x27100, s9  }
0x9: {  	[smem:$0x7FF] =	sst s3;
	s8 =	smul.u32 $0x1F40, s5  }
0xa: {  	p0 =	sne.s32 s9, $0x0;
	s10 =	ssub.s32 $0x2, s5;
	s11 =	smul.u32 $0x27100, s5  }
0xb: {  	s9 =	simm.s32 $0xFA0;
	s29 =	smul.u32 $0x271000, s5;
	s12 =	sshrl.u32 s10, $0x1  }
0xc: {  	_ =	strace $0x80000047;
	s4 =	sadd.s32 s8, s4;
	s28 =	ssub.s32 s10, s12  }
0xd: {  	s11 =	sadd.s32 s13, s11;
	s6 =	sadd.s32 s29, s6;
	s8 =	sshrl.u32 @!p0 s2, $0x3  }
0xe: {  	s10 =	simm.s32 $0x1;
	s12 =	simm.s32 $0x50;
	s13 =	simm.s32 $0x0  }
0xf: {  	s4 =	sadd.s32 $0xC00, s4;
	s5 =	smax.u32 s28, $0x1;
	s31 =	sshrl.u32 s11, $0x3  }
0x10: {  	s6 =	sadd.s32 s30, s6;
	s11 =	simm.s32 $0xFF0;
	s7 =	sadd.s32 s31, s7  }
.LBB2_1:
0x11: {  	s14 =	simm.s32 @!p0 $0x1C01  }
0x12: {  	[spmem:s8], [sflag:s14] =	dma.local @!p0 [hbm:s1], $0x1F40  }
0x13: {  	s14 =	simm.s32 @!p0 $0x1  }
0x14: {  	_ =	swait.ge @!p0 [sflag:s14], $0x1F40  }
0x15: {  	[sflag:s14] =	ssyncset.done @!p0 $0x0  }
0x16: {  	[sflag:s14] =	ssyncadd.s32 @!p0 $0xFFFFE0C0  }
0x17: {  	s31 =	sadd.s32 $0x0, s7;
	[bflag:$0x0] =	sbarrier.arrive $0xFFFF  }
0x18: {  	[tilespmem:s9], [sflag:$0x1] =	stream.linear.gather [hbm4b:s31+s3], $0x50, $0x38;
	[tilespmem:$0x37F0] =	vst v63  }
0x19: {  	_ =	swait.ge [sflag:s10], $0x50  }
0x1a: {  	[sflag:s10] =	ssyncset.done $0x0  }
0x1b: {  	[sflag:s10] =	ssyncadd.s32 $0xFFFFFFB0  }
0x1c: {  	[tilespmem:s11], [sflag:$0x1] =	stream.linear.gather [hbm4b:s6+s3], $0x2800, $0x38;
	[tilespmem:$0x37F0] =	vst v63  }
0x1d: {  	_ =	swait.ge [sflag:s10], $0x2800  }
0x1e: {  	[sflag:s10] =	ssyncset.done $0x0  }
0x1f: {  	[sflag:s10] =	ssyncadd.s32 $0xFFFFD800  }
0x20: {  	[spmem:s2] =	stream.indirect.scatter.add.f32 [tilespmem:s11], [sflag:$0x1], $0x80, s9, s12, $0xb8;
	[tilespmem:$0x37F0] =	vst v63  }
0x21: {  	s15 =	simm.s32 $0xA;
	_ =	swait.ge [sflag:s10], $0x2800  }
0x22: {  	s16 =	simm.s32 $0x14;
	s14 =	sadd.s32 $0x500, s6;
	[sflag:s10] =	ssyncset.done $0x0  }
.LBB2_2:
0x23: {  	s17 =	sadd.s32 s15, s7  }
0x24: {  	[sflag:s10] =	ssyncadd.s32 $0xFFFFD800;
	s15 =	smov.u32 s16;
	s18 =	sadd.s32 $0xA, s16  }
0x25: {  	[tilespmem:s9], [sflag:$0x1] =	stream.linear.gather [hbm4b:s17+s3], $0x50, $0x38;
	[tilespmem:$0x37F0] =	vst v63  }
0x26: {  	p1 =	sne.s32 s16, $0x4D8;
	_ =	swait.ge [sflag:s10], $0x50  }
0x27: {  	[sflag:s10] =	ssyncset.done $0x0  }
0x28: {  	[sflag:s10] =	ssyncadd.s32 $0xFFFFFFB0  }
0x29: {  	[tilespmem:s11], [sflag:$0x1] =	stream.linear.gather [hbm4b:s14+s3], $0x2800, $0x38;
	[tilespmem:$0x37F0] =	vst v63  }
0x2a: {  	_ =	swait.ge [sflag:s10], $0x2800  }
.Ltmp0:
0x2b: {  	[sflag:s10] =	ssyncset.done $0x0;
	(pc) =	sbr.rel @p1 .LBB2_2-.Ltmp0, $4  }
0x2c: {  	[sflag:s10] =	ssyncadd.s32 $0xFFFFD800  }
0x2d: {  	[spmem:s2] =	stream.indirect.scatter.add.f32 [tilespmem:s11], [sflag:$0x1], $0x80, s9, s12, $0xb8;
	[tilespmem:$0x37F0] =	vst v63  }
0x2e: {  	_ =	swait.ge [sflag:s10], $0x2800  }
0x2f: {  	s16 =	smov.u32 s18;
	s14 =	sadd.s32 $0x500, s14;
	[sflag:s10] =	ssyncset.done $0x0  }
0x30: {  	s15 =	sadd.s32 s15, s7;
	[sflag:s10] =	ssyncadd.s32 $0xFFFFD800  }
0x31: {  	[tilespmem:s9], [sflag:$0x1] =	stream.linear.gather [hbm4b:s15+s3], $0x50, $0x38;
	[tilespmem:$0x37F0] =	vst v63  }
0x32: {  	_ =	swait.ge [sflag:s10], $0x50  }
0x33: {  	[sflag:s10] =	ssyncset.done $0x0  }
0x34: {  	[sflag:s10] =	ssyncadd.s32 $0xFFFFFFB0  }
0x35: {  	[tilespmem:s11], [sflag:$0x1] =	stream.linear.gather [hbm4b:s14+s3], $0x2800, $0x38;
	[tilespmem:$0x37F0] =	vst v63  }
0x36: {  	_ =	swait.ge [sflag:s10], $0x2800  }
0x37: {  	[sflag:s10] =	ssyncset.done $0x0  }
0x38: {  	[sflag:s10] =	ssyncadd.s32 $0xFFFFD800  }
0x39: {  	[spmem:s2] =	stream.indirect.scatter.add.f32 [tilespmem:s11], [sflag:$0x1], $0x80, s9, s12, $0xb8;
	[tilespmem:$0x37F0] =	vst v63  }
0x3a: {  	_ =	swait.ge [sflag:s10], $0x2800  }
0x3b: {  	[sflag:s10] =	ssyncset.done $0x0  }
0x3c: {  	s13 =	sadd.s32 $0x1, s13;
	[sflag:s10] =	ssyncadd.s32 $0xFFFFD800  }
0x3d: {  	p1 =	sne.s32 s13, s5;
	s14 =	simm.s32 @!p0 $0x1C01;
	[bflag:$0x0] =	sbarrier.arrive $0xFFFF  }
0x3e: {  	[hbm:s4], [sflag:s14] =	dma.local @!p0 [spmem:s8], $0x1F40  }
.Ltmp1:
0x3f: {  	_ = 	snop;
	(pc) =	sbr.rel @p1 .LBB2_1-.Ltmp1, $4  }
0x40: {  	s14 =	simm.s32 @!p0 $0x1  }
0x41: {  	_ =	swait.ge @!p0 [sflag:s14], $0x1F40  }
0x42: {  	[sflag:s14] =	ssyncset.done @!p0 $0x0  }
0x43: {  	[sflag:s14] =	ssyncadd.s32 @!p0 $0xFFFFE0C0  }
0x44: {  	_ =	sfence.sel $0x180000  }
0x45: {  	[bflag:$0x0] =	sbarrier.arrive $0xFFFF  }
0x46: {  	_ =	strace $0x90000047  }
0x47: {  	s0 =	sadd.s32 @!p0 $0x100000, s0;
	[bflag:$0x2] =	sbarrier.arrive $0xFFFF  }
0x48: {  	[sflag:s0] =	ssyncadd.tile.s32 @!p0 $0x1;
	_ =	shalt  }
.Lfunc_end2:
_tile_overlayer_lowered:
.L_overlay_start_2:
0x49: {  	(tag) =	ssettag $0x2  }
0x4a: {  	s0 =	rddreg [dreg:$0x0];
	s2 =	stileid.u32  }
0x4b: {  	s1 =	rddreg [dreg:$0x1];
	p0 =	sne.s32 s2, $0x0  }
0x4c: {  	s3 =	rddreg [dreg:$0x2];
	[bflag:$0x3] =	sbarrier.arrive $0xFFFF;
	s2 =	simm.s32 @!p0 $0x1C01  }
0x4d: {  	[timem:s3], [sflag:s2] =	dma.local @!p0 [hbm:s0], s1  }
0x4e: {  	s0 =	simm.s32 @!p0 $0x1  }
0x4f: {  	_ =	swait.ge @!p0 [sflag:s0], s1  }
0x50: {  	s1 =	ssub.s32 @!p0 $0x0, s1;
	[sflag:s0] =	ssyncset.done @!p0 $0x0  }
0x51: {  	[sflag:s0] =	ssyncadd.s32 @!p0 s1  }
0x52: {  	[bflag:$0x3] =	sbarrier.arrive $0xFFFF  }
0x53: {  	_ =	shalt  }

</sc_bundles>
